<compile_context>
chip_gen: v7x
topology: tpu7x:2x2x1
jax: 0.10.2.dev20260603
libtpu: 0.0.44.dev20260713+nightly
codegen_flags: <defaults>
</compile_context>

<pallas_src>
import functools

import jax
import jax.numpy as jnp
import numpy as np
from jax import lax
from jax.experimental import pallas as pl
from jax.experimental.pallas import tpu as pltpu
from jax.experimental.pallas import tpu_sc as plsc

_ROWS, _COLS = 16384, 200
_TABLE = 120
_EXT = 256

_NC, _NS, _L = 2, 16, 16
_NW = _NC * _NS
_CW = _ROWS // _NW
_CH_R, _CH_C = 8, 512
_CPR = _CW // _CH_C
_NCH = (_COLS // _CH_R) * _CPR
_CH_VECS = (_CH_R * _CH_C) // _L

_FILL = np.int32(-2147483648)

_mesh = plsc.VectorSubcoreMesh(core_axis_name="c", subcore_axis_name="s")


@functools.partial(
    pl.kernel,
    mesh=_mesh,
    out_type=jax.ShapeDtypeStruct((_COLS, _ROWS), jnp.int32),
    scratch_types=[
        pltpu.VMEM((_EXT,), jnp.int32),
        pltpu.VMEM((8, _CH_R, _CH_C), jnp.int32),
        pltpu.VMEM((8, _CH_R, _CH_C), jnp.int32),
    ] + [pltpu.SemaphoreType.DMA] * 16,
    compiler_params=pltpu.CompilerParams(
        needs_layout_passes=False, use_tc_tiling_on_sc=True),
)
def _sc_gather(idx_hbm, conv_hbm, out_hbm, conv_v, idx_v, out_v, *sems):
    wid = lax.axis_index("s") * _NC + lax.axis_index("c")
    col0 = wid * _CW

    sems_i = sems[:8]
    sems_o = sems[8:]

    def hbm_slice(ref, c):
        r0 = (c // _CPR) * _CH_R
        c0 = col0 + (c % _CPR) * _CH_C
        return ref.at[pl.ds(r0, _CH_R), pl.ds(c0, _CH_C)]

    def in_copy(c, b):
        return pltpu.make_async_copy(hbm_slice(idx_hbm, c), idx_v.at[b],
                                     sems_i[b])

    def out_copy(c, b):
        return pltpu.make_async_copy(out_v.at[b], hbm_slice(out_hbm, c),
                                     sems_o[b])

    def compute(b):
        vpr = _CH_C // _L
        shift = vpr.bit_length() - 1

        @plsc.parallel_loop(0, _CH_VECS, unroll=8)
        def vec_body(i, b=b):
            r = i >> shift
            k = (i & (vpr - 1)) * _L
            v = idx_v[b, r, pl.ds(k, _L)]
            u = plsc.bitcast(v + np.int32(_TABLE), jnp.uint32)
            u = jnp.minimum(u, np.uint32(2 * _TABLE))
            g = plsc.load_gather(conv_v, [plsc.bitcast(u, jnp.int32)])
            out_v[b, r, pl.ds(k, _L)] = g

    for b in range(8):
        in_copy(b, b).start()

    pltpu.sync_copy(conv_hbm, conv_v.at[pl.ds(0, _TABLE)])
    pltpu.sync_copy(conv_hbm, conv_v.at[pl.ds(_TABLE, _TABLE)])
    conv_v[pl.ds(2 * _TABLE, _L)] = jnp.full((_L,), _FILL, jnp.int32)

    def oct_body(g, carry):
        for b in range(8):
            c = g * 8 + b
            in_copy(c, b).wait()

            @pl.when(g > 0)
            def _wait_prev_out(c=c, b=b):
                out_copy(c - 8, b).wait()

            compute(b)
            out_copy(c, b).start()

            @pl.when(c + 8 < _NCH - 1)
            def _start_next_in(c=c, b=b):
                in_copy(c + 8, b).start()
        return carry

    lax.fori_loop(0, (_NCH - 1) // 8, oct_body, 0)
    in_copy(_NCH - 1, 0).start()
    in_copy(_NCH - 1, 0).wait()
    out_copy(_NCH - 9, 0).wait()
    compute(0)
    out_copy(_NCH - 1, 0).start()
    for b in range(1, 8):
        out_copy(_NCH - 9 + b, b).wait()
    out_copy(_NCH - 1, 0).wait()


def kernel(atomic_nums, conv_tensor):
    return _sc_gather(atomic_nums.T, conv_tensor).T

# --- scband reference (transcript-rebuilt; emitter-appended) ---
"""Pipeline reference for scband-species-converter-1357209666138 (READ-ONLY COPY).

The authoritative reference and input builder live on the scoring server;
editing this copy changes nothing except your own understanding.
"""

import jax, jax.numpy as jnp
import numpy as np


def _build_conv_tensor():
    # PERIODIC_TABLE has a leading 'Dummy' entry so H is at index 1; maxidx=118 -> size 120
    species_atomic_numbers = np.array([1, 6, 7, 8], dtype=np.int32)  # H, C, N, O
    conv = np.full((120,), -1, dtype=np.int32)
    for i, z in enumerate(species_atomic_numbers):
        conv[z] = i
    return jnp.asarray(conv)


def setup_inputs() -> dict:
    # all atoms are hydrogen (atomic number 1) so every lookup is in-range/supported
    atomic_nums = jnp.ones((16384, 200), dtype=jnp.int32)
    conv_tensor = _build_conv_tensor()
    return {"atomic_nums": atomic_nums, "conv_tensor": conv_tensor}


def reference(atomic_nums, conv_tensor):
    # elem_idxs = self.conv_tensor[atomic_nums]
    elem_idxs = jnp.take(conv_tensor, atomic_nums, axis=0)
    # validity check (no -1 among non-padding atoms) is a host-side assertion in torch;
    # inputs are constructed to always pass it, so the gather is the full computation.
    return elem_idxs

if __name__ == "__main__":
    import jax
    _d = setup_inputs()
    print(jax.jit(kernel)(*tuple(_d.values())))

</pallas_src>

<mosaic_0001>
#map = affine_map<(d0, d1) -> (0, 0)>
#map1 = affine_map<(d0, d1) -> (0)>
module attributes {stable_mosaic.version = 14 : i64} {
  func.func @_sc_gather(%arg0: i32, %arg1: i32, %arg2: memref<200x16384xi32, #tpu.memory_space<hbm>>, %arg3: memref<120xi32, #tpu.memory_space<hbm>>, %arg4: memref<200x16384xi32, #tpu.memory_space<hbm>>, %arg5: memref<256xi32, #tpu.memory_space<vmem>>, %arg6: memref<8x8x512xi32, #tpu.memory_space<vmem>>, %arg7: memref<8x8x512xi32, #tpu.memory_space<vmem>>, %arg8: memref<!tpu.dma_semaphore, #tpu.memory_space<semaphore_mem>>, %arg9: memref<!tpu.dma_semaphore, #tpu.memory_space<semaphore_mem>>, %arg10: memref<!tpu.dma_semaphore, #tpu.memory_space<semaphore_mem>>, %arg11: memref<!tpu.dma_semaphore, #tpu.memory_space<semaphore_mem>>, %arg12: memref<!tpu.dma_semaphore, #tpu.memory_space<semaphore_mem>>, %arg13: memref<!tpu.dma_semaphore, #tpu.memory_space<semaphore_mem>>, %arg14: memref<!tpu.dma_semaphore, #tpu.memory_space<semaphore_mem>>, %arg15: memref<!tpu.dma_semaphore, #tpu.memory_space<semaphore_mem>>, %arg16: memref<!tpu.dma_semaphore, #tpu.memory_space<semaphore_mem>>, %arg17: memref<!tpu.dma_semaphore, #tpu.memory_space<semaphore_mem>>, %arg18: memref<!tpu.dma_semaphore, #tpu.memory_space<semaphore_mem>>, %arg19: memref<!tpu.dma_semaphore, #tpu.memory_space<semaphore_mem>>, %arg20: memref<!tpu.dma_semaphore, #tpu.memory_space<semaphore_mem>>, %arg21: memref<!tpu.dma_semaphore, #tpu.memory_space<semaphore_mem>>, %arg22: memref<!tpu.dma_semaphore, #tpu.memory_space<semaphore_mem>>, %arg23: memref<!tpu.dma_semaphore, #tpu.memory_space<semaphore_mem>>) attributes {dimension_semantics = [#tpu.dimension_semantics<core_parallel>, #tpu.dimension_semantics<subcore_parallel>], iteration_bounds = array<i64: 2, 16>, scalar_prefetch = 0 : i64, scratch_operands = 19 : i64, tpu.core_type = #tpu.core_type<sc_vector_subcore>, window_params = [{transform_indices = #map}, {transform_indices = #map1}, {transform_indices = #map}]} {
    %mul3A = arith.constant 2 : i32
    %mul3A_0 = arith.muli %arg1, %mul3A : i32
    %add3A = arith.addi %mul3A_0, %arg0 : i32
    %mul3A_1 = arith.constant 512 : i32
    %mul3A_2 = arith.muli %add3A, %mul3A_1 : i32
    %add3A_3 = arith.constant 0 : i32
    %add3A_4 = arith.addi %mul3A_2, %add3A_3 : i32
    %dma_start3A = arith.constant 0 : i32
    %dma_start3A_5 = arith.constant 0 : i32
    %dma_start3A_6 = arith.constant 0 : i32
    %dma_start3A_7 = tpu.memref_slice %arg6[%dma_start3A, %dma_start3A_5, %dma_start3A_6] : memref<8x8x512xi32, #tpu.memory_space<vmem>> -> memref<1x8x512xi32, #tpu.memory_space<vmem>>
    %dma_start3A_8 = tpu.memref_squeeze %dma_start3A_7 : memref<1x8x512xi32, #tpu.memory_space<vmem>> -> memref<8x512xi32, #tpu.memory_space<vmem>>
    %dma_start3A_9 = arith.constant 0 : i32
    %dma_start3A_10 = tpu.memref_slice %arg2[%dma_start3A_9, %add3A_4] : memref<200x16384xi32, #tpu.memory_space<hbm>> -> memref<8x512xi32, #tpu.memory_space<hbm>>
    %dma_start3A_11 = arith.constant 0 : i32
    %dma_start3A_12 = arith.constant 0 : i32
    %dma_start3A_13 = tpu.memref_slice %arg6[%dma_start3A, %dma_start3A_11, %dma_start3A_12] : memref<8x8x512xi32, #tpu.memory_space<vmem>> -> memref<1x8x512xi32, #tpu.memory_space<vmem>>
    %dma_start3A_14 = tpu.memref_squeeze %dma_start3A_13 : memref<1x8x512xi32, #tpu.memory_space<vmem>> -> memref<8x512xi32, #tpu.memory_space<vmem>>
    %dma_start3A_15 = arith.constant 0 : i32
    %dma_start3A_16 = tpu.memref_slice %arg2[%dma_start3A_15, %add3A_4] : memref<200x16384xi32, #tpu.memory_space<hbm>> -> memref<8x512xi32, #tpu.memory_space<hbm>>
    tpu.enqueue_dma source(%dma_start3A_16 : memref<8x512xi32, #tpu.memory_space<hbm>>) target(%dma_start3A_14 : memref<8x512xi32, #tpu.memory_space<vmem>>) target_semaphore(%arg8 : memref<!tpu.dma_semaphore, #tpu.memory_space<semaphore_mem>>)
    %add3A_17 = arith.constant 0 : i32
    %add3A_18 = arith.addi %mul3A_2, %add3A_17 : i32
    %dma_start3A_19 = arith.constant 1 : i32
    %dma_start3A_20 = arith.constant 0 : i32
    %dma_start3A_21 = arith.constant 0 : i32
    %dma_start3A_22 = tpu.memref_slice %arg6[%dma_start3A_19, %dma_start3A_20, %dma_start3A_21] : memref<8x8x512xi32, #tpu.memory_space<vmem>> -> memref<1x8x512xi32, #tpu.memory_space<vmem>>
    %dma_start3A_23 = tpu.memref_squeeze %dma_start3A_22 : memref<1x8x512xi32, #tpu.memory_space<vmem>> -> memref<8x512xi32, #tpu.memory_space<vmem>>
    %dma_start3A_24 = arith.constant 8 : i32
    %dma_start3A_25 = tpu.memref_slice %arg2[%dma_start3A_24, %add3A_18] : memref<200x16384xi32, #tpu.memory_space<hbm>> -> memref<8x512xi32, #tpu.memory_space<hbm>>
    %dma_start3A_26 = arith.constant 0 : i32
    %dma_start3A_27 = arith.constant 0 : i32
    %dma_start3A_28 = tpu.memref_slice %arg6[%dma_start3A_19, %dma_start3A_26, %dma_start3A_27] : memref<8x8x512xi32, #tpu.memory_space<vmem>> -> memref<1x8x512xi32, #tpu.memory_space<vmem>>
    %dma_start3A_29 = tpu.memref_squeeze %dma_start3A_28 : memref<1x8x512xi32, #tpu.memory_space<vmem>> -> memref<8x512xi32, #tpu.memory_space<vmem>>
    %dma_start3A_30 = arith.constant 8 : i32
    %dma_start3A_31 = tpu.memref_slice %arg2[%dma_start3A_30, %add3A_18] : memref<200x16384xi32, #tpu.memory_space<hbm>> -> memref<8x512xi32, #tpu.memory_space<hbm>>
    tpu.enqueue_dma source(%dma_start3A_31 : memref<8x512xi32, #tpu.memory_space<hbm>>) target(%dma_start3A_29 : memref<8x512xi32, #tpu.memory_space<vmem>>) target_semaphore(%arg9 : memref<!tpu.dma_semaphore, #tpu.memory_space<semaphore_mem>>)
    %add3A_32 = arith.constant 0 : i32
    %add3A_33 = arith.addi %mul3A_2, %add3A_32 : i32
    %dma_start3A_34 = arith.constant 2 : i32
    %dma_start3A_35 = arith.constant 0 : i32
    %dma_start3A_36 = arith.constant 0 : i32
    %dma_start3A_37 = tpu.memref_slice %arg6[%dma_start3A_34, %dma_start3A_35, %dma_start3A_36] : memref<8x8x512xi32, #tpu.memory_space<vmem>> -> memref<1x8x512xi32, #tpu.memory_space<vmem>>
    %dma_start3A_38 = tpu.memref_squeeze %dma_start3A_37 : memref<1x8x512xi32, #tpu.memory_space<vmem>> -> memref<8x512xi32, #tpu.memory_space<vmem>>
    %dma_start3A_39 = arith.constant 16 : i32
    %dma_start3A_40 = tpu.memref_slice %arg2[%dma_start3A_39, %add3A_33] : memref<200x16384xi32, #tpu.memory_space<hbm>> -> memref<8x512xi32, #tpu.memory_space<hbm>>
    %dma_start3A_41 = arith.constant 0 : i32
    %dma_start3A_42 = arith.constant 0 : i32
    %dma_start3A_43 = tpu.memref_slice %arg6[%dma_start3A_34, %dma_start3A_41, %dma_start3A_42] : memref<8x8x512xi32, #tpu.memory_space<vmem>> -> memref<1x8x512xi32, #tpu.memory_space<vmem>>
    %dma_start3A_44 = tpu.memref_squeeze %dma_start3A_43 : memref<1x8x512xi32, #tpu.memory_space<vmem>> -> memref<8x512xi32, #tpu.memory_space<vmem>>
    %dma_start3A_45 = arith.constant 16 : i32
    %dma_start3A_46 = tpu.memref_slice %arg2[%dma_start3A_45, %add3A_33] : memref<200x16384xi32, #tpu.memory_space<hbm>> -> memref<8x512xi32, #tpu.memory_space<hbm>>
    tpu.enqueue_dma source(%dma_start3A_46 : memref<8x512xi32, #tpu.memory_space<hbm>>) target(%dma_start3A_44 : memref<8x512xi32, #tpu.memory_space<vmem>>) target_semaphore(%arg10 : memref<!tpu.dma_semaphore, #tpu.memory_space<semaphore_mem>>)
    %add3A_47 = arith.constant 0 : i32
    %add3A_48 = arith.addi %mul3A_2, %add3A_47 : i32
    %dma_start3A_49 = arith.constant 3 : i32
    %dma_start3A_50 = arith.constant 0 : i32
    %dma_start3A_51 = arith.constant 0 : i32
    %dma_start3A_52 = tpu.memref_slice %arg6[%dma_start3A_49, %dma_start3A_50, %dma_start3A_51] : memref<8x8x512xi32, #tpu.memory_space<vmem>> -> memref<1x8x512xi32, #tpu.memory_space<vmem>>
    %dma_start3A_53 = tpu.memref_squeeze %dma_start3A_52 : memref<1x8x512xi32, #tpu.memory_space<vmem>> -> memref<8x512xi32, #tpu.memory_space<vmem>>
    %dma_start3A_54 = arith.constant 24 : i32
    %dma_start3A_55 = tpu.memref_slice %arg2[%dma_start3A_54, %add3A_48] : memref<200x16384xi32, #tpu.memory_space<hbm>> -> memref<8x512xi32, #tpu.memory_space<hbm>>
    %dma_start3A_56 = arith.constant 0 : i32
    %dma_start3A_57 = arith.constant 0 : i32
    %dma_start3A_58 = tpu.memref_slice %arg6[%dma_start3A_49, %dma_start3A_56, %dma_start3A_57] : memref<8x8x512xi32, #tpu.memory_space<vmem>> -> memref<1x8x512xi32, #tpu.memory_space<vmem>>
    %dma_start3A_59 = tpu.memref_squeeze %dma_start3A_58 : memref<1x8x512xi32, #tpu.memory_space<vmem>> -> memref<8x512xi32, #tpu.memory_space<vmem>>
    %dma_start3A_60 = arith.constant 24 : i32
    %dma_start3A_61 = tpu.memref_slice %arg2[%dma_start3A_60, %add3A_48] : memref<200x16384xi32, #tpu.memory_space<hbm>> -> memref<8x512xi32, #tpu.memory_space<hbm>>
    tpu.enqueue_dma source(%dma_start3A_61 : memref<8x512xi32, #tpu.memory_space<hbm>>) target(%dma_start3A_59 : memref<8x512xi32, #tpu.memory_space<vmem>>) target_semaphore(%arg11 : memref<!tpu.dma_semaphore, #tpu.memory_space<semaphore_mem>>)
    %add3A_62 = arith.constant 0 : i32
    %add3A_63 = arith.addi %mul3A_2, %add3A_62 : i32
    %dma_start3A_64 = arith.constant 4 : i32
    %dma_start3A_65 = arith.constant 0 : i32
    %dma_start3A_66 = arith.constant 0 : i32
    %dma_start3A_67 = tpu.memref_slice %arg6[%dma_start3A_64, %dma_start3A_65, %dma_start3A_66] : memref<8x8x512xi32, #tpu.memory_space<vmem>> -> memref<1x8x512xi32, #tpu.memory_space<vmem>>
    %dma_start3A_68 = tpu.memref_squeeze %dma_start3A_67 : memref<1x8x512xi32, #tpu.memory_space<vmem>> -> memref<8x512xi32, #tpu.memory_space<vmem>>
    %dma_start3A_69 = arith.constant 32 : i32
    %dma_start3A_70 = tpu.memref_slice %arg2[%dma_start3A_69, %add3A_63] : memref<200x16384xi32, #tpu.memory_space<hbm>> -> memref<8x512xi32, #tpu.memory_space<hbm>>
    %dma_start3A_71 = arith.constant 0 : i32
    %dma_start3A_72 = arith.constant 0 : i32
    %dma_start3A_73 = tpu.memref_slice %arg6[%dma_start3A_64, %dma_start3A_71, %dma_start3A_72] : memref<8x8x512xi32, #tpu.memory_space<vmem>> -> memref<1x8x512xi32, #tpu.memory_space<vmem>>
    %dma_start3A_74 = tpu.memref_squeeze %dma_start3A_73 : memref<1x8x512xi32, #tpu.memory_space<vmem>> -> memref<8x512xi32, #tpu.memory_space<vmem>>
    %dma_start3A_75 = arith.constant 32 : i32
    %dma_start3A_76 = tpu.memref_slice %arg2[%dma_start3A_75, %add3A_63] : memref<200x16384xi32, #tpu.memory_space<hbm>> -> memref<8x512xi32, #tpu.memory_space<hbm>>
    tpu.enqueue_dma source(%dma_start3A_76 : memref<8x512xi32, #tpu.memory_space<hbm>>) target(%dma_start3A_74 : memref<8x512xi32, #tpu.memory_space<vmem>>) target_semaphore(%arg12 : memref<!tpu.dma_semaphore, #tpu.memory_space<semaphore_mem>>)
    %add3A_77 = arith.constant 0 : i32
    %add3A_78 = arith.addi %mul3A_2, %add3A_77 : i32
    %dma_start3A_79 = arith.constant 5 : i32
    %dma_start3A_80 = arith.constant 0 : i32
    %dma_start3A_81 = arith.constant 0 : i32
    %dma_start3A_82 = tpu.memref_slice %arg6[%dma_start3A_79, %dma_start3A_80, %dma_start3A_81] : memref<8x8x512xi32, #tpu.memory_space<vmem>> -> memref<1x8x512xi32, #tpu.memory_space<vmem>>
    %dma_start3A_83 = tpu.memref_squeeze %dma_start3A_82 : memref<1x8x512xi32, #tpu.memory_space<vmem>> -> memref<8x512xi32, #tpu.memory_space<vmem>>
    %dma_start3A_84 = arith.constant 40 : i32
    %dma_start3A_85 = tpu.memref_slice %arg2[%dma_start3A_84, %add3A_78] : memref<200x16384xi32, #tpu.memory_space<hbm>> -> memref<8x512xi32, #tpu.memory_space<hbm>>
    %dma_start3A_86 = arith.constant 0 : i32
    %dma_start3A_87 = arith.constant 0 : i32
    %dma_start3A_88 = tpu.memref_slice %arg6[%dma_start3A_79, %dma_start3A_86, %dma_start3A_87] : memref<8x8x512xi32, #tpu.memory_space<vmem>> -> memref<1x8x512xi32, #tpu.memory_space<vmem>>
    %dma_start3A_89 = tpu.memref_squeeze %dma_start3A_88 : memref<1x8x512xi32, #tpu.memory_space<vmem>> -> memref<8x512xi32, #tpu.memory_space<vmem>>
    %dma_start3A_90 = arith.constant 40 : i32
    %dma_start3A_91 = tpu.memref_slice %arg2[%dma_start3A_90, %add3A_78] : memref<200x16384xi32, #tpu.memory_space<hbm>> -> memref<8x512xi32, #tpu.memory_space<hbm>>
    tpu.enqueue_dma source(%dma_start3A_91 : memref<8x512xi32, #tpu.memory_space<hbm>>) target(%dma_start3A_89 : memref<8x512xi32, #tpu.memory_space<vmem>>) target_semaphore(%arg13 : memref<!tpu.dma_semaphore, #tpu.memory_space<semaphore_mem>>)
    %add3A_92 = arith.constant 0 : i32
    %add3A_93 = arith.addi %mul3A_2, %add3A_92 : i32
    %dma_start3A_94 = arith.constant 6 : i32
    %dma_start3A_95 = arith.constant 0 : i32
    %dma_start3A_96 = arith.constant 0 : i32
    %dma_start3A_97 = tpu.memref_slice %arg6[%dma_start3A_94, %dma_start3A_95, %dma_start3A_96] : memref<8x8x512xi32, #tpu.memory_space<vmem>> -> memref<1x8x512xi32, #tpu.memory_space<vmem>>
    %dma_start3A_98 = tpu.memref_squeeze %dma_start3A_97 : memref<1x8x512xi32, #tpu.memory_space<vmem>> -> memref<8x512xi32, #tpu.memory_space<vmem>>
    %dma_start3A_99 = arith.constant 48 : i32
    %dma_start3A_100 = tpu.memref_slice %arg2[%dma_start3A_99, %add3A_93] : memref<200x16384xi32, #tpu.memory_space<hbm>> -> memref<8x512xi32, #tpu.memory_space<hbm>>
    %dma_start3A_101 = arith.constant 0 : i32
    %dma_start3A_102 = arith.constant 0 : i32
    %dma_start3A_103 = tpu.memref_slice %arg6[%dma_start3A_94, %dma_start3A_101, %dma_start3A_102] : memref<8x8x512xi32, #tpu.memory_space<vmem>> -> memref<1x8x512xi32, #tpu.memory_space<vmem>>
    %dma_start3A_104 = tpu.memref_squeeze %dma_start3A_103 : memref<1x8x512xi32, #tpu.memory_space<vmem>> -> memref<8x512xi32, #tpu.memory_space<vmem>>
    %dma_start3A_105 = arith.constant 48 : i32
    %dma_start3A_106 = tpu.memref_slice %arg2[%dma_start3A_105, %add3A_93] : memref<200x16384xi32, #tpu.memory_space<hbm>> -> memref<8x512xi32, #tpu.memory_space<hbm>>
    tpu.enqueue_dma source(%dma_start3A_106 : memref<8x512xi32, #tpu.memory_space<hbm>>) target(%dma_start3A_104 : memref<8x512xi32, #tpu.memory_space<vmem>>) target_semaphore(%arg14 : memref<!tpu.dma_semaphore, #tpu.memory_space<semaphore_mem>>)
    %add3A_107 = arith.constant 0 : i32
    %add3A_108 = arith.addi %mul3A_2, %add3A_107 : i32
    %dma_start3A_109 = arith.constant 7 : i32
    %dma_start3A_110 = arith.constant 0 : i32
    %dma_start3A_111 = arith.constant 0 : i32
    %dma_start3A_112 = tpu.memref_slice %arg6[%dma_start3A_109, %dma_start3A_110, %dma_start3A_111] : memref<8x8x512xi32, #tpu.memory_space<vmem>> -> memref<1x8x512xi32, #tpu.memory_space<vmem>>
    %dma_start3A_113 = tpu.memref_squeeze %dma_start3A_112 : memref<1x8x512xi32, #tpu.memory_space<vmem>> -> memref<8x512xi32, #tpu.memory_space<vmem>>
    %dma_start3A_114 = arith.constant 56 : i32
    %dma_start3A_115 = tpu.memref_slice %arg2[%dma_start3A_114, %add3A_108] : memref<200x16384xi32, #tpu.memory_space<hbm>> -> memref<8x512xi32, #tpu.memory_space<hbm>>
    %dma_start3A_116 = arith.constant 0 : i32
    %dma_start3A_117 = arith.constant 0 : i32
    %dma_start3A_118 = tpu.memref_slice %arg6[%dma_start3A_109, %dma_start3A_116, %dma_start3A_117] : memref<8x8x512xi32, #tpu.memory_space<vmem>> -> memref<1x8x512xi32, #tpu.memory_space<vmem>>
    %dma_start3A_119 = tpu.memref_squeeze %dma_start3A_118 : memref<1x8x512xi32, #tpu.memory_space<vmem>> -> memref<8x512xi32, #tpu.memory_space<vmem>>
    %dma_start3A_120 = arith.constant 56 : i32
    %dma_start3A_121 = tpu.memref_slice %arg2[%dma_start3A_120, %add3A_108] : memref<200x16384xi32, #tpu.memory_space<hbm>> -> memref<8x512xi32, #tpu.memory_space<hbm>>
    tpu.enqueue_dma source(%dma_start3A_121 : memref<8x512xi32, #tpu.memory_space<hbm>>) target(%dma_start3A_119 : memref<8x512xi32, #tpu.memory_space<vmem>>) target_semaphore(%arg15 : memref<!tpu.dma_semaphore, #tpu.memory_space<semaphore_mem>>)
    "tpu.region"() ({
      %run_scoped3A = tpu.sem_alloc : memref<!tpu.dma_semaphore, #tpu.memory_space<semaphore_mem>>
      %dma_start3A_310 = arith.constant 0 : i32
      %dma_start3A_311 = tpu.memref_slice %arg5[%dma_start3A_310] : memref<256xi32, #tpu.memory_space<vmem>> -> memref<120xi32, #tpu.memory_space<vmem>>
      %dma_start3A_312 = arith.constant 0 : i32
      %dma_start3A_313 = tpu.memref_slice %arg5[%dma_start3A_312] : memref<256xi32, #tpu.memory_space<vmem>> -> memref<120xi32, #tpu.memory_space<vmem>>
      tpu.enqueue_dma source(%arg3 : memref<120xi32, #tpu.memory_space<hbm>>) target(%dma_start3A_313 : memref<120xi32, #tpu.memory_space<vmem>>) target_semaphore(%run_scoped3A : memref<!tpu.dma_semaphore, #tpu.memory_space<semaphore_mem>>)
      %dma_wait3A_314 = arith.constant 0 : i32
      %dma_wait3A_315 = tpu.memref_slice %arg5[%dma_wait3A_314] : memref<256xi32, #tpu.memory_space<vmem>> -> memref<120xi32, #tpu.memory_space<vmem>>
      %dma_wait3A_316 = arith.constant 0 : i32
      %dma_wait3A_317 = tpu.memref_slice %arg5[%dma_wait3A_316] : memref<256xi32, #tpu.memory_space<vmem>> -> memref<120xi32, #tpu.memory_space<vmem>>
      tpu.wait_dma2 semaphore(%run_scoped3A : memref<!tpu.dma_semaphore, #tpu.memory_space<semaphore_mem>>) src(%arg3 : memref<120xi32, #tpu.memory_space<hbm>>) dst(%dma_wait3A_317 : memref<120xi32, #tpu.memory_space<vmem>>)
      tpu.yield
    }) : () -> ()
    "tpu.region"() ({
      %run_scoped3A = tpu.sem_alloc : memref<!tpu.dma_semaphore, #tpu.memory_space<semaphore_mem>>
      %dma_start3A_310 = arith.constant 120 : i32
      %dma_start3A_311 = tpu.memref_slice %arg5[%dma_start3A_310] : memref<256xi32, #tpu.memory_space<vmem>> -> memref<120xi32, #tpu.memory_space<vmem>>
      %dma_start3A_312 = arith.constant 120 : i32
      %dma_start3A_313 = tpu.memref_slice %arg5[%dma_start3A_312] : memref<256xi32, #tpu.memory_space<vmem>> -> memref<120xi32, #tpu.memory_space<vmem>>
      tpu.enqueue_dma source(%arg3 : memref<120xi32, #tpu.memory_space<hbm>>) target(%dma_start3A_313 : memref<120xi32, #tpu.memory_space<vmem>>) target_semaphore(%run_scoped3A : memref<!tpu.dma_semaphore, #tpu.memory_space<semaphore_mem>>)
      %dma_wait3A_314 = arith.constant 120 : i32
      %dma_wait3A_315 = tpu.memref_slice %arg5[%dma_wait3A_314] : memref<256xi32, #tpu.memory_space<vmem>> -> memref<120xi32, #tpu.memory_space<vmem>>
      %dma_wait3A_316 = arith.constant 120 : i32
      %dma_wait3A_317 = tpu.memref_slice %arg5[%dma_wait3A_316] : memref<256xi32, #tpu.memory_space<vmem>> -> memref<120xi32, #tpu.memory_space<vmem>>
      tpu.wait_dma2 semaphore(%run_scoped3A : memref<!tpu.dma_semaphore, #tpu.memory_space<semaphore_mem>>) src(%arg3 : memref<120xi32, #tpu.memory_space<hbm>>) dst(%dma_wait3A_317 : memref<120xi32, #tpu.memory_space<vmem>>)
      tpu.yield
    }) : () -> ()
    %broadcast_in_dim3A = arith.constant -2147483648 : i32
    %broadcast_in_dim3A_122 = vector.broadcast %broadcast_in_dim3A : i32 to vector<16xi32>
    %swap3A = arith.constant 240 : index
    %swap3A_123 = tpu.vector_load %arg5[%swap3A] {strides = array<i32>} : memref<256xi32, #tpu.memory_space<vmem>>, vector<16xi32>,
    tpu.vector_store %arg5[%swap3A], %broadcast_in_dim3A_122 {strides = array<i32>} : memref<256xi32, #tpu.memory_space<vmem>>, vector<16xi32>,
    %scan3A = arith.constant 0 : i32
    %scan3A_124 = arith.constant 0 : i32
    %scan3A_125 = arith.constant 3 : i32
    %scan3A_126 = arith.addi %scan3A_124, %scan3A_125 : i32
    %scan3A_127 = arith.constant 1 : i32
    scf.for %scan3A_310 = %scan3A_124 to %scan3A_126 step %scan3A_127  : i32 {
      %mul3A_311 = arith.constant 8 : i32
      %mul3A_312 = arith.muli %scan3A_310, %mul3A_311 : i32
      %add3A_313 = arith.constant 0 : i32
      %add3A_314 = arith.addi %mul3A_312, %add3A_313 : i32
      %jit3A = arith.constant 1 : i32
      %div3A = arith.divsi %add3A_314, %jit3A : i32
      %sign3A = arith.constant 0 : i32
      %sign3A_315 = arith.cmpi sgt, %add3A_314, %sign3A : i32
      %sign3A_316 = arith.extui %sign3A_315 : i1 to i32
      %sign3A_317 = arith.constant 0 : i32
      %sign3A_318 = arith.cmpi slt, %add3A_314, %sign3A_317 : i32
      %sign3A_319 = arith.extui %sign3A_318 : i1 to i32
      %sign3A_320 = arith.subi %sign3A_316, %sign3A_319 : i32
      %sign3A_321 = arith.constant 0 : i32
      %sign3A_322 = arith.cmpi sgt, %jit3A, %sign3A_321 : i32
      %sign3A_323 = arith.extui %sign3A_322 : i1 to i32
      %sign3A_324 = arith.constant 0 : i32
      %sign3A_325 = arith.cmpi slt, %jit3A, %sign3A_324 : i32
      %sign3A_326 = arith.extui %sign3A_325 : i1 to i32
      %sign3A_327 = arith.subi %sign3A_323, %sign3A_326 : i32
      %ne3A = arith.cmpi ne, %sign3A_320, %sign3A_327 : i32
      %rem3A = arith.remsi %add3A_314, %jit3A : i32
      %ne3A_328 = arith.constant 0 : i32
      %ne3A_329 = arith.cmpi ne, %rem3A, %ne3A_328 : i32
      %and3A = arith.andi %ne3A, %ne3A_329 : i1
      %sub3A = arith.constant 1 : i32
      %sub3A_330 = arith.subi %div3A, %sub3A : i32
      %select_n3A = arith.select %and3A, %sub3A_330, %div3A : i32
      %mul3A_331 = arith.constant 8 : i32
      %mul3A_332 = arith.muli %select_n3A, %mul3A_331 : i32
      %jit3A_333 = arith.constant 1 : i32
      %eq3A = arith.constant 0 : i32
      %eq3A_334 = arith.cmpi eq, %jit3A_333, %eq3A : i32
      %jit3A_335 = arith.constant 1 : i32
      %select_n3A_336 = arith.select %eq3A_334, %jit3A_335, %jit3A_333 : i32
      %rem3A_337 = arith.remsi %add3A_314, %select_n3A_336 : i32
      %ne3A_338 = arith.constant 0 : i32
      %ne3A_339 = arith.cmpi ne, %rem3A_337, %ne3A_338 : i32
      %lt3A = arith.constant 0 : i32
      %lt3A_340 = arith.cmpi slt, %rem3A_337, %lt3A : i32
      %lt3A_341 = arith.constant 0 : i32
      %lt3A_342 = arith.cmpi slt, %select_n3A_336, %lt3A_341 : i32
      %ne3A_343 = arith.xori %lt3A_340, %lt3A_342 : i1
      %and3A_344 = arith.andi %ne3A_343, %ne3A_339 : i1
      %add3A_345 = arith.addi %rem3A_337, %select_n3A_336 : i32
      %select_n3A_346 = arith.select %and3A_344, %add3A_345, %rem3A_337 : i32
      %mul3A_347 = arith.constant 512 : i32
      %mul3A_348 = arith.muli %select_n3A_346, %mul3A_347 : i32
      %add3A_349 = arith.addi %mul3A_2, %mul3A_348 : i32
      %dma_wait3A_350 = arith.constant 0 : i32
      %dma_wait3A_351 = arith.constant 0 : i32
      %dma_wait3A_352 = arith.constant 0 : i32
      %dma_wait3A_353 = tpu.memref_slice %arg6[%dma_wait3A_350, %dma_wait3A_351, %dma_wait3A_352] : memref<8x8x512xi32, #tpu.memory_space<vmem>> -> memref<1x8x512xi32, #tpu.memory_space<vmem>>
      %dma_wait3A_354 = tpu.memref_squeeze %dma_wait3A_353 : memref<1x8x512xi32, #tpu.memory_space<vmem>> -> memref<8x512xi32, #tpu.memory_space<vmem>>
      %dma_wait3A_355 = tpu.memref_slice %arg2[%mul3A_332, %add3A_349] : memref<200x16384xi32, #tpu.memory_space<hbm>> -> memref<8x512xi32, #tpu.memory_space<hbm>>
      %dma_wait3A_356 = arith.constant 0 : i32
      %dma_wait3A_357 = arith.constant 0 : i32
      %dma_wait3A_358 = tpu.memref_slice %arg6[%dma_wait3A_350, %dma_wait3A_356, %dma_wait3A_357] : memref<8x8x512xi32, #tpu.memory_space<vmem>> -> memref<1x8x512xi32, #tpu.memory_space<vmem>>
      %dma_wait3A_359 = tpu.memref_squeeze %dma_wait3A_358 : memref<1x8x512xi32, #tpu.memory_space<vmem>> -> memref<8x512xi32, #tpu.memory_space<vmem>>
      %dma_wait3A_360 = tpu.memref_slice %arg2[%mul3A_332, %add3A_349] : memref<200x16384xi32, #tpu.memory_space<hbm>> -> memref<8x512xi32, #tpu.memory_space<hbm>>
      tpu.wait_dma2 semaphore(%arg8 : memref<!tpu.dma_semaphore, #tpu.memory_space<semaphore_mem>>) src(%dma_wait3A_360 : memref<8x512xi32, #tpu.memory_space<hbm>>) dst(%dma_wait3A_359 : memref<8x512xi32, #tpu.memory_space<vmem>>)
      %gt3A = arith.constant 0 : i32
      %gt3A_361 = arith.cmpi sgt, %scan3A_310, %gt3A : i32
      %convert_element_type3A = arith.extui %gt3A_361 : i1 to i32
      %cond3A = arith.constant 0 : i32
      %cond3A_362 = arith.cmpi ne, %convert_element_type3A, %cond3A : i32
      scf.if %cond3A_362 {
        %sub3A_1346 = arith.constant 8 : i32
        %sub3A_1347 = arith.subi %add3A_314, %sub3A_1346 : i32
        %jit3A_1348 = arith.constant 1 : i32
        %div3A_1349 = arith.divsi %sub3A_1347, %jit3A_1348 : i32
        %sign3A_1350 = arith.constant 0 : i32
        %sign3A_1351 = arith.cmpi sgt, %sub3A_1347, %sign3A_1350 : i32
        %sign3A_1352 = arith.extui %sign3A_1351 : i1 to i32
        %sign3A_1353 = arith.constant 0 : i32
        %sign3A_1354 = arith.cmpi slt, %sub3A_1347, %sign3A_1353 : i32
        %sign3A_1355 = arith.extui %sign3A_1354 : i1 to i32
        %sign3A_1356 = arith.subi %sign3A_1352, %sign3A_1355 : i32
        %sign3A_1357 = arith.constant 0 : i32
        %sign3A_1358 = arith.cmpi sgt, %jit3A_1348, %sign3A_1357 : i32
        %sign3A_1359 = arith.extui %sign3A_1358 : i1 to i32
        %sign3A_1360 = arith.constant 0 : i32
        %sign3A_1361 = arith.cmpi slt, %jit3A_1348, %sign3A_1360 : i32
        %sign3A_1362 = arith.extui %sign3A_1361 : i1 to i32
        %sign3A_1363 = arith.subi %sign3A_1359, %sign3A_1362 : i32
        %ne3A_1364 = arith.cmpi ne, %sign3A_1356, %sign3A_1363 : i32
        %rem3A_1365 = arith.remsi %sub3A_1347, %jit3A_1348 : i32
        %ne3A_1366 = arith.constant 0 : i32
        %ne3A_1367 = arith.cmpi ne, %rem3A_1365, %ne3A_1366 : i32
        %and3A_1368 = arith.andi %ne3A_1364, %ne3A_1367 : i1
        %sub3A_1369 = arith.constant 1 : i32
        %sub3A_1370 = arith.subi %div3A_1349, %sub3A_1369 : i32
        %select_n3A_1371 = arith.select %and3A_1368, %sub3A_1370, %div3A_1349 : i32
        %mul3A_1372 = arith.constant 8 : i32
        %mul3A_1373 = arith.muli %select_n3A_1371, %mul3A_1372 : i32
        %jit3A_1374 = arith.constant 1 : i32
        %eq3A_1375 = arith.constant 0 : i32
        %eq3A_1376 = arith.cmpi eq, %jit3A_1374, %eq3A_1375 : i32
        %jit3A_1377 = arith.constant 1 : i32
        %select_n3A_1378 = arith.select %eq3A_1376, %jit3A_1377, %jit3A_1374 : i32
        %rem3A_1379 = arith.remsi %sub3A_1347, %select_n3A_1378 : i32
        %ne3A_1380 = arith.constant 0 : i32
        %ne3A_1381 = arith.cmpi ne, %rem3A_1379, %ne3A_1380 : i32
        %lt3A_1382 = arith.constant 0 : i32
        %lt3A_1383 = arith.cmpi slt, %rem3A_1379, %lt3A_1382 : i32
        %lt3A_1384 = arith.constant 0 : i32
        %lt3A_1385 = arith.cmpi slt, %select_n3A_1378, %lt3A_1384 : i32
        %ne3A_1386 = arith.xori %lt3A_1383, %lt3A_1385 : i1
        %and3A_1387 = arith.andi %ne3A_1386, %ne3A_1381 : i1
        %add3A_1388 = arith.addi %rem3A_1379, %select_n3A_1378 : i32
        %select_n3A_1389 = arith.select %and3A_1387, %add3A_1388, %rem3A_1379 : i32
        %mul3A_1390 = arith.constant 512 : i32
        %mul3A_1391 = arith.muli %select_n3A_1389, %mul3A_1390 : i32
        %add3A_1392 = arith.addi %mul3A_2, %mul3A_1391 : i32
        %dma_wait3A_1393 = arith.constant 0 : i32
        %dma_wait3A_1394 = arith.constant 0 : i32
        %dma_wait3A_1395 = arith.constant 0 : i32
        %dma_wait3A_1396 = tpu.memref_slice %arg7[%dma_wait3A_1393, %dma_wait3A_1394, %dma_wait3A_1395] : memref<8x8x512xi32, #tpu.memory_space<vmem>> -> memref<1x8x512xi32, #tpu.memory_space<vmem>>
        %dma_wait3A_1397 = tpu.memref_squeeze %dma_wait3A_1396 : memref<1x8x512xi32, #tpu.memory_space<vmem>> -> memref<8x512xi32, #tpu.memory_space<vmem>>
        %dma_wait3A_1398 = tpu.memref_slice %arg4[%mul3A_1373, %add3A_1392] : memref<200x16384xi32, #tpu.memory_space<hbm>> -> memref<8x512xi32, #tpu.memory_space<hbm>>
        %dma_wait3A_1399 = tpu.memref_slice %arg4[%mul3A_1373, %add3A_1392] : memref<200x16384xi32, #tpu.memory_space<hbm>> -> memref<8x512xi32, #tpu.memory_space<hbm>>
        %dma_wait3A_1400 = arith.constant 0 : i32
        %dma_wait3A_1401 = arith.constant 0 : i32
        %dma_wait3A_1402 = tpu.memref_slice %arg7[%dma_wait3A_1393, %dma_wait3A_1400, %dma_wait3A_1401] : memref<8x8x512xi32, #tpu.memory_space<vmem>> -> memref<1x8x512xi32, #tpu.memory_space<vmem>>
        %dma_wait3A_1403 = tpu.memref_squeeze %dma_wait3A_1402 : memref<1x8x512xi32, #tpu.memory_space<vmem>> -> memref<8x512xi32, #tpu.memory_space<vmem>>
        tpu.wait_dma2 semaphore(%arg16 : memref<!tpu.dma_semaphore, #tpu.memory_space<semaphore_mem>>) src(%dma_wait3A_1403 : memref<8x512xi32, #tpu.memory_space<vmem>>) dst(%dma_wait3A_1399 : memref<8x512xi32, #tpu.memory_space<hbm>>)
      } else {
      }
      %parallel_loop3A_363 = arith.constant 0 : i32
      %parallel_loop3A_364 = arith.constant 256 : i32
      %parallel_loop3A_365 = arith.constant 1 : i32
      scf.for %parallel_loop3A_1346 = %parallel_loop3A_363 to %parallel_loop3A_364 step %parallel_loop3A_365  : i32 {
        %parallel_loop3A_1347 = arith.constant 5 : i32
        %parallel_loop3A_1348 = arith.shrsi %parallel_loop3A_1346, %parallel_loop3A_1347 : i32
        %parallel_loop3A_1349 = arith.constant 31 : i32
        %parallel_loop3A_1350 = arith.andi %parallel_loop3A_1346, %parallel_loop3A_1349 : i32
        %parallel_loop3A_1351 = arith.constant 16 : i32
        %parallel_loop3A_1352 = arith.muli %parallel_loop3A_1350, %parallel_loop3A_1351 : i32
        %parallel_loop3A_1353 = arith.constant 0 : i32
        %parallel_loop3A_1354 = arith.index_cast %parallel_loop3A_1353 : i32 to index
        %parallel_loop3A_1355 = arith.index_cast %parallel_loop3A_1348 : i32 to index
        %parallel_loop3A_1356 = arith.index_cast %parallel_loop3A_1352 : i32 to index
        %parallel_loop3A_1357 = tpu.vector_load %arg6[%parallel_loop3A_1354, %parallel_loop3A_1355, %parallel_loop3A_1356] {strides = array<i32>} : memref<8x8x512xi32, #tpu.memory_space<vmem>>, vector<16xi32>,
        %parallel_loop3A_1358 = arith.constant 120 : i32
        %parallel_loop3A_1359 = vector.broadcast %parallel_loop3A_1358 : i32 to vector<16xi32>
        %parallel_loop3A_1360 = arith.addi %parallel_loop3A_1357, %parallel_loop3A_1359 : vector<16xi32>
        %parallel_loop3A_1361 = vector.bitcast %parallel_loop3A_1360 : vector<16xi32> to vector<16xi32>
        %parallel_loop3A_1362 = arith.constant 240 : i32
        %parallel_loop3A_1363 = vector.broadcast %parallel_loop3A_1362 : i32 to vector<16xi32>
        %parallel_loop3A_1364 = arith.minui %parallel_loop3A_1361, %parallel_loop3A_1363 : vector<16xi32>
        %parallel_loop3A_1365 = vector.bitcast %parallel_loop3A_1364 : vector<16xi32> to vector<16xi32>
        %parallel_loop3A_1366 = tpu.vector_load_idx %arg5[%parallel_loop3A_1365] : memref<256xi32, #tpu.memory_space<vmem>>[vector<16xi32>], vector<16xi32>,
        %parallel_loop3A_1367 = arith.constant 0 : i32
        %parallel_loop3A_1368 = arith.index_cast %parallel_loop3A_1367 : i32 to index
        %parallel_loop3A_1369 = arith.index_cast %parallel_loop3A_1348 : i32 to index
        %parallel_loop3A_1370 = arith.index_cast %parallel_loop3A_1352 : i32 to index
        %parallel_loop3A_1371 = tpu.vector_load %arg7[%parallel_loop3A_1368, %parallel_loop3A_1369, %parallel_loop3A_1370] {strides = array<i32>} : memref<8x8x512xi32, #tpu.memory_space<vmem>>, vector<16xi32>,
        tpu.vector_store %arg7[%parallel_loop3A_1368, %parallel_loop3A_1369, %parallel_loop3A_1370], %parallel_loop3A_1366 {strides = array<i32>} : memref<8x8x512xi32, #tpu.memory_space<vmem>>, vector<16xi32>,
      } {sc.loop_unroll_factor = 8 : i64, sc.parallel_access}
      %jit3A_366 = arith.constant 1 : i32
      %div3A_367 = arith.divsi %add3A_314, %jit3A_366 : i32
      %sign3A_368 = arith.constant 0 : i32
      %sign3A_369 = arith.cmpi sgt, %add3A_314, %sign3A_368 : i32
      %sign3A_370 = arith.extui %sign3A_369 : i1 to i32
      %sign3A_371 = arith.constant 0 : i32
      %sign3A_372 = arith.cmpi slt, %add3A_314, %sign3A_371 : i32
      %sign3A_373 = arith.extui %sign3A_372 : i1 to i32
      %sign3A_374 = arith.subi %sign3A_370, %sign3A_373 : i32
      %sign3A_375 = arith.constant 0 : i32
      %sign3A_376 = arith.cmpi sgt, %jit3A_366, %sign3A_375 : i32
      %sign3A_377 = arith.extui %sign3A_376 : i1 to i32
      %sign3A_378 = arith.constant 0 : i32
      %sign3A_379 = arith.cmpi slt, %jit3A_366, %sign3A_378 : i32
      %sign3A_380 = arith.extui %sign3A_379 : i1 to i32
      %sign3A_381 = arith.subi %sign3A_377, %sign3A_380 : i32
      %ne3A_382 = arith.cmpi ne, %sign3A_374, %sign3A_381 : i32
      %rem3A_383 = arith.remsi %add3A_314, %jit3A_366 : i32
      %ne3A_384 = arith.constant 0 : i32
      %ne3A_385 = arith.cmpi ne, %rem3A_383, %ne3A_384 : i32
      %and3A_386 = arith.andi %ne3A_382, %ne3A_385 : i1
      %sub3A_387 = arith.constant 1 : i32
      %sub3A_388 = arith.subi %div3A_367, %sub3A_387 : i32
      %select_n3A_389 = arith.select %and3A_386, %sub3A_388, %div3A_367 : i32
      %mul3A_390 = arith.constant 8 : i32
      %mul3A_391 = arith.muli %select_n3A_389, %mul3A_390 : i32
      %jit3A_392 = arith.constant 1 : i32
      %eq3A_393 = arith.constant 0 : i32
      %eq3A_394 = arith.cmpi eq, %jit3A_392, %eq3A_393 : i32
      %jit3A_395 = arith.constant 1 : i32
      %select_n3A_396 = arith.select %eq3A_394, %jit3A_395, %jit3A_392 : i32
      %rem3A_397 = arith.remsi %add3A_314, %select_n3A_396 : i32
      %ne3A_398 = arith.constant 0 : i32
      %ne3A_399 = arith.cmpi ne, %rem3A_397, %ne3A_398 : i32
      %lt3A_400 = arith.constant 0 : i32
      %lt3A_401 = arith.cmpi slt, %rem3A_397, %lt3A_400 : i32
      %lt3A_402 = arith.constant 0 : i32
      %lt3A_403 = arith.cmpi slt, %select_n3A_396, %lt3A_402 : i32
      %ne3A_404 = arith.xori %lt3A_401, %lt3A_403 : i1
      %and3A_405 = arith.andi %ne3A_404, %ne3A_399 : i1
      %add3A_406 = arith.addi %rem3A_397, %select_n3A_396 : i32
      %select_n3A_407 = arith.select %and3A_405, %add3A_406, %rem3A_397 : i32
      %mul3A_408 = arith.constant 512 : i32
      %mul3A_409 = arith.muli %select_n3A_407, %mul3A_408 : i32
      %add3A_410 = arith.addi %mul3A_2, %mul3A_409 : i32
      %dma_start3A_411 = arith.constant 0 : i32
      %dma_start3A_412 = arith.constant 0 : i32
      %dma_start3A_413 = arith.constant 0 : i32
      %dma_start3A_414 = tpu.memref_slice %arg7[%dma_start3A_411, %dma_start3A_412, %dma_start3A_413] : memref<8x8x512xi32, #tpu.memory_space<vmem>> -> memref<1x8x512xi32, #tpu.memory_space<vmem>>
      %dma_start3A_415 = tpu.memref_squeeze %dma_start3A_414 : memref<1x8x512xi32, #tpu.memory_space<vmem>> -> memref<8x512xi32, #tpu.memory_space<vmem>>
      %dma_start3A_416 = tpu.memref_slice %arg4[%mul3A_391, %add3A_410] : memref<200x16384xi32, #tpu.memory_space<hbm>> -> memref<8x512xi32, #tpu.memory_space<hbm>>
      %dma_start3A_417 = tpu.memref_slice %arg4[%mul3A_391, %add3A_410] : memref<200x16384xi32, #tpu.memory_space<hbm>> -> memref<8x512xi32, #tpu.memory_space<hbm>>
      %dma_start3A_418 = arith.constant 0 : i32
      %dma_start3A_419 = arith.constant 0 : i32
      %dma_start3A_420 = tpu.memref_slice %arg7[%dma_start3A_411, %dma_start3A_418, %dma_start3A_419] : memref<8x8x512xi32, #tpu.memory_space<vmem>> -> memref<1x8x512xi32, #tpu.memory_space<vmem>>
      %dma_start3A_421 = tpu.memref_squeeze %dma_start3A_420 : memref<1x8x512xi32, #tpu.memory_space<vmem>> -> memref<8x512xi32, #tpu.memory_space<vmem>>
      tpu.enqueue_dma source(%dma_start3A_421 : memref<8x512xi32, #tpu.memory_space<vmem>>) target(%dma_start3A_417 : memref<8x512xi32, #tpu.memory_space<hbm>>) target_semaphore(%arg16 : memref<!tpu.dma_semaphore, #tpu.memory_space<semaphore_mem>>)
      %add3A_422 = arith.constant 8 : i32
      %add3A_423 = arith.addi %add3A_314, %add3A_422 : i32
      %lt3A_424 = arith.constant 24 : i32
      %lt3A_425 = arith.cmpi slt, %add3A_423, %lt3A_424 : i32
      %convert_element_type3A_426 = arith.extui %lt3A_425 : i1 to i32
      %cond3A_427 = arith.constant 0 : i32
      %cond3A_428 = arith.cmpi ne, %convert_element_type3A_426, %cond3A_427 : i32
      scf.if %cond3A_428 {
        %add3A_1346 = arith.constant 8 : i32
        %add3A_1347 = arith.addi %add3A_314, %add3A_1346 : i32
        %jit3A_1348 = arith.constant 1 : i32
        %div3A_1349 = arith.divsi %add3A_1347, %jit3A_1348 : i32
        %sign3A_1350 = arith.constant 0 : i32
        %sign3A_1351 = arith.cmpi sgt, %add3A_1347, %sign3A_1350 : i32
        %sign3A_1352 = arith.extui %sign3A_1351 : i1 to i32
        %sign3A_1353 = arith.constant 0 : i32
        %sign3A_1354 = arith.cmpi slt, %add3A_1347, %sign3A_1353 : i32
        %sign3A_1355 = arith.extui %sign3A_1354 : i1 to i32
        %sign3A_1356 = arith.subi %sign3A_1352, %sign3A_1355 : i32
        %sign3A_1357 = arith.constant 0 : i32
        %sign3A_1358 = arith.cmpi sgt, %jit3A_1348, %sign3A_1357 : i32
        %sign3A_1359 = arith.extui %sign3A_1358 : i1 to i32
        %sign3A_1360 = arith.constant 0 : i32
        %sign3A_1361 = arith.cmpi slt, %jit3A_1348, %sign3A_1360 : i32
        %sign3A_1362 = arith.extui %sign3A_1361 : i1 to i32
        %sign3A_1363 = arith.subi %sign3A_1359, %sign3A_1362 : i32
        %ne3A_1364 = arith.cmpi ne, %sign3A_1356, %sign3A_1363 : i32
        %rem3A_1365 = arith.remsi %add3A_1347, %jit3A_1348 : i32
        %ne3A_1366 = arith.constant 0 : i32
        %ne3A_1367 = arith.cmpi ne, %rem3A_1365, %ne3A_1366 : i32
        %and3A_1368 = arith.andi %ne3A_1364, %ne3A_1367 : i1
        %sub3A_1369 = arith.constant 1 : i32
        %sub3A_1370 = arith.subi %div3A_1349, %sub3A_1369 : i32
        %select_n3A_1371 = arith.select %and3A_1368, %sub3A_1370, %div3A_1349 : i32
        %mul3A_1372 = arith.constant 8 : i32
        %mul3A_1373 = arith.muli %select_n3A_1371, %mul3A_1372 : i32
        %jit3A_1374 = arith.constant 1 : i32
        %eq3A_1375 = arith.constant 0 : i32
        %eq3A_1376 = arith.cmpi eq, %jit3A_1374, %eq3A_1375 : i32
        %jit3A_1377 = arith.constant 1 : i32
        %select_n3A_1378 = arith.select %eq3A_1376, %jit3A_1377, %jit3A_1374 : i32
        %rem3A_1379 = arith.remsi %add3A_1347, %select_n3A_1378 : i32
        %ne3A_1380 = arith.constant 0 : i32
        %ne3A_1381 = arith.cmpi ne, %rem3A_1379, %ne3A_1380 : i32
        %lt3A_1382 = arith.constant 0 : i32
        %lt3A_1383 = arith.cmpi slt, %rem3A_1379, %lt3A_1382 : i32
        %lt3A_1384 = arith.constant 0 : i32
        %lt3A_1385 = arith.cmpi slt, %select_n3A_1378, %lt3A_1384 : i32
        %ne3A_1386 = arith.xori %lt3A_1383, %lt3A_1385 : i1
        %and3A_1387 = arith.andi %ne3A_1386, %ne3A_1381 : i1
        %add3A_1388 = arith.addi %rem3A_1379, %select_n3A_1378 : i32
        %select_n3A_1389 = arith.select %and3A_1387, %add3A_1388, %rem3A_1379 : i32
        %mul3A_1390 = arith.constant 512 : i32
        %mul3A_1391 = arith.muli %select_n3A_1389, %mul3A_1390 : i32
        %add3A_1392 = arith.addi %mul3A_2, %mul3A_1391 : i32
        %dma_start3A_1393 = arith.constant 0 : i32
        %dma_start3A_1394 = arith.constant 0 : i32
        %dma_start3A_1395 = arith.constant 0 : i32
        %dma_start3A_1396 = tpu.memref_slice %arg6[%dma_start3A_1393, %dma_start3A_1394, %dma_start3A_1395] : memref<8x8x512xi32, #tpu.memory_space<vmem>> -> memref<1x8x512xi32, #tpu.memory_space<vmem>>
        %dma_start3A_1397 = tpu.memref_squeeze %dma_start3A_1396 : memref<1x8x512xi32, #tpu.memory_space<vmem>> -> memref<8x512xi32, #tpu.memory_space<vmem>>
        %dma_start3A_1398 = tpu.memref_slice %arg2[%mul3A_1373, %add3A_1392] : memref<200x16384xi32, #tpu.memory_space<hbm>> -> memref<8x512xi32, #tpu.memory_space<hbm>>
        %dma_start3A_1399 = arith.constant 0 : i32
        %dma_start3A_1400 = arith.constant 0 : i32
        %dma_start3A_1401 = tpu.memref_slice %arg6[%dma_start3A_1393, %dma_start3A_1399, %dma_start3A_1400] : memref<8x8x512xi32, #tpu.memory_space<vmem>> -> memref<1x8x512xi32, #tpu.memory_space<vmem>>
        %dma_start3A_1402 = tpu.memref_squeeze %dma_start3A_1401 : memref<1x8x512xi32, #tpu.memory_space<vmem>> -> memref<8x512xi32, #tpu.memory_space<vmem>>
        %dma_start3A_1403 = tpu.memref_slice %arg2[%mul3A_1373, %add3A_1392] : memref<200x16384xi32, #tpu.memory_space<hbm>> -> memref<8x512xi32, #tpu.memory_space<hbm>>
        tpu.enqueue_dma source(%dma_start3A_1403 : memref<8x512xi32, #tpu.memory_space<hbm>>) target(%dma_start3A_1402 : memref<8x512xi32, #tpu.memory_space<vmem>>) target_semaphore(%arg8 : memref<!tpu.dma_semaphore, #tpu.memory_space<semaphore_mem>>)
      } else {
      }
      %mul3A_429 = arith.constant 8 : i32
      %mul3A_430 = arith.muli %scan3A_310, %mul3A_429 : i32
      %add3A_431 = arith.constant 1 : i32
      %add3A_432 = arith.addi %mul3A_430, %add3A_431 : i32
      %jit3A_433 = arith.constant 1 : i32
      %div3A_434 = arith.divsi %add3A_432, %jit3A_433 : i32
      %sign3A_435 = arith.constant 0 : i32
      %sign3A_436 = arith.cmpi sgt, %add3A_432, %sign3A_435 : i32
      %sign3A_437 = arith.extui %sign3A_436 : i1 to i32
      %sign3A_438 = arith.constant 0 : i32
      %sign3A_439 = arith.cmpi slt, %add3A_432, %sign3A_438 : i32
      %sign3A_440 = arith.extui %sign3A_439 : i1 to i32
      %sign3A_441 = arith.subi %sign3A_437, %sign3A_440 : i32
      %sign3A_442 = arith.constant 0 : i32
      %sign3A_443 = arith.cmpi sgt, %jit3A_433, %sign3A_442 : i32
      %sign3A_444 = arith.extui %sign3A_443 : i1 to i32
      %sign3A_445 = arith.constant 0 : i32
      %sign3A_446 = arith.cmpi slt, %jit3A_433, %sign3A_445 : i32
      %sign3A_447 = arith.extui %sign3A_446 : i1 to i32
      %sign3A_448 = arith.subi %sign3A_444, %sign3A_447 : i32
      %ne3A_449 = arith.cmpi ne, %sign3A_441, %sign3A_448 : i32
      %rem3A_450 = arith.remsi %add3A_432, %jit3A_433 : i32
      %ne3A_451 = arith.constant 0 : i32
      %ne3A_452 = arith.cmpi ne, %rem3A_450, %ne3A_451 : i32
      %and3A_453 = arith.andi %ne3A_449, %ne3A_452 : i1
      %sub3A_454 = arith.constant 1 : i32
      %sub3A_455 = arith.subi %div3A_434, %sub3A_454 : i32
      %select_n3A_456 = arith.select %and3A_453, %sub3A_455, %div3A_434 : i32
      %mul3A_457 = arith.constant 8 : i32
      %mul3A_458 = arith.muli %select_n3A_456, %mul3A_457 : i32
      %jit3A_459 = arith.constant 1 : i32
      %eq3A_460 = arith.constant 0 : i32
      %eq3A_461 = arith.cmpi eq, %jit3A_459, %eq3A_460 : i32
      %jit3A_462 = arith.constant 1 : i32
      %select_n3A_463 = arith.select %eq3A_461, %jit3A_462, %jit3A_459 : i32
      %rem3A_464 = arith.remsi %add3A_432, %select_n3A_463 : i32
      %ne3A_465 = arith.constant 0 : i32
      %ne3A_466 = arith.cmpi ne, %rem3A_464, %ne3A_465 : i32
      %lt3A_467 = arith.constant 0 : i32
      %lt3A_468 = arith.cmpi slt, %rem3A_464, %lt3A_467 : i32
      %lt3A_469 = arith.constant 0 : i32
      %lt3A_470 = arith.cmpi slt, %select_n3A_463, %lt3A_469 : i32
      %ne3A_471 = arith.xori %lt3A_468, %lt3A_470 : i1
      %and3A_472 = arith.andi %ne3A_471, %ne3A_466 : i1
      %add3A_473 = arith.addi %rem3A_464, %select_n3A_463 : i32
      %select_n3A_474 = arith.select %and3A_472, %add3A_473, %rem3A_464 : i32
      %mul3A_475 = arith.constant 512 : i32
      %mul3A_476 = arith.muli %select_n3A_474, %mul3A_475 : i32
      %add3A_477 = arith.addi %mul3A_2, %mul3A_476 : i32
      %dma_wait3A_478 = arith.constant 1 : i32
      %dma_wait3A_479 = arith.constant 0 : i32
      %dma_wait3A_480 = arith.constant 0 : i32
      %dma_wait3A_481 = tpu.memref_slice %arg6[%dma_wait3A_478, %dma_wait3A_479, %dma_wait3A_480] : memref<8x8x512xi32, #tpu.memory_space<vmem>> -> memref<1x8x512xi32, #tpu.memory_space<vmem>>
      %dma_wait3A_482 = tpu.memref_squeeze %dma_wait3A_481 : memref<1x8x512xi32, #tpu.memory_space<vmem>> -> memref<8x512xi32, #tpu.memory_space<vmem>>
      %dma_wait3A_483 = tpu.memref_slice %arg2[%mul3A_458, %add3A_477] : memref<200x16384xi32, #tpu.memory_space<hbm>> -> memref<8x512xi32, #tpu.memory_space<hbm>>
      %dma_wait3A_484 = arith.constant 0 : i32
      %dma_wait3A_485 = arith.constant 0 : i32
      %dma_wait3A_486 = tpu.memref_slice %arg6[%dma_wait3A_478, %dma_wait3A_484, %dma_wait3A_485] : memref<8x8x512xi32, #tpu.memory_space<vmem>> -> memref<1x8x512xi32, #tpu.memory_space<vmem>>
      %dma_wait3A_487 = tpu.memref_squeeze %dma_wait3A_486 : memref<1x8x512xi32, #tpu.memory_space<vmem>> -> memref<8x512xi32, #tpu.memory_space<vmem>>
      %dma_wait3A_488 = tpu.memref_slice %arg2[%mul3A_458, %add3A_477] : memref<200x16384xi32, #tpu.memory_space<hbm>> -> memref<8x512xi32, #tpu.memory_space<hbm>>
      tpu.wait_dma2 semaphore(%arg9 : memref<!tpu.dma_semaphore, #tpu.memory_space<semaphore_mem>>) src(%dma_wait3A_488 : memref<8x512xi32, #tpu.memory_space<hbm>>) dst(%dma_wait3A_487 : memref<8x512xi32, #tpu.memory_space<vmem>>)
      %gt3A_489 = arith.constant 0 : i32
      %gt3A_490 = arith.cmpi sgt, %scan3A_310, %gt3A_489 : i32
      %convert_element_type3A_491 = arith.extui %gt3A_490 : i1 to i32
      %cond3A_492 = arith.constant 0 : i32
      %cond3A_493 = arith.cmpi ne, %convert_element_type3A_491, %cond3A_492 : i32
      scf.if %cond3A_493 {
        %sub3A_1346 = arith.constant 8 : i32
        %sub3A_1347 = arith.subi %add3A_432, %sub3A_1346 : i32
        %jit3A_1348 = arith.constant 1 : i32
        %div3A_1349 = arith.divsi %sub3A_1347, %jit3A_1348 : i32
        %sign3A_1350 = arith.constant 0 : i32
        %sign3A_1351 = arith.cmpi sgt, %sub3A_1347, %sign3A_1350 : i32
        %sign3A_1352 = arith.extui %sign3A_1351 : i1 to i32
        %sign3A_1353 = arith.constant 0 : i32
        %sign3A_1354 = arith.cmpi slt, %sub3A_1347, %sign3A_1353 : i32
        %sign3A_1355 = arith.extui %sign3A_1354 : i1 to i32
        %sign3A_1356 = arith.subi %sign3A_1352, %sign3A_1355 : i32
        %sign3A_1357 = arith.constant 0 : i32
        %sign3A_1358 = arith.cmpi sgt, %jit3A_1348, %sign3A_1357 : i32
        %sign3A_1359 = arith.extui %sign3A_1358 : i1 to i32
        %sign3A_1360 = arith.constant 0 : i32
        %sign3A_1361 = arith.cmpi slt, %jit3A_1348, %sign3A_1360 : i32
        %sign3A_1362 = arith.extui %sign3A_1361 : i1 to i32
        %sign3A_1363 = arith.subi %sign3A_1359, %sign3A_1362 : i32
        %ne3A_1364 = arith.cmpi ne, %sign3A_1356, %sign3A_1363 : i32
        %rem3A_1365 = arith.remsi %sub3A_1347, %jit3A_1348 : i32
        %ne3A_1366 = arith.constant 0 : i32
        %ne3A_1367 = arith.cmpi ne, %rem3A_1365, %ne3A_1366 : i32
        %and3A_1368 = arith.andi %ne3A_1364, %ne3A_1367 : i1
        %sub3A_1369 = arith.constant 1 : i32
        %sub3A_1370 = arith.subi %div3A_1349, %sub3A_1369 : i32
        %select_n3A_1371 = arith.select %and3A_1368, %sub3A_1370, %div3A_1349 : i32
        %mul3A_1372 = arith.constant 8 : i32
        %mul3A_1373 = arith.muli %select_n3A_1371, %mul3A_1372 : i32
        %jit3A_1374 = arith.constant 1 : i32
        %eq3A_1375 = arith.constant 0 : i32
        %eq3A_1376 = arith.cmpi eq, %jit3A_1374, %eq3A_1375 : i32
        %jit3A_1377 = arith.constant 1 : i32
        %select_n3A_1378 = arith.select %eq3A_1376, %jit3A_1377, %jit3A_1374 : i32
        %rem3A_1379 = arith.remsi %sub3A_1347, %select_n3A_1378 : i32
        %ne3A_1380 = arith.constant 0 : i32
        %ne3A_1381 = arith.cmpi ne, %rem3A_1379, %ne3A_1380 : i32
        %lt3A_1382 = arith.constant 0 : i32
        %lt3A_1383 = arith.cmpi slt, %rem3A_1379, %lt3A_1382 : i32
        %lt3A_1384 = arith.constant 0 : i32
        %lt3A_1385 = arith.cmpi slt, %select_n3A_1378, %lt3A_1384 : i32
        %ne3A_1386 = arith.xori %lt3A_1383, %lt3A_1385 : i1
        %and3A_1387 = arith.andi %ne3A_1386, %ne3A_1381 : i1
        %add3A_1388 = arith.addi %rem3A_1379, %select_n3A_1378 : i32
        %select_n3A_1389 = arith.select %and3A_1387, %add3A_1388, %rem3A_1379 : i32
        %mul3A_1390 = arith.constant 512 : i32
        %mul3A_1391 = arith.muli %select_n3A_1389, %mul3A_1390 : i32
        %add3A_1392 = arith.addi %mul3A_2, %mul3A_1391 : i32
        %dma_wait3A_1393 = arith.constant 1 : i32
        %dma_wait3A_1394 = arith.constant 0 : i32
        %dma_wait3A_1395 = arith.constant 0 : i32
        %dma_wait3A_1396 = tpu.memref_slice %arg7[%dma_wait3A_1393, %dma_wait3A_1394, %dma_wait3A_1395] : memref<8x8x512xi32, #tpu.memory_space<vmem>> -> memref<1x8x512xi32, #tpu.memory_space<vmem>>
        %dma_wait3A_1397 = tpu.memref_squeeze %dma_wait3A_1396 : memref<1x8x512xi32, #tpu.memory_space<vmem>> -> memref<8x512xi32, #tpu.memory_space<vmem>>
        %dma_wait3A_1398 = tpu.memref_slice %arg4[%mul3A_1373, %add3A_1392] : memref<200x16384xi32, #tpu.memory_space<hbm>> -> memref<8x512xi32, #tpu.memory_space<hbm>>
        %dma_wait3A_1399 = tpu.memref_slice %arg4[%mul3A_1373, %add3A_1392] : memref<200x16384xi32, #tpu.memory_space<hbm>> -> memref<8x512xi32, #tpu.memory_space<hbm>>
        %dma_wait3A_1400 = arith.constant 0 : i32
        %dma_wait3A_1401 = arith.constant 0 : i32
        %dma_wait3A_1402 = tpu.memref_slice %arg7[%dma_wait3A_1393, %dma_wait3A_1400, %dma_wait3A_1401] : memref<8x8x512xi32, #tpu.memory_space<vmem>> -> memref<1x8x512xi32, #tpu.memory_space<vmem>>
        %dma_wait3A_1403 = tpu.memref_squeeze %dma_wait3A_1402 : memref<1x8x512xi32, #tpu.memory_space<vmem>> -> memref<8x512xi32, #tpu.memory_space<vmem>>
        tpu.wait_dma2 semaphore(%arg17 : memref<!tpu.dma_semaphore, #tpu.memory_space<semaphore_mem>>) src(%dma_wait3A_1403 : memref<8x512xi32, #tpu.memory_space<vmem>>) dst(%dma_wait3A_1399 : memref<8x512xi32, #tpu.memory_space<hbm>>)
      } else {
      }
      %parallel_loop3A_494 = arith.constant 0 : i32
      %parallel_loop3A_495 = arith.constant 256 : i32
      %parallel_loop3A_496 = arith.constant 1 : i32
      scf.for %parallel_loop3A_1346 = %parallel_loop3A_494 to %parallel_loop3A_495 step %parallel_loop3A_496  : i32 {
        %parallel_loop3A_1347 = arith.constant 5 : i32
        %parallel_loop3A_1348 = arith.shrsi %parallel_loop3A_1346, %parallel_loop3A_1347 : i32
        %parallel_loop3A_1349 = arith.constant 31 : i32
        %parallel_loop3A_1350 = arith.andi %parallel_loop3A_1346, %parallel_loop3A_1349 : i32
        %parallel_loop3A_1351 = arith.constant 16 : i32
        %parallel_loop3A_1352 = arith.muli %parallel_loop3A_1350, %parallel_loop3A_1351 : i32
        %parallel_loop3A_1353 = arith.constant 1 : i32
        %parallel_loop3A_1354 = arith.index_cast %parallel_loop3A_1353 : i32 to index
        %parallel_loop3A_1355 = arith.index_cast %parallel_loop3A_1348 : i32 to index
        %parallel_loop3A_1356 = arith.index_cast %parallel_loop3A_1352 : i32 to index
        %parallel_loop3A_1357 = tpu.vector_load %arg6[%parallel_loop3A_1354, %parallel_loop3A_1355, %parallel_loop3A_1356] {strides = array<i32>} : memref<8x8x512xi32, #tpu.memory_space<vmem>>, vector<16xi32>,
        %parallel_loop3A_1358 = arith.constant 120 : i32
        %parallel_loop3A_1359 = vector.broadcast %parallel_loop3A_1358 : i32 to vector<16xi32>
        %parallel_loop3A_1360 = arith.addi %parallel_loop3A_1357, %parallel_loop3A_1359 : vector<16xi32>
        %parallel_loop3A_1361 = vector.bitcast %parallel_loop3A_1360 : vector<16xi32> to vector<16xi32>
        %parallel_loop3A_1362 = arith.constant 240 : i32
        %parallel_loop3A_1363 = vector.broadcast %parallel_loop3A_1362 : i32 to vector<16xi32>
        %parallel_loop3A_1364 = arith.minui %parallel_loop3A_1361, %parallel_loop3A_1363 : vector<16xi32>
        %parallel_loop3A_1365 = vector.bitcast %parallel_loop3A_1364 : vector<16xi32> to vector<16xi32>
        %parallel_loop3A_1366 = tpu.vector_load_idx %arg5[%parallel_loop3A_1365] : memref<256xi32, #tpu.memory_space<vmem>>[vector<16xi32>], vector<16xi32>,
        %parallel_loop3A_1367 = arith.constant 1 : i32
        %parallel_loop3A_1368 = arith.index_cast %parallel_loop3A_1367 : i32 to index
        %parallel_loop3A_1369 = arith.index_cast %parallel_loop3A_1348 : i32 to index
        %parallel_loop3A_1370 = arith.index_cast %parallel_loop3A_1352 : i32 to index
        %parallel_loop3A_1371 = tpu.vector_load %arg7[%parallel_loop3A_1368, %parallel_loop3A_1369, %parallel_loop3A_1370] {strides = array<i32>} : memref<8x8x512xi32, #tpu.memory_space<vmem>>, vector<16xi32>,
        tpu.vector_store %arg7[%parallel_loop3A_1368, %parallel_loop3A_1369, %parallel_loop3A_1370], %parallel_loop3A_1366 {strides = array<i32>} : memref<8x8x512xi32, #tpu.memory_space<vmem>>, vector<16xi32>,
      } {sc.loop_unroll_factor = 8 : i64, sc.parallel_access}
      %jit3A_497 = arith.constant 1 : i32
      %div3A_498 = arith.divsi %add3A_432, %jit3A_497 : i32
      %sign3A_499 = arith.constant 0 : i32
      %sign3A_500 = arith.cmpi sgt, %add3A_432, %sign3A_499 : i32
      %sign3A_501 = arith.extui %sign3A_500 : i1 to i32
      %sign3A_502 = arith.constant 0 : i32
      %sign3A_503 = arith.cmpi slt, %add3A_432, %sign3A_502 : i32
      %sign3A_504 = arith.extui %sign3A_503 : i1 to i32
      %sign3A_505 = arith.subi %sign3A_501, %sign3A_504 : i32
      %sign3A_506 = arith.constant 0 : i32
      %sign3A_507 = arith.cmpi sgt, %jit3A_497, %sign3A_506 : i32
      %sign3A_508 = arith.extui %sign3A_507 : i1 to i32
      %sign3A_509 = arith.constant 0 : i32
      %sign3A_510 = arith.cmpi slt, %jit3A_497, %sign3A_509 : i32
      %sign3A_511 = arith.extui %sign3A_510 : i1 to i32
      %sign3A_512 = arith.subi %sign3A_508, %sign3A_511 : i32
      %ne3A_513 = arith.cmpi ne, %sign3A_505, %sign3A_512 : i32
      %rem3A_514 = arith.remsi %add3A_432, %jit3A_497 : i32
      %ne3A_515 = arith.constant 0 : i32
      %ne3A_516 = arith.cmpi ne, %rem3A_514, %ne3A_515 : i32
      %and3A_517 = arith.andi %ne3A_513, %ne3A_516 : i1
      %sub3A_518 = arith.constant 1 : i32
      %sub3A_519 = arith.subi %div3A_498, %sub3A_518 : i32
      %select_n3A_520 = arith.select %and3A_517, %sub3A_519, %div3A_498 : i32
      %mul3A_521 = arith.constant 8 : i32
      %mul3A_522 = arith.muli %select_n3A_520, %mul3A_521 : i32
      %jit3A_523 = arith.constant 1 : i32
      %eq3A_524 = arith.constant 0 : i32
      %eq3A_525 = arith.cmpi eq, %jit3A_523, %eq3A_524 : i32
      %jit3A_526 = arith.constant 1 : i32
      %select_n3A_527 = arith.select %eq3A_525, %jit3A_526, %jit3A_523 : i32
      %rem3A_528 = arith.remsi %add3A_432, %select_n3A_527 : i32
      %ne3A_529 = arith.constant 0 : i32
      %ne3A_530 = arith.cmpi ne, %rem3A_528, %ne3A_529 : i32
      %lt3A_531 = arith.constant 0 : i32
      %lt3A_532 = arith.cmpi slt, %rem3A_528, %lt3A_531 : i32
      %lt3A_533 = arith.constant 0 : i32
      %lt3A_534 = arith.cmpi slt, %select_n3A_527, %lt3A_533 : i32
      %ne3A_535 = arith.xori %lt3A_532, %lt3A_534 : i1
      %and3A_536 = arith.andi %ne3A_535, %ne3A_530 : i1
      %add3A_537 = arith.addi %rem3A_528, %select_n3A_527 : i32
      %select_n3A_538 = arith.select %and3A_536, %add3A_537, %rem3A_528 : i32
      %mul3A_539 = arith.constant 512 : i32
      %mul3A_540 = arith.muli %select_n3A_538, %mul3A_539 : i32
      %add3A_541 = arith.addi %mul3A_2, %mul3A_540 : i32
      %dma_start3A_542 = arith.constant 1 : i32
      %dma_start3A_543 = arith.constant 0 : i32
      %dma_start3A_544 = arith.constant 0 : i32
      %dma_start3A_545 = tpu.memref_slice %arg7[%dma_start3A_542, %dma_start3A_543, %dma_start3A_544] : memref<8x8x512xi32, #tpu.memory_space<vmem>> -> memref<1x8x512xi32, #tpu.memory_space<vmem>>
      %dma_start3A_546 = tpu.memref_squeeze %dma_start3A_545 : memref<1x8x512xi32, #tpu.memory_space<vmem>> -> memref<8x512xi32, #tpu.memory_space<vmem>>
      %dma_start3A_547 = tpu.memref_slice %arg4[%mul3A_522, %add3A_541] : memref<200x16384xi32, #tpu.memory_space<hbm>> -> memref<8x512xi32, #tpu.memory_space<hbm>>
      %dma_start3A_548 = tpu.memref_slice %arg4[%mul3A_522, %add3A_541] : memref<200x16384xi32, #tpu.memory_space<hbm>> -> memref<8x512xi32, #tpu.memory_space<hbm>>
      %dma_start3A_549 = arith.constant 0 : i32
      %dma_start3A_550 = arith.constant 0 : i32
      %dma_start3A_551 = tpu.memref_slice %arg7[%dma_start3A_542, %dma_start3A_549, %dma_start3A_550] : memref<8x8x512xi32, #tpu.memory_space<vmem>> -> memref<1x8x512xi32, #tpu.memory_space<vmem>>
      %dma_start3A_552 = tpu.memref_squeeze %dma_start3A_551 : memref<1x8x512xi32, #tpu.memory_space<vmem>> -> memref<8x512xi32, #tpu.memory_space<vmem>>
      tpu.enqueue_dma source(%dma_start3A_552 : memref<8x512xi32, #tpu.memory_space<vmem>>) target(%dma_start3A_548 : memref<8x512xi32, #tpu.memory_space<hbm>>) target_semaphore(%arg17 : memref<!tpu.dma_semaphore, #tpu.memory_space<semaphore_mem>>)
      %add3A_553 = arith.constant 8 : i32
      %add3A_554 = arith.addi %add3A_432, %add3A_553 : i32
      %lt3A_555 = arith.constant 24 : i32
      %lt3A_556 = arith.cmpi slt, %add3A_554, %lt3A_555 : i32
      %convert_element_type3A_557 = arith.extui %lt3A_556 : i1 to i32
      %cond3A_558 = arith.constant 0 : i32
      %cond3A_559 = arith.cmpi ne, %convert_element_type3A_557, %cond3A_558 : i32
      scf.if %cond3A_559 {
        %add3A_1346 = arith.constant 8 : i32
        %add3A_1347 = arith.addi %add3A_432, %add3A_1346 : i32
        %jit3A_1348 = arith.constant 1 : i32
        %div3A_1349 = arith.divsi %add3A_1347, %jit3A_1348 : i32
        %sign3A_1350 = arith.constant 0 : i32
        %sign3A_1351 = arith.cmpi sgt, %add3A_1347, %sign3A_1350 : i32
        %sign3A_1352 = arith.extui %sign3A_1351 : i1 to i32
        %sign3A_1353 = arith.constant 0 : i32
        %sign3A_1354 = arith.cmpi slt, %add3A_1347, %sign3A_1353 : i32
        %sign3A_1355 = arith.extui %sign3A_1354 : i1 to i32
        %sign3A_1356 = arith.subi %sign3A_1352, %sign3A_1355 : i32
        %sign3A_1357 = arith.constant 0 : i32
        %sign3A_1358 = arith.cmpi sgt, %jit3A_1348, %sign3A_1357 : i32
        %sign3A_1359 = arith.extui %sign3A_1358 : i1 to i32
        %sign3A_1360 = arith.constant 0 : i32
        %sign3A_1361 = arith.cmpi slt, %jit3A_1348, %sign3A_1360 : i32
        %sign3A_1362 = arith.extui %sign3A_1361 : i1 to i32
        %sign3A_1363 = arith.subi %sign3A_1359, %sign3A_1362 : i32
        %ne3A_1364 = arith.cmpi ne, %sign3A_1356, %sign3A_1363 : i32
        %rem3A_1365 = arith.remsi %add3A_1347, %jit3A_1348 : i32
        %ne3A_1366 = arith.constant 0 : i32
        %ne3A_1367 = arith.cmpi ne, %rem3A_1365, %ne3A_1366 : i32
        %and3A_1368 = arith.andi %ne3A_1364, %ne3A_1367 : i1
        %sub3A_1369 = arith.constant 1 : i32
        %sub3A_1370 = arith.subi %div3A_1349, %sub3A_1369 : i32
        %select_n3A_1371 = arith.select %and3A_1368, %sub3A_1370, %div3A_1349 : i32
        %mul3A_1372 = arith.constant 8 : i32
        %mul3A_1373 = arith.muli %select_n3A_1371, %mul3A_1372 : i32
        %jit3A_1374 = arith.constant 1 : i32
        %eq3A_1375 = arith.constant 0 : i32
        %eq3A_1376 = arith.cmpi eq, %jit3A_1374, %eq3A_1375 : i32
        %jit3A_1377 = arith.constant 1 : i32
        %select_n3A_1378 = arith.select %eq3A_1376, %jit3A_1377, %jit3A_1374 : i32
        %rem3A_1379 = arith.remsi %add3A_1347, %select_n3A_1378 : i32
        %ne3A_1380 = arith.constant 0 : i32
        %ne3A_1381 = arith.cmpi ne, %rem3A_1379, %ne3A_1380 : i32
        %lt3A_1382 = arith.constant 0 : i32
        %lt3A_1383 = arith.cmpi slt, %rem3A_1379, %lt3A_1382 : i32
        %lt3A_1384 = arith.constant 0 : i32
        %lt3A_1385 = arith.cmpi slt, %select_n3A_1378, %lt3A_1384 : i32
        %ne3A_1386 = arith.xori %lt3A_1383, %lt3A_1385 : i1
        %and3A_1387 = arith.andi %ne3A_1386, %ne3A_1381 : i1
        %add3A_1388 = arith.addi %rem3A_1379, %select_n3A_1378 : i32
        %select_n3A_1389 = arith.select %and3A_1387, %add3A_1388, %rem3A_1379 : i32
        %mul3A_1390 = arith.constant 512 : i32
        %mul3A_1391 = arith.muli %select_n3A_1389, %mul3A_1390 : i32
        %add3A_1392 = arith.addi %mul3A_2, %mul3A_1391 : i32
        %dma_start3A_1393 = arith.constant 1 : i32
        %dma_start3A_1394 = arith.constant 0 : i32
        %dma_start3A_1395 = arith.constant 0 : i32
        %dma_start3A_1396 = tpu.memref_slice %arg6[%dma_start3A_1393, %dma_start3A_1394, %dma_start3A_1395] : memref<8x8x512xi32, #tpu.memory_space<vmem>> -> memref<1x8x512xi32, #tpu.memory_space<vmem>>
        %dma_start3A_1397 = tpu.memref_squeeze %dma_start3A_1396 : memref<1x8x512xi32, #tpu.memory_space<vmem>> -> memref<8x512xi32, #tpu.memory_space<vmem>>
        %dma_start3A_1398 = tpu.memref_slice %arg2[%mul3A_1373, %add3A_1392] : memref<200x16384xi32, #tpu.memory_space<hbm>> -> memref<8x512xi32, #tpu.memory_space<hbm>>
        %dma_start3A_1399 = arith.constant 0 : i32
        %dma_start3A_1400 = arith.constant 0 : i32
        %dma_start3A_1401 = tpu.memref_slice %arg6[%dma_start3A_1393, %dma_start3A_1399, %dma_start3A_1400] : memref<8x8x512xi32, #tpu.memory_space<vmem>> -> memref<1x8x512xi32, #tpu.memory_space<vmem>>
        %dma_start3A_1402 = tpu.memref_squeeze %dma_start3A_1401 : memref<1x8x512xi32, #tpu.memory_space<vmem>> -> memref<8x512xi32, #tpu.memory_space<vmem>>
        %dma_start3A_1403 = tpu.memref_slice %arg2[%mul3A_1373, %add3A_1392] : memref<200x16384xi32, #tpu.memory_space<hbm>> -> memref<8x512xi32, #tpu.memory_space<hbm>>
        tpu.enqueue_dma source(%dma_start3A_1403 : memref<8x512xi32, #tpu.memory_space<hbm>>) target(%dma_start3A_1402 : memref<8x512xi32, #tpu.memory_space<vmem>>) target_semaphore(%arg9 : memref<!tpu.dma_semaphore, #tpu.memory_space<semaphore_mem>>)
      } else {
      }
      %mul3A_560 = arith.constant 8 : i32
      %mul3A_561 = arith.muli %scan3A_310, %mul3A_560 : i32
      %add3A_562 = arith.constant 2 : i32
      %add3A_563 = arith.addi %mul3A_561, %add3A_562 : i32
      %jit3A_564 = arith.constant 1 : i32
      %div3A_565 = arith.divsi %add3A_563, %jit3A_564 : i32
      %sign3A_566 = arith.constant 0 : i32
      %sign3A_567 = arith.cmpi sgt, %add3A_563, %sign3A_566 : i32
      %sign3A_568 = arith.extui %sign3A_567 : i1 to i32
      %sign3A_569 = arith.constant 0 : i32
      %sign3A_570 = arith.cmpi slt, %add3A_563, %sign3A_569 : i32
      %sign3A_571 = arith.extui %sign3A_570 : i1 to i32
      %sign3A_572 = arith.subi %sign3A_568, %sign3A_571 : i32
      %sign3A_573 = arith.constant 0 : i32
      %sign3A_574 = arith.cmpi sgt, %jit3A_564, %sign3A_573 : i32
      %sign3A_575 = arith.extui %sign3A_574 : i1 to i32
      %sign3A_576 = arith.constant 0 : i32
      %sign3A_577 = arith.cmpi slt, %jit3A_564, %sign3A_576 : i32
      %sign3A_578 = arith.extui %sign3A_577 : i1 to i32
      %sign3A_579 = arith.subi %sign3A_575, %sign3A_578 : i32
      %ne3A_580 = arith.cmpi ne, %sign3A_572, %sign3A_579 : i32
      %rem3A_581 = arith.remsi %add3A_563, %jit3A_564 : i32
      %ne3A_582 = arith.constant 0 : i32
      %ne3A_583 = arith.cmpi ne, %rem3A_581, %ne3A_582 : i32
      %and3A_584 = arith.andi %ne3A_580, %ne3A_583 : i1
      %sub3A_585 = arith.constant 1 : i32
      %sub3A_586 = arith.subi %div3A_565, %sub3A_585 : i32
      %select_n3A_587 = arith.select %and3A_584, %sub3A_586, %div3A_565 : i32
      %mul3A_588 = arith.constant 8 : i32
      %mul3A_589 = arith.muli %select_n3A_587, %mul3A_588 : i32
      %jit3A_590 = arith.constant 1 : i32
      %eq3A_591 = arith.constant 0 : i32
      %eq3A_592 = arith.cmpi eq, %jit3A_590, %eq3A_591 : i32
      %jit3A_593 = arith.constant 1 : i32
      %select_n3A_594 = arith.select %eq3A_592, %jit3A_593, %jit3A_590 : i32
      %rem3A_595 = arith.remsi %add3A_563, %select_n3A_594 : i32
      %ne3A_596 = arith.constant 0 : i32
      %ne3A_597 = arith.cmpi ne, %rem3A_595, %ne3A_596 : i32
      %lt3A_598 = arith.constant 0 : i32
      %lt3A_599 = arith.cmpi slt, %rem3A_595, %lt3A_598 : i32
      %lt3A_600 = arith.constant 0 : i32
      %lt3A_601 = arith.cmpi slt, %select_n3A_594, %lt3A_600 : i32
      %ne3A_602 = arith.xori %lt3A_599, %lt3A_601 : i1
      %and3A_603 = arith.andi %ne3A_602, %ne3A_597 : i1
      %add3A_604 = arith.addi %rem3A_595, %select_n3A_594 : i32
      %select_n3A_605 = arith.select %and3A_603, %add3A_604, %rem3A_595 : i32
      %mul3A_606 = arith.constant 512 : i32
      %mul3A_607 = arith.muli %select_n3A_605, %mul3A_606 : i32
      %add3A_608 = arith.addi %mul3A_2, %mul3A_607 : i32
      %dma_wait3A_609 = arith.constant 2 : i32
      %dma_wait3A_610 = arith.constant 0 : i32
      %dma_wait3A_611 = arith.constant 0 : i32
      %dma_wait3A_612 = tpu.memref_slice %arg6[%dma_wait3A_609, %dma_wait3A_610, %dma_wait3A_611] : memref<8x8x512xi32, #tpu.memory_space<vmem>> -> memref<1x8x512xi32, #tpu.memory_space<vmem>>
      %dma_wait3A_613 = tpu.memref_squeeze %dma_wait3A_612 : memref<1x8x512xi32, #tpu.memory_space<vmem>> -> memref<8x512xi32, #tpu.memory_space<vmem>>
      %dma_wait3A_614 = tpu.memref_slice %arg2[%mul3A_589, %add3A_608] : memref<200x16384xi32, #tpu.memory_space<hbm>> -> memref<8x512xi32, #tpu.memory_space<hbm>>
      %dma_wait3A_615 = arith.constant 0 : i32
      %dma_wait3A_616 = arith.constant 0 : i32
      %dma_wait3A_617 = tpu.memref_slice %arg6[%dma_wait3A_609, %dma_wait3A_615, %dma_wait3A_616] : memref<8x8x512xi32, #tpu.memory_space<vmem>> -> memref<1x8x512xi32, #tpu.memory_space<vmem>>
      %dma_wait3A_618 = tpu.memref_squeeze %dma_wait3A_617 : memref<1x8x512xi32, #tpu.memory_space<vmem>> -> memref<8x512xi32, #tpu.memory_space<vmem>>
      %dma_wait3A_619 = tpu.memref_slice %arg2[%mul3A_589, %add3A_608] : memref<200x16384xi32, #tpu.memory_space<hbm>> -> memref<8x512xi32, #tpu.memory_space<hbm>>
      tpu.wait_dma2 semaphore(%arg10 : memref<!tpu.dma_semaphore, #tpu.memory_space<semaphore_mem>>) src(%dma_wait3A_619 : memref<8x512xi32, #tpu.memory_space<hbm>>) dst(%dma_wait3A_618 : memref<8x512xi32, #tpu.memory_space<vmem>>)
      %gt3A_620 = arith.constant 0 : i32
      %gt3A_621 = arith.cmpi sgt, %scan3A_310, %gt3A_620 : i32
      %convert_element_type3A_622 = arith.extui %gt3A_621 : i1 to i32
      %cond3A_623 = arith.constant 0 : i32
      %cond3A_624 = arith.cmpi ne, %convert_element_type3A_622, %cond3A_623 : i32
      scf.if %cond3A_624 {
        %sub3A_1346 = arith.constant 8 : i32
        %sub3A_1347 = arith.subi %add3A_563, %sub3A_1346 : i32
        %jit3A_1348 = arith.constant 1 : i32
        %div3A_1349 = arith.divsi %sub3A_1347, %jit3A_1348 : i32
        %sign3A_1350 = arith.constant 0 : i32
        %sign3A_1351 = arith.cmpi sgt, %sub3A_1347, %sign3A_1350 : i32
        %sign3A_1352 = arith.extui %sign3A_1351 : i1 to i32
        %sign3A_1353 = arith.constant 0 : i32
        %sign3A_1354 = arith.cmpi slt, %sub3A_1347, %sign3A_1353 : i32
        %sign3A_1355 = arith.extui %sign3A_1354 : i1 to i32
        %sign3A_1356 = arith.subi %sign3A_1352, %sign3A_1355 : i32
        %sign3A_1357 = arith.constant 0 : i32
        %sign3A_1358 = arith.cmpi sgt, %jit3A_1348, %sign3A_1357 : i32
        %sign3A_1359 = arith.extui %sign3A_1358 : i1 to i32
        %sign3A_1360 = arith.constant 0 : i32
        %sign3A_1361 = arith.cmpi slt, %jit3A_1348, %sign3A_1360 : i32
        %sign3A_1362 = arith.extui %sign3A_1361 : i1 to i32
        %sign3A_1363 = arith.subi %sign3A_1359, %sign3A_1362 : i32
        %ne3A_1364 = arith.cmpi ne, %sign3A_1356, %sign3A_1363 : i32
        %rem3A_1365 = arith.remsi %sub3A_1347, %jit3A_1348 : i32
        %ne3A_1366 = arith.constant 0 : i32
        %ne3A_1367 = arith.cmpi ne, %rem3A_1365, %ne3A_1366 : i32
        %and3A_1368 = arith.andi %ne3A_1364, %ne3A_1367 : i1
        %sub3A_1369 = arith.constant 1 : i32
        %sub3A_1370 = arith.subi %div3A_1349, %sub3A_1369 : i32
        %select_n3A_1371 = arith.select %and3A_1368, %sub3A_1370, %div3A_1349 : i32
        %mul3A_1372 = arith.constant 8 : i32
        %mul3A_1373 = arith.muli %select_n3A_1371, %mul3A_1372 : i32
        %jit3A_1374 = arith.constant 1 : i32
        %eq3A_1375 = arith.constant 0 : i32
        %eq3A_1376 = arith.cmpi eq, %jit3A_1374, %eq3A_1375 : i32
        %jit3A_1377 = arith.constant 1 : i32
        %select_n3A_1378 = arith.select %eq3A_1376, %jit3A_1377, %jit3A_1374 : i32
        %rem3A_1379 = arith.remsi %sub3A_1347, %select_n3A_1378 : i32
        %ne3A_1380 = arith.constant 0 : i32
        %ne3A_1381 = arith.cmpi ne, %rem3A_1379, %ne3A_1380 : i32
        %lt3A_1382 = arith.constant 0 : i32
        %lt3A_1383 = arith.cmpi slt, %rem3A_1379, %lt3A_1382 : i32
        %lt3A_1384 = arith.constant 0 : i32
        %lt3A_1385 = arith.cmpi slt, %select_n3A_1378, %lt3A_1384 : i32
        %ne3A_1386 = arith.xori %lt3A_1383, %lt3A_1385 : i1
        %and3A_1387 = arith.andi %ne3A_1386, %ne3A_1381 : i1
        %add3A_1388 = arith.addi %rem3A_1379, %select_n3A_1378 : i32
        %select_n3A_1389 = arith.select %and3A_1387, %add3A_1388, %rem3A_1379 : i32
        %mul3A_1390 = arith.constant 512 : i32
        %mul3A_1391 = arith.muli %select_n3A_1389, %mul3A_1390 : i32
        %add3A_1392 = arith.addi %mul3A_2, %mul3A_1391 : i32
        %dma_wait3A_1393 = arith.constant 2 : i32
        %dma_wait3A_1394 = arith.constant 0 : i32
        %dma_wait3A_1395 = arith.constant 0 : i32
        %dma_wait3A_1396 = tpu.memref_slice %arg7[%dma_wait3A_1393, %dma_wait3A_1394, %dma_wait3A_1395] : memref<8x8x512xi32, #tpu.memory_space<vmem>> -> memref<1x8x512xi32, #tpu.memory_space<vmem>>
        %dma_wait3A_1397 = tpu.memref_squeeze %dma_wait3A_1396 : memref<1x8x512xi32, #tpu.memory_space<vmem>> -> memref<8x512xi32, #tpu.memory_space<vmem>>
        %dma_wait3A_1398 = tpu.memref_slice %arg4[%mul3A_1373, %add3A_1392] : memref<200x16384xi32, #tpu.memory_space<hbm>> -> memref<8x512xi32, #tpu.memory_space<hbm>>
        %dma_wait3A_1399 = tpu.memref_slice %arg4[%mul3A_1373, %add3A_1392] : memref<200x16384xi32, #tpu.memory_space<hbm>> -> memref<8x512xi32, #tpu.memory_space<hbm>>
        %dma_wait3A_1400 = arith.constant 0 : i32
        %dma_wait3A_1401 = arith.constant 0 : i32
        %dma_wait3A_1402 = tpu.memref_slice %arg7[%dma_wait3A_1393, %dma_wait3A_1400, %dma_wait3A_1401] : memref<8x8x512xi32, #tpu.memory_space<vmem>> -> memref<1x8x512xi32, #tpu.memory_space<vmem>>
        %dma_wait3A_1403 = tpu.memref_squeeze %dma_wait3A_1402 : memref<1x8x512xi32, #tpu.memory_space<vmem>> -> memref<8x512xi32, #tpu.memory_space<vmem>>
        tpu.wait_dma2 semaphore(%arg18 : memref<!tpu.dma_semaphore, #tpu.memory_space<semaphore_mem>>) src(%dma_wait3A_1403 : memref<8x512xi32, #tpu.memory_space<vmem>>) dst(%dma_wait3A_1399 : memref<8x512xi32, #tpu.memory_space<hbm>>)
      } else {
      }
      %parallel_loop3A_625 = arith.constant 0 : i32
      %parallel_loop3A_626 = arith.constant 256 : i32
      %parallel_loop3A_627 = arith.constant 1 : i32
      scf.for %parallel_loop3A_1346 = %parallel_loop3A_625 to %parallel_loop3A_626 step %parallel_loop3A_627  : i32 {
        %parallel_loop3A_1347 = arith.constant 5 : i32
        %parallel_loop3A_1348 = arith.shrsi %parallel_loop3A_1346, %parallel_loop3A_1347 : i32
        %parallel_loop3A_1349 = arith.constant 31 : i32
        %parallel_loop3A_1350 = arith.andi %parallel_loop3A_1346, %parallel_loop3A_1349 : i32
        %parallel_loop3A_1351 = arith.constant 16 : i32
        %parallel_loop3A_1352 = arith.muli %parallel_loop3A_1350, %parallel_loop3A_1351 : i32
        %parallel_loop3A_1353 = arith.constant 2 : i32
        %parallel_loop3A_1354 = arith.index_cast %parallel_loop3A_1353 : i32 to index
        %parallel_loop3A_1355 = arith.index_cast %parallel_loop3A_1348 : i32 to index
        %parallel_loop3A_1356 = arith.index_cast %parallel_loop3A_1352 : i32 to index
        %parallel_loop3A_1357 = tpu.vector_load %arg6[%parallel_loop3A_1354, %parallel_loop3A_1355, %parallel_loop3A_1356] {strides = array<i32>} : memref<8x8x512xi32, #tpu.memory_space<vmem>>, vector<16xi32>,
        %parallel_loop3A_1358 = arith.constant 120 : i32
        %parallel_loop3A_1359 = vector.broadcast %parallel_loop3A_1358 : i32 to vector<16xi32>
        %parallel_loop3A_1360 = arith.addi %parallel_loop3A_1357, %parallel_loop3A_1359 : vector<16xi32>
        %parallel_loop3A_1361 = vector.bitcast %parallel_loop3A_1360 : vector<16xi32> to vector<16xi32>
        %parallel_loop3A_1362 = arith.constant 240 : i32
        %parallel_loop3A_1363 = vector.broadcast %parallel_loop3A_1362 : i32 to vector<16xi32>
        %parallel_loop3A_1364 = arith.minui %parallel_loop3A_1361, %parallel_loop3A_1363 : vector<16xi32>
        %parallel_loop3A_1365 = vector.bitcast %parallel_loop3A_1364 : vector<16xi32> to vector<16xi32>
        %parallel_loop3A_1366 = tpu.vector_load_idx %arg5[%parallel_loop3A_1365] : memref<256xi32, #tpu.memory_space<vmem>>[vector<16xi32>], vector<16xi32>,
        %parallel_loop3A_1367 = arith.constant 2 : i32
        %parallel_loop3A_1368 = arith.index_cast %parallel_loop3A_1367 : i32 to index
        %parallel_loop3A_1369 = arith.index_cast %parallel_loop3A_1348 : i32 to index
        %parallel_loop3A_1370 = arith.index_cast %parallel_loop3A_1352 : i32 to index
        %parallel_loop3A_1371 = tpu.vector_load %arg7[%parallel_loop3A_1368, %parallel_loop3A_1369, %parallel_loop3A_1370] {strides = array<i32>} : memref<8x8x512xi32, #tpu.memory_space<vmem>>, vector<16xi32>,
        tpu.vector_store %arg7[%parallel_loop3A_1368, %parallel_loop3A_1369, %parallel_loop3A_1370], %parallel_loop3A_1366 {strides = array<i32>} : memref<8x8x512xi32, #tpu.memory_space<vmem>>, vector<16xi32>,
      } {sc.loop_unroll_factor = 8 : i64, sc.parallel_access}
      %jit3A_628 = arith.constant 1 : i32
      %div3A_629 = arith.divsi %add3A_563, %jit3A_628 : i32
      %sign3A_630 = arith.constant 0 : i32
      %sign3A_631 = arith.cmpi sgt, %add3A_563, %sign3A_630 : i32
      %sign3A_632 = arith.extui %sign3A_631 : i1 to i32
      %sign3A_633 = arith.constant 0 : i32
      %sign3A_634 = arith.cmpi slt, %add3A_563, %sign3A_633 : i32
      %sign3A_635 = arith.extui %sign3A_634 : i1 to i32
      %sign3A_636 = arith.subi %sign3A_632, %sign3A_635 : i32
      %sign3A_637 = arith.constant 0 : i32
      %sign3A_638 = arith.cmpi sgt, %jit3A_628, %sign3A_637 : i32
      %sign3A_639 = arith.extui %sign3A_638 : i1 to i32
      %sign3A_640 = arith.constant 0 : i32
      %sign3A_641 = arith.cmpi slt, %jit3A_628, %sign3A_640 : i32
      %sign3A_642 = arith.extui %sign3A_641 : i1 to i32
      %sign3A_643 = arith.subi %sign3A_639, %sign3A_642 : i32
      %ne3A_644 = arith.cmpi ne, %sign3A_636, %sign3A_643 : i32
      %rem3A_645 = arith.remsi %add3A_563, %jit3A_628 : i32
      %ne3A_646 = arith.constant 0 : i32
      %ne3A_647 = arith.cmpi ne, %rem3A_645, %ne3A_646 : i32
      %and3A_648 = arith.andi %ne3A_644, %ne3A_647 : i1
      %sub3A_649 = arith.constant 1 : i32
      %sub3A_650 = arith.subi %div3A_629, %sub3A_649 : i32
      %select_n3A_651 = arith.select %and3A_648, %sub3A_650, %div3A_629 : i32
      %mul3A_652 = arith.constant 8 : i32
      %mul3A_653 = arith.muli %select_n3A_651, %mul3A_652 : i32
      %jit3A_654 = arith.constant 1 : i32
      %eq3A_655 = arith.constant 0 : i32
      %eq3A_656 = arith.cmpi eq, %jit3A_654, %eq3A_655 : i32
      %jit3A_657 = arith.constant 1 : i32
      %select_n3A_658 = arith.select %eq3A_656, %jit3A_657, %jit3A_654 : i32
      %rem3A_659 = arith.remsi %add3A_563, %select_n3A_658 : i32
      %ne3A_660 = arith.constant 0 : i32
      %ne3A_661 = arith.cmpi ne, %rem3A_659, %ne3A_660 : i32
      %lt3A_662 = arith.constant 0 : i32
      %lt3A_663 = arith.cmpi slt, %rem3A_659, %lt3A_662 : i32
      %lt3A_664 = arith.constant 0 : i32
      %lt3A_665 = arith.cmpi slt, %select_n3A_658, %lt3A_664 : i32
      %ne3A_666 = arith.xori %lt3A_663, %lt3A_665 : i1
      %and3A_667 = arith.andi %ne3A_666, %ne3A_661 : i1
      %add3A_668 = arith.addi %rem3A_659, %select_n3A_658 : i32
      %select_n3A_669 = arith.select %and3A_667, %add3A_668, %rem3A_659 : i32
      %mul3A_670 = arith.constant 512 : i32
      %mul3A_671 = arith.muli %select_n3A_669, %mul3A_670 : i32
      %add3A_672 = arith.addi %mul3A_2, %mul3A_671 : i32
      %dma_start3A_673 = arith.constant 2 : i32
      %dma_start3A_674 = arith.constant 0 : i32
      %dma_start3A_675 = arith.constant 0 : i32
      %dma_start3A_676 = tpu.memref_slice %arg7[%dma_start3A_673, %dma_start3A_674, %dma_start3A_675] : memref<8x8x512xi32, #tpu.memory_space<vmem>> -> memref<1x8x512xi32, #tpu.memory_space<vmem>>
      %dma_start3A_677 = tpu.memref_squeeze %dma_start3A_676 : memref<1x8x512xi32, #tpu.memory_space<vmem>> -> memref<8x512xi32, #tpu.memory_space<vmem>>
      %dma_start3A_678 = tpu.memref_slice %arg4[%mul3A_653, %add3A_672] : memref<200x16384xi32, #tpu.memory_space<hbm>> -> memref<8x512xi32, #tpu.memory_space<hbm>>
      %dma_start3A_679 = tpu.memref_slice %arg4[%mul3A_653, %add3A_672] : memref<200x16384xi32, #tpu.memory_space<hbm>> -> memref<8x512xi32, #tpu.memory_space<hbm>>
      %dma_start3A_680 = arith.constant 0 : i32
      %dma_start3A_681 = arith.constant 0 : i32
      %dma_start3A_682 = tpu.memref_slice %arg7[%dma_start3A_673, %dma_start3A_680, %dma_start3A_681] : memref<8x8x512xi32, #tpu.memory_space<vmem>> -> memref<1x8x512xi32, #tpu.memory_space<vmem>>
      %dma_start3A_683 = tpu.memref_squeeze %dma_start3A_682 : memref<1x8x512xi32, #tpu.memory_space<vmem>> -> memref<8x512xi32, #tpu.memory_space<vmem>>
      tpu.enqueue_dma source(%dma_start3A_683 : memref<8x512xi32, #tpu.memory_space<vmem>>) target(%dma_start3A_679 : memref<8x512xi32, #tpu.memory_space<hbm>>) target_semaphore(%arg18 : memref<!tpu.dma_semaphore, #tpu.memory_space<semaphore_mem>>)
      %add3A_684 = arith.constant 8 : i32
      %add3A_685 = arith.addi %add3A_563, %add3A_684 : i32
      %lt3A_686 = arith.constant 24 : i32
      %lt3A_687 = arith.cmpi slt, %add3A_685, %lt3A_686 : i32
      %convert_element_type3A_688 = arith.extui %lt3A_687 : i1 to i32
      %cond3A_689 = arith.constant 0 : i32
      %cond3A_690 = arith.cmpi ne, %convert_element_type3A_688, %cond3A_689 : i32
      scf.if %cond3A_690 {
        %add3A_1346 = arith.constant 8 : i32
        %add3A_1347 = arith.addi %add3A_563, %add3A_1346 : i32
        %jit3A_1348 = arith.constant 1 : i32
        %div3A_1349 = arith.divsi %add3A_1347, %jit3A_1348 : i32
        %sign3A_1350 = arith.constant 0 : i32
        %sign3A_1351 = arith.cmpi sgt, %add3A_1347, %sign3A_1350 : i32
        %sign3A_1352 = arith.extui %sign3A_1351 : i1 to i32
        %sign3A_1353 = arith.constant 0 : i32
        %sign3A_1354 = arith.cmpi slt, %add3A_1347, %sign3A_1353 : i32
        %sign3A_1355 = arith.extui %sign3A_1354 : i1 to i32
        %sign3A_1356 = arith.subi %sign3A_1352, %sign3A_1355 : i32
        %sign3A_1357 = arith.constant 0 : i32
        %sign3A_1358 = arith.cmpi sgt, %jit3A_1348, %sign3A_1357 : i32
        %sign3A_1359 = arith.extui %sign3A_1358 : i1 to i32
        %sign3A_1360 = arith.constant 0 : i32
        %sign3A_1361 = arith.cmpi slt, %jit3A_1348, %sign3A_1360 : i32
        %sign3A_1362 = arith.extui %sign3A_1361 : i1 to i32
        %sign3A_1363 = arith.subi %sign3A_1359, %sign3A_1362 : i32
        %ne3A_1364 = arith.cmpi ne, %sign3A_1356, %sign3A_1363 : i32
        %rem3A_1365 = arith.remsi %add3A_1347, %jit3A_1348 : i32
        %ne3A_1366 = arith.constant 0 : i32
        %ne3A_1367 = arith.cmpi ne, %rem3A_1365, %ne3A_1366 : i32
        %and3A_1368 = arith.andi %ne3A_1364, %ne3A_1367 : i1
        %sub3A_1369 = arith.constant 1 : i32
        %sub3A_1370 = arith.subi %div3A_1349, %sub3A_1369 : i32
        %select_n3A_1371 = arith.select %and3A_1368, %sub3A_1370, %div3A_1349 : i32
        %mul3A_1372 = arith.constant 8 : i32
        %mul3A_1373 = arith.muli %select_n3A_1371, %mul3A_1372 : i32
        %jit3A_1374 = arith.constant 1 : i32
        %eq3A_1375 = arith.constant 0 : i32
        %eq3A_1376 = arith.cmpi eq, %jit3A_1374, %eq3A_1375 : i32
        %jit3A_1377 = arith.constant 1 : i32
        %select_n3A_1378 = arith.select %eq3A_1376, %jit3A_1377, %jit3A_1374 : i32
        %rem3A_1379 = arith.remsi %add3A_1347, %select_n3A_1378 : i32
        %ne3A_1380 = arith.constant 0 : i32
        %ne3A_1381 = arith.cmpi ne, %rem3A_1379, %ne3A_1380 : i32
        %lt3A_1382 = arith.constant 0 : i32
        %lt3A_1383 = arith.cmpi slt, %rem3A_1379, %lt3A_1382 : i32
        %lt3A_1384 = arith.constant 0 : i32
        %lt3A_1385 = arith.cmpi slt, %select_n3A_1378, %lt3A_1384 : i32
        %ne3A_1386 = arith.xori %lt3A_1383, %lt3A_1385 : i1
        %and3A_1387 = arith.andi %ne3A_1386, %ne3A_1381 : i1
        %add3A_1388 = arith.addi %rem3A_1379, %select_n3A_1378 : i32
        %select_n3A_1389 = arith.select %and3A_1387, %add3A_1388, %rem3A_1379 : i32
        %mul3A_1390 = arith.constant 512 : i32
        %mul3A_1391 = arith.muli %select_n3A_1389, %mul3A_1390 : i32
        %add3A_1392 = arith.addi %mul3A_2, %mul3A_1391 : i32
        %dma_start3A_1393 = arith.constant 2 : i32
        %dma_start3A_1394 = arith.constant 0 : i32
        %dma_start3A_1395 = arith.constant 0 : i32
        %dma_start3A_1396 = tpu.memref_slice %arg6[%dma_start3A_1393, %dma_start3A_1394, %dma_start3A_1395] : memref<8x8x512xi32, #tpu.memory_space<vmem>> -> memref<1x8x512xi32, #tpu.memory_space<vmem>>
        %dma_start3A_1397 = tpu.memref_squeeze %dma_start3A_1396 : memref<1x8x512xi32, #tpu.memory_space<vmem>> -> memref<8x512xi32, #tpu.memory_space<vmem>>
        %dma_start3A_1398 = tpu.memref_slice %arg2[%mul3A_1373, %add3A_1392] : memref<200x16384xi32, #tpu.memory_space<hbm>> -> memref<8x512xi32, #tpu.memory_space<hbm>>
        %dma_start3A_1399 = arith.constant 0 : i32
        %dma_start3A_1400 = arith.constant 0 : i32
        %dma_start3A_1401 = tpu.memref_slice %arg6[%dma_start3A_1393, %dma_start3A_1399, %dma_start3A_1400] : memref<8x8x512xi32, #tpu.memory_space<vmem>> -> memref<1x8x512xi32, #tpu.memory_space<vmem>>
        %dma_start3A_1402 = tpu.memref_squeeze %dma_start3A_1401 : memref<1x8x512xi32, #tpu.memory_space<vmem>> -> memref<8x512xi32, #tpu.memory_space<vmem>>
        %dma_start3A_1403 = tpu.memref_slice %arg2[%mul3A_1373, %add3A_1392] : memref<200x16384xi32, #tpu.memory_space<hbm>> -> memref<8x512xi32, #tpu.memory_space<hbm>>
        tpu.enqueue_dma source(%dma_start3A_1403 : memref<8x512xi32, #tpu.memory_space<hbm>>) target(%dma_start3A_1402 : memref<8x512xi32, #tpu.memory_space<vmem>>) target_semaphore(%arg10 : memref<!tpu.dma_semaphore, #tpu.memory_space<semaphore_mem>>)
      } else {
      }
      %mul3A_691 = arith.constant 8 : i32
      %mul3A_692 = arith.muli %scan3A_310, %mul3A_691 : i32
      %add3A_693 = arith.constant 3 : i32
      %add3A_694 = arith.addi %mul3A_692, %add3A_693 : i32
      %jit3A_695 = arith.constant 1 : i32
      %div3A_696 = arith.divsi %add3A_694, %jit3A_695 : i32
      %sign3A_697 = arith.constant 0 : i32
      %sign3A_698 = arith.cmpi sgt, %add3A_694, %sign3A_697 : i32
      %sign3A_699 = arith.extui %sign3A_698 : i1 to i32
      %sign3A_700 = arith.constant 0 : i32
      %sign3A_701 = arith.cmpi slt, %add3A_694, %sign3A_700 : i32
      %sign3A_702 = arith.extui %sign3A_701 : i1 to i32
      %sign3A_703 = arith.subi %sign3A_699, %sign3A_702 : i32
      %sign3A_704 = arith.constant 0 : i32
      %sign3A_705 = arith.cmpi sgt, %jit3A_695, %sign3A_704 : i32
      %sign3A_706 = arith.extui %sign3A_705 : i1 to i32
      %sign3A_707 = arith.constant 0 : i32
      %sign3A_708 = arith.cmpi slt, %jit3A_695, %sign3A_707 : i32
      %sign3A_709 = arith.extui %sign3A_708 : i1 to i32
      %sign3A_710 = arith.subi %sign3A_706, %sign3A_709 : i32
      %ne3A_711 = arith.cmpi ne, %sign3A_703, %sign3A_710 : i32
      %rem3A_712 = arith.remsi %add3A_694, %jit3A_695 : i32
      %ne3A_713 = arith.constant 0 : i32
      %ne3A_714 = arith.cmpi ne, %rem3A_712, %ne3A_713 : i32
      %and3A_715 = arith.andi %ne3A_711, %ne3A_714 : i1
      %sub3A_716 = arith.constant 1 : i32
      %sub3A_717 = arith.subi %div3A_696, %sub3A_716 : i32
      %select_n3A_718 = arith.select %and3A_715, %sub3A_717, %div3A_696 : i32
      %mul3A_719 = arith.constant 8 : i32
      %mul3A_720 = arith.muli %select_n3A_718, %mul3A_719 : i32
      %jit3A_721 = arith.constant 1 : i32
      %eq3A_722 = arith.constant 0 : i32
      %eq3A_723 = arith.cmpi eq, %jit3A_721, %eq3A_722 : i32
      %jit3A_724 = arith.constant 1 : i32
      %select_n3A_725 = arith.select %eq3A_723, %jit3A_724, %jit3A_721 : i32
      %rem3A_726 = arith.remsi %add3A_694, %select_n3A_725 : i32
      %ne3A_727 = arith.constant 0 : i32
      %ne3A_728 = arith.cmpi ne, %rem3A_726, %ne3A_727 : i32
      %lt3A_729 = arith.constant 0 : i32
      %lt3A_730 = arith.cmpi slt, %rem3A_726, %lt3A_729 : i32
      %lt3A_731 = arith.constant 0 : i32
      %lt3A_732 = arith.cmpi slt, %select_n3A_725, %lt3A_731 : i32
      %ne3A_733 = arith.xori %lt3A_730, %lt3A_732 : i1
      %and3A_734 = arith.andi %ne3A_733, %ne3A_728 : i1
      %add3A_735 = arith.addi %rem3A_726, %select_n3A_725 : i32
      %select_n3A_736 = arith.select %and3A_734, %add3A_735, %rem3A_726 : i32
      %mul3A_737 = arith.constant 512 : i32
      %mul3A_738 = arith.muli %select_n3A_736, %mul3A_737 : i32
      %add3A_739 = arith.addi %mul3A_2, %mul3A_738 : i32
      %dma_wait3A_740 = arith.constant 3 : i32
      %dma_wait3A_741 = arith.constant 0 : i32
      %dma_wait3A_742 = arith.constant 0 : i32
      %dma_wait3A_743 = tpu.memref_slice %arg6[%dma_wait3A_740, %dma_wait3A_741, %dma_wait3A_742] : memref<8x8x512xi32, #tpu.memory_space<vmem>> -> memref<1x8x512xi32, #tpu.memory_space<vmem>>
      %dma_wait3A_744 = tpu.memref_squeeze %dma_wait3A_743 : memref<1x8x512xi32, #tpu.memory_space<vmem>> -> memref<8x512xi32, #tpu.memory_space<vmem>>
      %dma_wait3A_745 = tpu.memref_slice %arg2[%mul3A_720, %add3A_739] : memref<200x16384xi32, #tpu.memory_space<hbm>> -> memref<8x512xi32, #tpu.memory_space<hbm>>
      %dma_wait3A_746 = arith.constant 0 : i32
      %dma_wait3A_747 = arith.constant 0 : i32
      %dma_wait3A_748 = tpu.memref_slice %arg6[%dma_wait3A_740, %dma_wait3A_746, %dma_wait3A_747] : memref<8x8x512xi32, #tpu.memory_space<vmem>> -> memref<1x8x512xi32, #tpu.memory_space<vmem>>
      %dma_wait3A_749 = tpu.memref_squeeze %dma_wait3A_748 : memref<1x8x512xi32, #tpu.memory_space<vmem>> -> memref<8x512xi32, #tpu.memory_space<vmem>>
      %dma_wait3A_750 = tpu.memref_slice %arg2[%mul3A_720, %add3A_739] : memref<200x16384xi32, #tpu.memory_space<hbm>> -> memref<8x512xi32, #tpu.memory_space<hbm>>
      tpu.wait_dma2 semaphore(%arg11 : memref<!tpu.dma_semaphore, #tpu.memory_space<semaphore_mem>>) src(%dma_wait3A_750 : memref<8x512xi32, #tpu.memory_space<hbm>>) dst(%dma_wait3A_749 : memref<8x512xi32, #tpu.memory_space<vmem>>)
      %gt3A_751 = arith.constant 0 : i32
      %gt3A_752 = arith.cmpi sgt, %scan3A_310, %gt3A_751 : i32
      %convert_element_type3A_753 = arith.extui %gt3A_752 : i1 to i32
      %cond3A_754 = arith.constant 0 : i32
      %cond3A_755 = arith.cmpi ne, %convert_element_type3A_753, %cond3A_754 : i32
      scf.if %cond3A_755 {
        %sub3A_1346 = arith.constant 8 : i32
        %sub3A_1347 = arith.subi %add3A_694, %sub3A_1346 : i32
        %jit3A_1348 = arith.constant 1 : i32
        %div3A_1349 = arith.divsi %sub3A_1347, %jit3A_1348 : i32
        %sign3A_1350 = arith.constant 0 : i32
        %sign3A_1351 = arith.cmpi sgt, %sub3A_1347, %sign3A_1350 : i32
        %sign3A_1352 = arith.extui %sign3A_1351 : i1 to i32
        %sign3A_1353 = arith.constant 0 : i32
        %sign3A_1354 = arith.cmpi slt, %sub3A_1347, %sign3A_1353 : i32
        %sign3A_1355 = arith.extui %sign3A_1354 : i1 to i32
        %sign3A_1356 = arith.subi %sign3A_1352, %sign3A_1355 : i32
        %sign3A_1357 = arith.constant 0 : i32
        %sign3A_1358 = arith.cmpi sgt, %jit3A_1348, %sign3A_1357 : i32
        %sign3A_1359 = arith.extui %sign3A_1358 : i1 to i32
        %sign3A_1360 = arith.constant 0 : i32
        %sign3A_1361 = arith.cmpi slt, %jit3A_1348, %sign3A_1360 : i32
        %sign3A_1362 = arith.extui %sign3A_1361 : i1 to i32
        %sign3A_1363 = arith.subi %sign3A_1359, %sign3A_1362 : i32
        %ne3A_1364 = arith.cmpi ne, %sign3A_1356, %sign3A_1363 : i32
        %rem3A_1365 = arith.remsi %sub3A_1347, %jit3A_1348 : i32
        %ne3A_1366 = arith.constant 0 : i32
        %ne3A_1367 = arith.cmpi ne, %rem3A_1365, %ne3A_1366 : i32
        %and3A_1368 = arith.andi %ne3A_1364, %ne3A_1367 : i1
        %sub3A_1369 = arith.constant 1 : i32
        %sub3A_1370 = arith.subi %div3A_1349, %sub3A_1369 : i32
        %select_n3A_1371 = arith.select %and3A_1368, %sub3A_1370, %div3A_1349 : i32
        %mul3A_1372 = arith.constant 8 : i32
        %mul3A_1373 = arith.muli %select_n3A_1371, %mul3A_1372 : i32
        %jit3A_1374 = arith.constant 1 : i32
        %eq3A_1375 = arith.constant 0 : i32
        %eq3A_1376 = arith.cmpi eq, %jit3A_1374, %eq3A_1375 : i32
        %jit3A_1377 = arith.constant 1 : i32
        %select_n3A_1378 = arith.select %eq3A_1376, %jit3A_1377, %jit3A_1374 : i32
        %rem3A_1379 = arith.remsi %sub3A_1347, %select_n3A_1378 : i32
        %ne3A_1380 = arith.constant 0 : i32
        %ne3A_1381 = arith.cmpi ne, %rem3A_1379, %ne3A_1380 : i32
        %lt3A_1382 = arith.constant 0 : i32
        %lt3A_1383 = arith.cmpi slt, %rem3A_1379, %lt3A_1382 : i32
        %lt3A_1384 = arith.constant 0 : i32
        %lt3A_1385 = arith.cmpi slt, %select_n3A_1378, %lt3A_1384 : i32
        %ne3A_1386 = arith.xori %lt3A_1383, %lt3A_1385 : i1
        %and3A_1387 = arith.andi %ne3A_1386, %ne3A_1381 : i1
        %add3A_1388 = arith.addi %rem3A_1379, %select_n3A_1378 : i32
        %select_n3A_1389 = arith.select %and3A_1387, %add3A_1388, %rem3A_1379 : i32
        %mul3A_1390 = arith.constant 512 : i32
        %mul3A_1391 = arith.muli %select_n3A_1389, %mul3A_1390 : i32
        %add3A_1392 = arith.addi %mul3A_2, %mul3A_1391 : i32
        %dma_wait3A_1393 = arith.constant 3 : i32
        %dma_wait3A_1394 = arith.constant 0 : i32
        %dma_wait3A_1395 = arith.constant 0 : i32
        %dma_wait3A_1396 = tpu.memref_slice %arg7[%dma_wait3A_1393, %dma_wait3A_1394, %dma_wait3A_1395] : memref<8x8x512xi32, #tpu.memory_space<vmem>> -> memref<1x8x512xi32, #tpu.memory_space<vmem>>
        %dma_wait3A_1397 = tpu.memref_squeeze %dma_wait3A_1396 : memref<1x8x512xi32, #tpu.memory_space<vmem>> -> memref<8x512xi32, #tpu.memory_space<vmem>>
        %dma_wait3A_1398 = tpu.memref_slice %arg4[%mul3A_1373, %add3A_1392] : memref<200x16384xi32, #tpu.memory_space<hbm>> -> memref<8x512xi32, #tpu.memory_space<hbm>>
        %dma_wait3A_1399 = tpu.memref_slice %arg4[%mul3A_1373, %add3A_1392] : memref<200x16384xi32, #tpu.memory_space<hbm>> -> memref<8x512xi32, #tpu.memory_space<hbm>>
        %dma_wait3A_1400 = arith.constant 0 : i32
        %dma_wait3A_1401 = arith.constant 0 : i32
        %dma_wait3A_1402 = tpu.memref_slice %arg7[%dma_wait3A_1393, %dma_wait3A_1400, %dma_wait3A_1401] : memref<8x8x512xi32, #tpu.memory_space<vmem>> -> memref<1x8x512xi32, #tpu.memory_space<vmem>>
        %dma_wait3A_1403 = tpu.memref_squeeze %dma_wait3A_1402 : memref<1x8x512xi32, #tpu.memory_space<vmem>> -> memref<8x512xi32, #tpu.memory_space<vmem>>
        tpu.wait_dma2 semaphore(%arg19 : memref<!tpu.dma_semaphore, #tpu.memory_space<semaphore_mem>>) src(%dma_wait3A_1403 : memref<8x512xi32, #tpu.memory_space<vmem>>) dst(%dma_wait3A_1399 : memref<8x512xi32, #tpu.memory_space<hbm>>)
      } else {
      }
      %parallel_loop3A_756 = arith.constant 0 : i32
      %parallel_loop3A_757 = arith.constant 256 : i32
      %parallel_loop3A_758 = arith.constant 1 : i32
      scf.for %parallel_loop3A_1346 = %parallel_loop3A_756 to %parallel_loop3A_757 step %parallel_loop3A_758  : i32 {
        %parallel_loop3A_1347 = arith.constant 5 : i32
        %parallel_loop3A_1348 = arith.shrsi %parallel_loop3A_1346, %parallel_loop3A_1347 : i32
        %parallel_loop3A_1349 = arith.constant 31 : i32
        %parallel_loop3A_1350 = arith.andi %parallel_loop3A_1346, %parallel_loop3A_1349 : i32
        %parallel_loop3A_1351 = arith.constant 16 : i32
        %parallel_loop3A_1352 = arith.muli %parallel_loop3A_1350, %parallel_loop3A_1351 : i32
        %parallel_loop3A_1353 = arith.constant 3 : i32
        %parallel_loop3A_1354 = arith.index_cast %parallel_loop3A_1353 : i32 to index
        %parallel_loop3A_1355 = arith.index_cast %parallel_loop3A_1348 : i32 to index
        %parallel_loop3A_1356 = arith.index_cast %parallel_loop3A_1352 : i32 to index
        %parallel_loop3A_1357 = tpu.vector_load %arg6[%parallel_loop3A_1354, %parallel_loop3A_1355, %parallel_loop3A_1356] {strides = array<i32>} : memref<8x8x512xi32, #tpu.memory_space<vmem>>, vector<16xi32>,
        %parallel_loop3A_1358 = arith.constant 120 : i32
        %parallel_loop3A_1359 = vector.broadcast %parallel_loop3A_1358 : i32 to vector<16xi32>
        %parallel_loop3A_1360 = arith.addi %parallel_loop3A_1357, %parallel_loop3A_1359 : vector<16xi32>
        %parallel_loop3A_1361 = vector.bitcast %parallel_loop3A_1360 : vector<16xi32> to vector<16xi32>
        %parallel_loop3A_1362 = arith.constant 240 : i32
        %parallel_loop3A_1363 = vector.broadcast %parallel_loop3A_1362 : i32 to vector<16xi32>
        %parallel_loop3A_1364 = arith.minui %parallel_loop3A_1361, %parallel_loop3A_1363 : vector<16xi32>
        %parallel_loop3A_1365 = vector.bitcast %parallel_loop3A_1364 : vector<16xi32> to vector<16xi32>
        %parallel_loop3A_1366 = tpu.vector_load_idx %arg5[%parallel_loop3A_1365] : memref<256xi32, #tpu.memory_space<vmem>>[vector<16xi32>], vector<16xi32>,
        %parallel_loop3A_1367 = arith.constant 3 : i32
        %parallel_loop3A_1368 = arith.index_cast %parallel_loop3A_1367 : i32 to index
        %parallel_loop3A_1369 = arith.index_cast %parallel_loop3A_1348 : i32 to index
        %parallel_loop3A_1370 = arith.index_cast %parallel_loop3A_1352 : i32 to index
        %parallel_loop3A_1371 = tpu.vector_load %arg7[%parallel_loop3A_1368, %parallel_loop3A_1369, %parallel_loop3A_1370] {strides = array<i32>} : memref<8x8x512xi32, #tpu.memory_space<vmem>>, vector<16xi32>,
        tpu.vector_store %arg7[%parallel_loop3A_1368, %parallel_loop3A_1369, %parallel_loop3A_1370], %parallel_loop3A_1366 {strides = array<i32>} : memref<8x8x512xi32, #tpu.memory_space<vmem>>, vector<16xi32>,
      } {sc.loop_unroll_factor = 8 : i64, sc.parallel_access}
      %jit3A_759 = arith.constant 1 : i32
      %div3A_760 = arith.divsi %add3A_694, %jit3A_759 : i32
      %sign3A_761 = arith.constant 0 : i32
      %sign3A_762 = arith.cmpi sgt, %add3A_694, %sign3A_761 : i32
      %sign3A_763 = arith.extui %sign3A_762 : i1 to i32
      %sign3A_764 = arith.constant 0 : i32
      %sign3A_765 = arith.cmpi slt, %add3A_694, %sign3A_764 : i32
      %sign3A_766 = arith.extui %sign3A_765 : i1 to i32
      %sign3A_767 = arith.subi %sign3A_763, %sign3A_766 : i32
      %sign3A_768 = arith.constant 0 : i32
      %sign3A_769 = arith.cmpi sgt, %jit3A_759, %sign3A_768 : i32
      %sign3A_770 = arith.extui %sign3A_769 : i1 to i32
      %sign3A_771 = arith.constant 0 : i32
      %sign3A_772 = arith.cmpi slt, %jit3A_759, %sign3A_771 : i32
      %sign3A_773 = arith.extui %sign3A_772 : i1 to i32
      %sign3A_774 = arith.subi %sign3A_770, %sign3A_773 : i32
      %ne3A_775 = arith.cmpi ne, %sign3A_767, %sign3A_774 : i32
      %rem3A_776 = arith.remsi %add3A_694, %jit3A_759 : i32
      %ne3A_777 = arith.constant 0 : i32
      %ne3A_778 = arith.cmpi ne, %rem3A_776, %ne3A_777 : i32
      %and3A_779 = arith.andi %ne3A_775, %ne3A_778 : i1
      %sub3A_780 = arith.constant 1 : i32
      %sub3A_781 = arith.subi %div3A_760, %sub3A_780 : i32
      %select_n3A_782 = arith.select %and3A_779, %sub3A_781, %div3A_760 : i32
      %mul3A_783 = arith.constant 8 : i32
      %mul3A_784 = arith.muli %select_n3A_782, %mul3A_783 : i32
      %jit3A_785 = arith.constant 1 : i32
      %eq3A_786 = arith.constant 0 : i32
      %eq3A_787 = arith.cmpi eq, %jit3A_785, %eq3A_786 : i32
      %jit3A_788 = arith.constant 1 : i32
      %select_n3A_789 = arith.select %eq3A_787, %jit3A_788, %jit3A_785 : i32
      %rem3A_790 = arith.remsi %add3A_694, %select_n3A_789 : i32
      %ne3A_791 = arith.constant 0 : i32
      %ne3A_792 = arith.cmpi ne, %rem3A_790, %ne3A_791 : i32
      %lt3A_793 = arith.constant 0 : i32
      %lt3A_794 = arith.cmpi slt, %rem3A_790, %lt3A_793 : i32
      %lt3A_795 = arith.constant 0 : i32
      %lt3A_796 = arith.cmpi slt, %select_n3A_789, %lt3A_795 : i32
      %ne3A_797 = arith.xori %lt3A_794, %lt3A_796 : i1
      %and3A_798 = arith.andi %ne3A_797, %ne3A_792 : i1
      %add3A_799 = arith.addi %rem3A_790, %select_n3A_789 : i32
      %select_n3A_800 = arith.select %and3A_798, %add3A_799, %rem3A_790 : i32
      %mul3A_801 = arith.constant 512 : i32
      %mul3A_802 = arith.muli %select_n3A_800, %mul3A_801 : i32
      %add3A_803 = arith.addi %mul3A_2, %mul3A_802 : i32
      %dma_start3A_804 = arith.constant 3 : i32
      %dma_start3A_805 = arith.constant 0 : i32
      %dma_start3A_806 = arith.constant 0 : i32
      %dma_start3A_807 = tpu.memref_slice %arg7[%dma_start3A_804, %dma_start3A_805, %dma_start3A_806] : memref<8x8x512xi32, #tpu.memory_space<vmem>> -> memref<1x8x512xi32, #tpu.memory_space<vmem>>
      %dma_start3A_808 = tpu.memref_squeeze %dma_start3A_807 : memref<1x8x512xi32, #tpu.memory_space<vmem>> -> memref<8x512xi32, #tpu.memory_space<vmem>>
      %dma_start3A_809 = tpu.memref_slice %arg4[%mul3A_784, %add3A_803] : memref<200x16384xi32, #tpu.memory_space<hbm>> -> memref<8x512xi32, #tpu.memory_space<hbm>>
      %dma_start3A_810 = tpu.memref_slice %arg4[%mul3A_784, %add3A_803] : memref<200x16384xi32, #tpu.memory_space<hbm>> -> memref<8x512xi32, #tpu.memory_space<hbm>>
      %dma_start3A_811 = arith.constant 0 : i32
      %dma_start3A_812 = arith.constant 0 : i32
      %dma_start3A_813 = tpu.memref_slice %arg7[%dma_start3A_804, %dma_start3A_811, %dma_start3A_812] : memref<8x8x512xi32, #tpu.memory_space<vmem>> -> memref<1x8x512xi32, #tpu.memory_space<vmem>>
      %dma_start3A_814 = tpu.memref_squeeze %dma_start3A_813 : memref<1x8x512xi32, #tpu.memory_space<vmem>> -> memref<8x512xi32, #tpu.memory_space<vmem>>
      tpu.enqueue_dma source(%dma_start3A_814 : memref<8x512xi32, #tpu.memory_space<vmem>>) target(%dma_start3A_810 : memref<8x512xi32, #tpu.memory_space<hbm>>) target_semaphore(%arg19 : memref<!tpu.dma_semaphore, #tpu.memory_space<semaphore_mem>>)
      %add3A_815 = arith.constant 8 : i32
      %add3A_816 = arith.addi %add3A_694, %add3A_815 : i32
      %lt3A_817 = arith.constant 24 : i32
      %lt3A_818 = arith.cmpi slt, %add3A_816, %lt3A_817 : i32
      %convert_element_type3A_819 = arith.extui %lt3A_818 : i1 to i32
      %cond3A_820 = arith.constant 0 : i32
      %cond3A_821 = arith.cmpi ne, %convert_element_type3A_819, %cond3A_820 : i32
      scf.if %cond3A_821 {
        %add3A_1346 = arith.constant 8 : i32
        %add3A_1347 = arith.addi %add3A_694, %add3A_1346 : i32
        %jit3A_1348 = arith.constant 1 : i32
        %div3A_1349 = arith.divsi %add3A_1347, %jit3A_1348 : i32
        %sign3A_1350 = arith.constant 0 : i32
        %sign3A_1351 = arith.cmpi sgt, %add3A_1347, %sign3A_1350 : i32
        %sign3A_1352 = arith.extui %sign3A_1351 : i1 to i32
        %sign3A_1353 = arith.constant 0 : i32
        %sign3A_1354 = arith.cmpi slt, %add3A_1347, %sign3A_1353 : i32
        %sign3A_1355 = arith.extui %sign3A_1354 : i1 to i32
        %sign3A_1356 = arith.subi %sign3A_1352, %sign3A_1355 : i32
        %sign3A_1357 = arith.constant 0 : i32
        %sign3A_1358 = arith.cmpi sgt, %jit3A_1348, %sign3A_1357 : i32
        %sign3A_1359 = arith.extui %sign3A_1358 : i1 to i32
        %sign3A_1360 = arith.constant 0 : i32
        %sign3A_1361 = arith.cmpi slt, %jit3A_1348, %sign3A_1360 : i32
        %sign3A_1362 = arith.extui %sign3A_1361 : i1 to i32
        %sign3A_1363 = arith.subi %sign3A_1359, %sign3A_1362 : i32
        %ne3A_1364 = arith.cmpi ne, %sign3A_1356, %sign3A_1363 : i32
        %rem3A_1365 = arith.remsi %add3A_1347, %jit3A_1348 : i32
        %ne3A_1366 = arith.constant 0 : i32
        %ne3A_1367 = arith.cmpi ne, %rem3A_1365, %ne3A_1366 : i32
        %and3A_1368 = arith.andi %ne3A_1364, %ne3A_1367 : i1
        %sub3A_1369 = arith.constant 1 : i32
        %sub3A_1370 = arith.subi %div3A_1349, %sub3A_1369 : i32
        %select_n3A_1371 = arith.select %and3A_1368, %sub3A_1370, %div3A_1349 : i32
        %mul3A_1372 = arith.constant 8 : i32
        %mul3A_1373 = arith.muli %select_n3A_1371, %mul3A_1372 : i32
        %jit3A_1374 = arith.constant 1 : i32
        %eq3A_1375 = arith.constant 0 : i32
        %eq3A_1376 = arith.cmpi eq, %jit3A_1374, %eq3A_1375 : i32
        %jit3A_1377 = arith.constant 1 : i32
        %select_n3A_1378 = arith.select %eq3A_1376, %jit3A_1377, %jit3A_1374 : i32
        %rem3A_1379 = arith.remsi %add3A_1347, %select_n3A_1378 : i32
        %ne3A_1380 = arith.constant 0 : i32
        %ne3A_1381 = arith.cmpi ne, %rem3A_1379, %ne3A_1380 : i32
        %lt3A_1382 = arith.constant 0 : i32
        %lt3A_1383 = arith.cmpi slt, %rem3A_1379, %lt3A_1382 : i32
        %lt3A_1384 = arith.constant 0 : i32
        %lt3A_1385 = arith.cmpi slt, %select_n3A_1378, %lt3A_1384 : i32
        %ne3A_1386 = arith.xori %lt3A_1383, %lt3A_1385 : i1
        %and3A_1387 = arith.andi %ne3A_1386, %ne3A_1381 : i1
        %add3A_1388 = arith.addi %rem3A_1379, %select_n3A_1378 : i32
        %select_n3A_1389 = arith.select %and3A_1387, %add3A_1388, %rem3A_1379 : i32
        %mul3A_1390 = arith.constant 512 : i32
        %mul3A_1391 = arith.muli %select_n3A_1389, %mul3A_1390 : i32
        %add3A_1392 = arith.addi %mul3A_2, %mul3A_1391 : i32
        %dma_start3A_1393 = arith.constant 3 : i32
        %dma_start3A_1394 = arith.constant 0 : i32
        %dma_start3A_1395 = arith.constant 0 : i32
        %dma_start3A_1396 = tpu.memref_slice %arg6[%dma_start3A_1393, %dma_start3A_1394, %dma_start3A_1395] : memref<8x8x512xi32, #tpu.memory_space<vmem>> -> memref<1x8x512xi32, #tpu.memory_space<vmem>>
        %dma_start3A_1397 = tpu.memref_squeeze %dma_start3A_1396 : memref<1x8x512xi32, #tpu.memory_space<vmem>> -> memref<8x512xi32, #tpu.memory_space<vmem>>
        %dma_start3A_1398 = tpu.memref_slice %arg2[%mul3A_1373, %add3A_1392] : memref<200x16384xi32, #tpu.memory_space<hbm>> -> memref<8x512xi32, #tpu.memory_space<hbm>>
        %dma_start3A_1399 = arith.constant 0 : i32
        %dma_start3A_1400 = arith.constant 0 : i32
        %dma_start3A_1401 = tpu.memref_slice %arg6[%dma_start3A_1393, %dma_start3A_1399, %dma_start3A_1400] : memref<8x8x512xi32, #tpu.memory_space<vmem>> -> memref<1x8x512xi32, #tpu.memory_space<vmem>>
        %dma_start3A_1402 = tpu.memref_squeeze %dma_start3A_1401 : memref<1x8x512xi32, #tpu.memory_space<vmem>> -> memref<8x512xi32, #tpu.memory_space<vmem>>
        %dma_start3A_1403 = tpu.memref_slice %arg2[%mul3A_1373, %add3A_1392] : memref<200x16384xi32, #tpu.memory_space<hbm>> -> memref<8x512xi32, #tpu.memory_space<hbm>>
        tpu.enqueue_dma source(%dma_start3A_1403 : memref<8x512xi32, #tpu.memory_space<hbm>>) target(%dma_start3A_1402 : memref<8x512xi32, #tpu.memory_space<vmem>>) target_semaphore(%arg11 : memref<!tpu.dma_semaphore, #tpu.memory_space<semaphore_mem>>)
      } else {
      }
      %mul3A_822 = arith.constant 8 : i32
      %mul3A_823 = arith.muli %scan3A_310, %mul3A_822 : i32
      %add3A_824 = arith.constant 4 : i32
      %add3A_825 = arith.addi %mul3A_823, %add3A_824 : i32
      %jit3A_826 = arith.constant 1 : i32
      %div3A_827 = arith.divsi %add3A_825, %jit3A_826 : i32
      %sign3A_828 = arith.constant 0 : i32
      %sign3A_829 = arith.cmpi sgt, %add3A_825, %sign3A_828 : i32
      %sign3A_830 = arith.extui %sign3A_829 : i1 to i32
      %sign3A_831 = arith.constant 0 : i32
      %sign3A_832 = arith.cmpi slt, %add3A_825, %sign3A_831 : i32
      %sign3A_833 = arith.extui %sign3A_832 : i1 to i32
      %sign3A_834 = arith.subi %sign3A_830, %sign3A_833 : i32
      %sign3A_835 = arith.constant 0 : i32
      %sign3A_836 = arith.cmpi sgt, %jit3A_826, %sign3A_835 : i32
      %sign3A_837 = arith.extui %sign3A_836 : i1 to i32
      %sign3A_838 = arith.constant 0 : i32
      %sign3A_839 = arith.cmpi slt, %jit3A_826, %sign3A_838 : i32
      %sign3A_840 = arith.extui %sign3A_839 : i1 to i32
      %sign3A_841 = arith.subi %sign3A_837, %sign3A_840 : i32
      %ne3A_842 = arith.cmpi ne, %sign3A_834, %sign3A_841 : i32
      %rem3A_843 = arith.remsi %add3A_825, %jit3A_826 : i32
      %ne3A_844 = arith.constant 0 : i32
      %ne3A_845 = arith.cmpi ne, %rem3A_843, %ne3A_844 : i32
      %and3A_846 = arith.andi %ne3A_842, %ne3A_845 : i1
      %sub3A_847 = arith.constant 1 : i32
      %sub3A_848 = arith.subi %div3A_827, %sub3A_847 : i32
      %select_n3A_849 = arith.select %and3A_846, %sub3A_848, %div3A_827 : i32
      %mul3A_850 = arith.constant 8 : i32
      %mul3A_851 = arith.muli %select_n3A_849, %mul3A_850 : i32
      %jit3A_852 = arith.constant 1 : i32
      %eq3A_853 = arith.constant 0 : i32
      %eq3A_854 = arith.cmpi eq, %jit3A_852, %eq3A_853 : i32
      %jit3A_855 = arith.constant 1 : i32
      %select_n3A_856 = arith.select %eq3A_854, %jit3A_855, %jit3A_852 : i32
      %rem3A_857 = arith.remsi %add3A_825, %select_n3A_856 : i32
      %ne3A_858 = arith.constant 0 : i32
      %ne3A_859 = arith.cmpi ne, %rem3A_857, %ne3A_858 : i32
      %lt3A_860 = arith.constant 0 : i32
      %lt3A_861 = arith.cmpi slt, %rem3A_857, %lt3A_860 : i32
      %lt3A_862 = arith.constant 0 : i32
      %lt3A_863 = arith.cmpi slt, %select_n3A_856, %lt3A_862 : i32
      %ne3A_864 = arith.xori %lt3A_861, %lt3A_863 : i1
      %and3A_865 = arith.andi %ne3A_864, %ne3A_859 : i1
      %add3A_866 = arith.addi %rem3A_857, %select_n3A_856 : i32
      %select_n3A_867 = arith.select %and3A_865, %add3A_866, %rem3A_857 : i32
      %mul3A_868 = arith.constant 512 : i32
      %mul3A_869 = arith.muli %select_n3A_867, %mul3A_868 : i32
      %add3A_870 = arith.addi %mul3A_2, %mul3A_869 : i32
      %dma_wait3A_871 = arith.constant 4 : i32
      %dma_wait3A_872 = arith.constant 0 : i32
      %dma_wait3A_873 = arith.constant 0 : i32
      %dma_wait3A_874 = tpu.memref_slice %arg6[%dma_wait3A_871, %dma_wait3A_872, %dma_wait3A_873] : memref<8x8x512xi32, #tpu.memory_space<vmem>> -> memref<1x8x512xi32, #tpu.memory_space<vmem>>
      %dma_wait3A_875 = tpu.memref_squeeze %dma_wait3A_874 : memref<1x8x512xi32, #tpu.memory_space<vmem>> -> memref<8x512xi32, #tpu.memory_space<vmem>>
      %dma_wait3A_876 = tpu.memref_slice %arg2[%mul3A_851, %add3A_870] : memref<200x16384xi32, #tpu.memory_space<hbm>> -> memref<8x512xi32, #tpu.memory_space<hbm>>
      %dma_wait3A_877 = arith.constant 0 : i32
      %dma_wait3A_878 = arith.constant 0 : i32
      %dma_wait3A_879 = tpu.memref_slice %arg6[%dma_wait3A_871, %dma_wait3A_877, %dma_wait3A_878] : memref<8x8x512xi32, #tpu.memory_space<vmem>> -> memref<1x8x512xi32, #tpu.memory_space<vmem>>
      %dma_wait3A_880 = tpu.memref_squeeze %dma_wait3A_879 : memref<1x8x512xi32, #tpu.memory_space<vmem>> -> memref<8x512xi32, #tpu.memory_space<vmem>>
      %dma_wait3A_881 = tpu.memref_slice %arg2[%mul3A_851, %add3A_870] : memref<200x16384xi32, #tpu.memory_space<hbm>> -> memref<8x512xi32, #tpu.memory_space<hbm>>
      tpu.wait_dma2 semaphore(%arg12 : memref<!tpu.dma_semaphore, #tpu.memory_space<semaphore_mem>>) src(%dma_wait3A_881 : memref<8x512xi32, #tpu.memory_space<hbm>>) dst(%dma_wait3A_880 : memref<8x512xi32, #tpu.memory_space<vmem>>)
      %gt3A_882 = arith.constant 0 : i32
      %gt3A_883 = arith.cmpi sgt, %scan3A_310, %gt3A_882 : i32
      %convert_element_type3A_884 = arith.extui %gt3A_883 : i1 to i32
      %cond3A_885 = arith.constant 0 : i32
      %cond3A_886 = arith.cmpi ne, %convert_element_type3A_884, %cond3A_885 : i32
      scf.if %cond3A_886 {
        %sub3A_1346 = arith.constant 8 : i32
        %sub3A_1347 = arith.subi %add3A_825, %sub3A_1346 : i32
        %jit3A_1348 = arith.constant 1 : i32
        %div3A_1349 = arith.divsi %sub3A_1347, %jit3A_1348 : i32
        %sign3A_1350 = arith.constant 0 : i32
        %sign3A_1351 = arith.cmpi sgt, %sub3A_1347, %sign3A_1350 : i32
        %sign3A_1352 = arith.extui %sign3A_1351 : i1 to i32
        %sign3A_1353 = arith.constant 0 : i32
        %sign3A_1354 = arith.cmpi slt, %sub3A_1347, %sign3A_1353 : i32
        %sign3A_1355 = arith.extui %sign3A_1354 : i1 to i32
        %sign3A_1356 = arith.subi %sign3A_1352, %sign3A_1355 : i32
        %sign3A_1357 = arith.constant 0 : i32
        %sign3A_1358 = arith.cmpi sgt, %jit3A_1348, %sign3A_1357 : i32
        %sign3A_1359 = arith.extui %sign3A_1358 : i1 to i32
        %sign3A_1360 = arith.constant 0 : i32
        %sign3A_1361 = arith.cmpi slt, %jit3A_1348, %sign3A_1360 : i32
        %sign3A_1362 = arith.extui %sign3A_1361 : i1 to i32
        %sign3A_1363 = arith.subi %sign3A_1359, %sign3A_1362 : i32
        %ne3A_1364 = arith.cmpi ne, %sign3A_1356, %sign3A_1363 : i32
        %rem3A_1365 = arith.remsi %sub3A_1347, %jit3A_1348 : i32
        %ne3A_1366 = arith.constant 0 : i32
        %ne3A_1367 = arith.cmpi ne, %rem3A_1365, %ne3A_1366 : i32
        %and3A_1368 = arith.andi %ne3A_1364, %ne3A_1367 : i1
        %sub3A_1369 = arith.constant 1 : i32
        %sub3A_1370 = arith.subi %div3A_1349, %sub3A_1369 : i32
        %select_n3A_1371 = arith.select %and3A_1368, %sub3A_1370, %div3A_1349 : i32
        %mul3A_1372 = arith.constant 8 : i32
        %mul3A_1373 = arith.muli %select_n3A_1371, %mul3A_1372 : i32
        %jit3A_1374 = arith.constant 1 : i32
        %eq3A_1375 = arith.constant 0 : i32
        %eq3A_1376 = arith.cmpi eq, %jit3A_1374, %eq3A_1375 : i32
        %jit3A_1377 = arith.constant 1 : i32
        %select_n3A_1378 = arith.select %eq3A_1376, %jit3A_1377, %jit3A_1374 : i32
        %rem3A_1379 = arith.remsi %sub3A_1347, %select_n3A_1378 : i32
        %ne3A_1380 = arith.constant 0 : i32
        %ne3A_1381 = arith.cmpi ne, %rem3A_1379, %ne3A_1380 : i32
        %lt3A_1382 = arith.constant 0 : i32
        %lt3A_1383 = arith.cmpi slt, %rem3A_1379, %lt3A_1382 : i32
        %lt3A_1384 = arith.constant 0 : i32
        %lt3A_1385 = arith.cmpi slt, %select_n3A_1378, %lt3A_1384 : i32
        %ne3A_1386 = arith.xori %lt3A_1383, %lt3A_1385 : i1
        %and3A_1387 = arith.andi %ne3A_1386, %ne3A_1381 : i1
        %add3A_1388 = arith.addi %rem3A_1379, %select_n3A_1378 : i32
        %select_n3A_1389 = arith.select %and3A_1387, %add3A_1388, %rem3A_1379 : i32
        %mul3A_1390 = arith.constant 512 : i32
        %mul3A_1391 = arith.muli %select_n3A_1389, %mul3A_1390 : i32
        %add3A_1392 = arith.addi %mul3A_2, %mul3A_1391 : i32
        %dma_wait3A_1393 = arith.constant 4 : i32
        %dma_wait3A_1394 = arith.constant 0 : i32
        %dma_wait3A_1395 = arith.constant 0 : i32
        %dma_wait3A_1396 = tpu.memref_slice %arg7[%dma_wait3A_1393, %dma_wait3A_1394, %dma_wait3A_1395] : memref<8x8x512xi32, #tpu.memory_space<vmem>> -> memref<1x8x512xi32, #tpu.memory_space<vmem>>
        %dma_wait3A_1397 = tpu.memref_squeeze %dma_wait3A_1396 : memref<1x8x512xi32, #tpu.memory_space<vmem>> -> memref<8x512xi32, #tpu.memory_space<vmem>>
        %dma_wait3A_1398 = tpu.memref_slice %arg4[%mul3A_1373, %add3A_1392] : memref<200x16384xi32, #tpu.memory_space<hbm>> -> memref<8x512xi32, #tpu.memory_space<hbm>>
        %dma_wait3A_1399 = tpu.memref_slice %arg4[%mul3A_1373, %add3A_1392] : memref<200x16384xi32, #tpu.memory_space<hbm>> -> memref<8x512xi32, #tpu.memory_space<hbm>>
        %dma_wait3A_1400 = arith.constant 0 : i32
        %dma_wait3A_1401 = arith.constant 0 : i32
        %dma_wait3A_1402 = tpu.memref_slice %arg7[%dma_wait3A_1393, %dma_wait3A_1400, %dma_wait3A_1401] : memref<8x8x512xi32, #tpu.memory_space<vmem>> -> memref<1x8x512xi32, #tpu.memory_space<vmem>>
        %dma_wait3A_1403 = tpu.memref_squeeze %dma_wait3A_1402 : memref<1x8x512xi32, #tpu.memory_space<vmem>> -> memref<8x512xi32, #tpu.memory_space<vmem>>
        tpu.wait_dma2 semaphore(%arg20 : memref<!tpu.dma_semaphore, #tpu.memory_space<semaphore_mem>>) src(%dma_wait3A_1403 : memref<8x512xi32, #tpu.memory_space<vmem>>) dst(%dma_wait3A_1399 : memref<8x512xi32, #tpu.memory_space<hbm>>)
      } else {
      }
      %parallel_loop3A_887 = arith.constant 0 : i32
      %parallel_loop3A_888 = arith.constant 256 : i32
      %parallel_loop3A_889 = arith.constant 1 : i32
      scf.for %parallel_loop3A_1346 = %parallel_loop3A_887 to %parallel_loop3A_888 step %parallel_loop3A_889  : i32 {
        %parallel_loop3A_1347 = arith.constant 5 : i32
        %parallel_loop3A_1348 = arith.shrsi %parallel_loop3A_1346, %parallel_loop3A_1347 : i32
        %parallel_loop3A_1349 = arith.constant 31 : i32
        %parallel_loop3A_1350 = arith.andi %parallel_loop3A_1346, %parallel_loop3A_1349 : i32
        %parallel_loop3A_1351 = arith.constant 16 : i32
        %parallel_loop3A_1352 = arith.muli %parallel_loop3A_1350, %parallel_loop3A_1351 : i32
        %parallel_loop3A_1353 = arith.constant 4 : i32
        %parallel_loop3A_1354 = arith.index_cast %parallel_loop3A_1353 : i32 to index
        %parallel_loop3A_1355 = arith.index_cast %parallel_loop3A_1348 : i32 to index
        %parallel_loop3A_1356 = arith.index_cast %parallel_loop3A_1352 : i32 to index
        %parallel_loop3A_1357 = tpu.vector_load %arg6[%parallel_loop3A_1354, %parallel_loop3A_1355, %parallel_loop3A_1356] {strides = array<i32>} : memref<8x8x512xi32, #tpu.memory_space<vmem>>, vector<16xi32>,
        %parallel_loop3A_1358 = arith.constant 120 : i32
        %parallel_loop3A_1359 = vector.broadcast %parallel_loop3A_1358 : i32 to vector<16xi32>
        %parallel_loop3A_1360 = arith.addi %parallel_loop3A_1357, %parallel_loop3A_1359 : vector<16xi32>
        %parallel_loop3A_1361 = vector.bitcast %parallel_loop3A_1360 : vector<16xi32> to vector<16xi32>
        %parallel_loop3A_1362 = arith.constant 240 : i32
        %parallel_loop3A_1363 = vector.broadcast %parallel_loop3A_1362 : i32 to vector<16xi32>
        %parallel_loop3A_1364 = arith.minui %parallel_loop3A_1361, %parallel_loop3A_1363 : vector<16xi32>
        %parallel_loop3A_1365 = vector.bitcast %parallel_loop3A_1364 : vector<16xi32> to vector<16xi32>
        %parallel_loop3A_1366 = tpu.vector_load_idx %arg5[%parallel_loop3A_1365] : memref<256xi32, #tpu.memory_space<vmem>>[vector<16xi32>], vector<16xi32>,
        %parallel_loop3A_1367 = arith.constant 4 : i32
        %parallel_loop3A_1368 = arith.index_cast %parallel_loop3A_1367 : i32 to index
        %parallel_loop3A_1369 = arith.index_cast %parallel_loop3A_1348 : i32 to index
        %parallel_loop3A_1370 = arith.index_cast %parallel_loop3A_1352 : i32 to index
        %parallel_loop3A_1371 = tpu.vector_load %arg7[%parallel_loop3A_1368, %parallel_loop3A_1369, %parallel_loop3A_1370] {strides = array<i32>} : memref<8x8x512xi32, #tpu.memory_space<vmem>>, vector<16xi32>,
        tpu.vector_store %arg7[%parallel_loop3A_1368, %parallel_loop3A_1369, %parallel_loop3A_1370], %parallel_loop3A_1366 {strides = array<i32>} : memref<8x8x512xi32, #tpu.memory_space<vmem>>, vector<16xi32>,
      } {sc.loop_unroll_factor = 8 : i64, sc.parallel_access}
      %jit3A_890 = arith.constant 1 : i32
      %div3A_891 = arith.divsi %add3A_825, %jit3A_890 : i32
      %sign3A_892 = arith.constant 0 : i32
      %sign3A_893 = arith.cmpi sgt, %add3A_825, %sign3A_892 : i32
      %sign3A_894 = arith.extui %sign3A_893 : i1 to i32
      %sign3A_895 = arith.constant 0 : i32
      %sign3A_896 = arith.cmpi slt, %add3A_825, %sign3A_895 : i32
      %sign3A_897 = arith.extui %sign3A_896 : i1 to i32
      %sign3A_898 = arith.subi %sign3A_894, %sign3A_897 : i32
      %sign3A_899 = arith.constant 0 : i32
      %sign3A_900 = arith.cmpi sgt, %jit3A_890, %sign3A_899 : i32
      %sign3A_901 = arith.extui %sign3A_900 : i1 to i32
      %sign3A_902 = arith.constant 0 : i32
      %sign3A_903 = arith.cmpi slt, %jit3A_890, %sign3A_902 : i32
      %sign3A_904 = arith.extui %sign3A_903 : i1 to i32
      %sign3A_905 = arith.subi %sign3A_901, %sign3A_904 : i32
      %ne3A_906 = arith.cmpi ne, %sign3A_898, %sign3A_905 : i32
      %rem3A_907 = arith.remsi %add3A_825, %jit3A_890 : i32
      %ne3A_908 = arith.constant 0 : i32
      %ne3A_909 = arith.cmpi ne, %rem3A_907, %ne3A_908 : i32
      %and3A_910 = arith.andi %ne3A_906, %ne3A_909 : i1
      %sub3A_911 = arith.constant 1 : i32
      %sub3A_912 = arith.subi %div3A_891, %sub3A_911 : i32
      %select_n3A_913 = arith.select %and3A_910, %sub3A_912, %div3A_891 : i32
      %mul3A_914 = arith.constant 8 : i32
      %mul3A_915 = arith.muli %select_n3A_913, %mul3A_914 : i32
      %jit3A_916 = arith.constant 1 : i32
      %eq3A_917 = arith.constant 0 : i32
      %eq3A_918 = arith.cmpi eq, %jit3A_916, %eq3A_917 : i32
      %jit3A_919 = arith.constant 1 : i32
      %select_n3A_920 = arith.select %eq3A_918, %jit3A_919, %jit3A_916 : i32
      %rem3A_921 = arith.remsi %add3A_825, %select_n3A_920 : i32
      %ne3A_922 = arith.constant 0 : i32
      %ne3A_923 = arith.cmpi ne, %rem3A_921, %ne3A_922 : i32
      %lt3A_924 = arith.constant 0 : i32
      %lt3A_925 = arith.cmpi slt, %rem3A_921, %lt3A_924 : i32
      %lt3A_926 = arith.constant 0 : i32
      %lt3A_927 = arith.cmpi slt, %select_n3A_920, %lt3A_926 : i32
      %ne3A_928 = arith.xori %lt3A_925, %lt3A_927 : i1
      %and3A_929 = arith.andi %ne3A_928, %ne3A_923 : i1
      %add3A_930 = arith.addi %rem3A_921, %select_n3A_920 : i32
      %select_n3A_931 = arith.select %and3A_929, %add3A_930, %rem3A_921 : i32
      %mul3A_932 = arith.constant 512 : i32
      %mul3A_933 = arith.muli %select_n3A_931, %mul3A_932 : i32
      %add3A_934 = arith.addi %mul3A_2, %mul3A_933 : i32
      %dma_start3A_935 = arith.constant 4 : i32
      %dma_start3A_936 = arith.constant 0 : i32
      %dma_start3A_937 = arith.constant 0 : i32
      %dma_start3A_938 = tpu.memref_slice %arg7[%dma_start3A_935, %dma_start3A_936, %dma_start3A_937] : memref<8x8x512xi32, #tpu.memory_space<vmem>> -> memref<1x8x512xi32, #tpu.memory_space<vmem>>
      %dma_start3A_939 = tpu.memref_squeeze %dma_start3A_938 : memref<1x8x512xi32, #tpu.memory_space<vmem>> -> memref<8x512xi32, #tpu.memory_space<vmem>>
      %dma_start3A_940 = tpu.memref_slice %arg4[%mul3A_915, %add3A_934] : memref<200x16384xi32, #tpu.memory_space<hbm>> -> memref<8x512xi32, #tpu.memory_space<hbm>>
      %dma_start3A_941 = tpu.memref_slice %arg4[%mul3A_915, %add3A_934] : memref<200x16384xi32, #tpu.memory_space<hbm>> -> memref<8x512xi32, #tpu.memory_space<hbm>>
      %dma_start3A_942 = arith.constant 0 : i32
      %dma_start3A_943 = arith.constant 0 : i32
      %dma_start3A_944 = tpu.memref_slice %arg7[%dma_start3A_935, %dma_start3A_942, %dma_start3A_943] : memref<8x8x512xi32, #tpu.memory_space<vmem>> -> memref<1x8x512xi32, #tpu.memory_space<vmem>>
      %dma_start3A_945 = tpu.memref_squeeze %dma_start3A_944 : memref<1x8x512xi32, #tpu.memory_space<vmem>> -> memref<8x512xi32, #tpu.memory_space<vmem>>
      tpu.enqueue_dma source(%dma_start3A_945 : memref<8x512xi32, #tpu.memory_space<vmem>>) target(%dma_start3A_941 : memref<8x512xi32, #tpu.memory_space<hbm>>) target_semaphore(%arg20 : memref<!tpu.dma_semaphore, #tpu.memory_space<semaphore_mem>>)
      %add3A_946 = arith.constant 8 : i32
      %add3A_947 = arith.addi %add3A_825, %add3A_946 : i32
      %lt3A_948 = arith.constant 24 : i32
      %lt3A_949 = arith.cmpi slt, %add3A_947, %lt3A_948 : i32
      %convert_element_type3A_950 = arith.extui %lt3A_949 : i1 to i32
      %cond3A_951 = arith.constant 0 : i32
      %cond3A_952 = arith.cmpi ne, %convert_element_type3A_950, %cond3A_951 : i32
      scf.if %cond3A_952 {
        %add3A_1346 = arith.constant 8 : i32
        %add3A_1347 = arith.addi %add3A_825, %add3A_1346 : i32
        %jit3A_1348 = arith.constant 1 : i32
        %div3A_1349 = arith.divsi %add3A_1347, %jit3A_1348 : i32
        %sign3A_1350 = arith.constant 0 : i32
        %sign3A_1351 = arith.cmpi sgt, %add3A_1347, %sign3A_1350 : i32
        %sign3A_1352 = arith.extui %sign3A_1351 : i1 to i32
        %sign3A_1353 = arith.constant 0 : i32
        %sign3A_1354 = arith.cmpi slt, %add3A_1347, %sign3A_1353 : i32
        %sign3A_1355 = arith.extui %sign3A_1354 : i1 to i32
        %sign3A_1356 = arith.subi %sign3A_1352, %sign3A_1355 : i32
        %sign3A_1357 = arith.constant 0 : i32
        %sign3A_1358 = arith.cmpi sgt, %jit3A_1348, %sign3A_1357 : i32
        %sign3A_1359 = arith.extui %sign3A_1358 : i1 to i32
        %sign3A_1360 = arith.constant 0 : i32
        %sign3A_1361 = arith.cmpi slt, %jit3A_1348, %sign3A_1360 : i32
        %sign3A_1362 = arith.extui %sign3A_1361 : i1 to i32
        %sign3A_1363 = arith.subi %sign3A_1359, %sign3A_1362 : i32
        %ne3A_1364 = arith.cmpi ne, %sign3A_1356, %sign3A_1363 : i32
        %rem3A_1365 = arith.remsi %add3A_1347, %jit3A_1348 : i32
        %ne3A_1366 = arith.constant 0 : i32
        %ne3A_1367 = arith.cmpi ne, %rem3A_1365, %ne3A_1366 : i32
        %and3A_1368 = arith.andi %ne3A_1364, %ne3A_1367 : i1
        %sub3A_1369 = arith.constant 1 : i32
        %sub3A_1370 = arith.subi %div3A_1349, %sub3A_1369 : i32
        %select_n3A_1371 = arith.select %and3A_1368, %sub3A_1370, %div3A_1349 : i32
        %mul3A_1372 = arith.constant 8 : i32
        %mul3A_1373 = arith.muli %select_n3A_1371, %mul3A_1372 : i32
        %jit3A_1374 = arith.constant 1 : i32
        %eq3A_1375 = arith.constant 0 : i32
        %eq3A_1376 = arith.cmpi eq, %jit3A_1374, %eq3A_1375 : i32
        %jit3A_1377 = arith.constant 1 : i32
        %select_n3A_1378 = arith.select %eq3A_1376, %jit3A_1377, %jit3A_1374 : i32
        %rem3A_1379 = arith.remsi %add3A_1347, %select_n3A_1378 : i32
        %ne3A_1380 = arith.constant 0 : i32
        %ne3A_1381 = arith.cmpi ne, %rem3A_1379, %ne3A_1380 : i32
        %lt3A_1382 = arith.constant 0 : i32
        %lt3A_1383 = arith.cmpi slt, %rem3A_1379, %lt3A_1382 : i32
        %lt3A_1384 = arith.constant 0 : i32
        %lt3A_1385 = arith.cmpi slt, %select_n3A_1378, %lt3A_1384 : i32
        %ne3A_1386 = arith.xori %lt3A_1383, %lt3A_1385 : i1
        %and3A_1387 = arith.andi %ne3A_1386, %ne3A_1381 : i1
        %add3A_1388 = arith.addi %rem3A_1379, %select_n3A_1378 : i32
        %select_n3A_1389 = arith.select %and3A_1387, %add3A_1388, %rem3A_1379 : i32
        %mul3A_1390 = arith.constant 512 : i32
        %mul3A_1391 = arith.muli %select_n3A_1389, %mul3A_1390 : i32
        %add3A_1392 = arith.addi %mul3A_2, %mul3A_1391 : i32
        %dma_start3A_1393 = arith.constant 4 : i32
        %dma_start3A_1394 = arith.constant 0 : i32
        %dma_start3A_1395 = arith.constant 0 : i32
        %dma_start3A_1396 = tpu.memref_slice %arg6[%dma_start3A_1393, %dma_start3A_1394, %dma_start3A_1395] : memref<8x8x512xi32, #tpu.memory_space<vmem>> -> memref<1x8x512xi32, #tpu.memory_space<vmem>>
        %dma_start3A_1397 = tpu.memref_squeeze %dma_start3A_1396 : memref<1x8x512xi32, #tpu.memory_space<vmem>> -> memref<8x512xi32, #tpu.memory_space<vmem>>
        %dma_start3A_1398 = tpu.memref_slice %arg2[%mul3A_1373, %add3A_1392] : memref<200x16384xi32, #tpu.memory_space<hbm>> -> memref<8x512xi32, #tpu.memory_space<hbm>>
        %dma_start3A_1399 = arith.constant 0 : i32
        %dma_start3A_1400 = arith.constant 0 : i32
        %dma_start3A_1401 = tpu.memref_slice %arg6[%dma_start3A_1393, %dma_start3A_1399, %dma_start3A_1400] : memref<8x8x512xi32, #tpu.memory_space<vmem>> -> memref<1x8x512xi32, #tpu.memory_space<vmem>>
        %dma_start3A_1402 = tpu.memref_squeeze %dma_start3A_1401 : memref<1x8x512xi32, #tpu.memory_space<vmem>> -> memref<8x512xi32, #tpu.memory_space<vmem>>
        %dma_start3A_1403 = tpu.memref_slice %arg2[%mul3A_1373, %add3A_1392] : memref<200x16384xi32, #tpu.memory_space<hbm>> -> memref<8x512xi32, #tpu.memory_space<hbm>>
        tpu.enqueue_dma source(%dma_start3A_1403 : memref<8x512xi32, #tpu.memory_space<hbm>>) target(%dma_start3A_1402 : memref<8x512xi32, #tpu.memory_space<vmem>>) target_semaphore(%arg12 : memref<!tpu.dma_semaphore, #tpu.memory_space<semaphore_mem>>)
      } else {
      }
      %mul3A_953 = arith.constant 8 : i32
      %mul3A_954 = arith.muli %scan3A_310, %mul3A_953 : i32
      %add3A_955 = arith.constant 5 : i32
      %add3A_956 = arith.addi %mul3A_954, %add3A_955 : i32
      %jit3A_957 = arith.constant 1 : i32
      %div3A_958 = arith.divsi %add3A_956, %jit3A_957 : i32
      %sign3A_959 = arith.constant 0 : i32
      %sign3A_960 = arith.cmpi sgt, %add3A_956, %sign3A_959 : i32
      %sign3A_961 = arith.extui %sign3A_960 : i1 to i32
      %sign3A_962 = arith.constant 0 : i32
      %sign3A_963 = arith.cmpi slt, %add3A_956, %sign3A_962 : i32
      %sign3A_964 = arith.extui %sign3A_963 : i1 to i32
      %sign3A_965 = arith.subi %sign3A_961, %sign3A_964 : i32
      %sign3A_966 = arith.constant 0 : i32
      %sign3A_967 = arith.cmpi sgt, %jit3A_957, %sign3A_966 : i32
      %sign3A_968 = arith.extui %sign3A_967 : i1 to i32
      %sign3A_969 = arith.constant 0 : i32
      %sign3A_970 = arith.cmpi slt, %jit3A_957, %sign3A_969 : i32
      %sign3A_971 = arith.extui %sign3A_970 : i1 to i32
      %sign3A_972 = arith.subi %sign3A_968, %sign3A_971 : i32
      %ne3A_973 = arith.cmpi ne, %sign3A_965, %sign3A_972 : i32
      %rem3A_974 = arith.remsi %add3A_956, %jit3A_957 : i32
      %ne3A_975 = arith.constant 0 : i32
      %ne3A_976 = arith.cmpi ne, %rem3A_974, %ne3A_975 : i32
      %and3A_977 = arith.andi %ne3A_973, %ne3A_976 : i1
      %sub3A_978 = arith.constant 1 : i32
      %sub3A_979 = arith.subi %div3A_958, %sub3A_978 : i32
      %select_n3A_980 = arith.select %and3A_977, %sub3A_979, %div3A_958 : i32
      %mul3A_981 = arith.constant 8 : i32
      %mul3A_982 = arith.muli %select_n3A_980, %mul3A_981 : i32
      %jit3A_983 = arith.constant 1 : i32
      %eq3A_984 = arith.constant 0 : i32
      %eq3A_985 = arith.cmpi eq, %jit3A_983, %eq3A_984 : i32
      %jit3A_986 = arith.constant 1 : i32
      %select_n3A_987 = arith.select %eq3A_985, %jit3A_986, %jit3A_983 : i32
      %rem3A_988 = arith.remsi %add3A_956, %select_n3A_987 : i32
      %ne3A_989 = arith.constant 0 : i32
      %ne3A_990 = arith.cmpi ne, %rem3A_988, %ne3A_989 : i32
      %lt3A_991 = arith.constant 0 : i32
      %lt3A_992 = arith.cmpi slt, %rem3A_988, %lt3A_991 : i32
      %lt3A_993 = arith.constant 0 : i32
      %lt3A_994 = arith.cmpi slt, %select_n3A_987, %lt3A_993 : i32
      %ne3A_995 = arith.xori %lt3A_992, %lt3A_994 : i1
      %and3A_996 = arith.andi %ne3A_995, %ne3A_990 : i1
      %add3A_997 = arith.addi %rem3A_988, %select_n3A_987 : i32
      %select_n3A_998 = arith.select %and3A_996, %add3A_997, %rem3A_988 : i32
      %mul3A_999 = arith.constant 512 : i32
      %mul3A_1000 = arith.muli %select_n3A_998, %mul3A_999 : i32
      %add3A_1001 = arith.addi %mul3A_2, %mul3A_1000 : i32
      %dma_wait3A_1002 = arith.constant 5 : i32
      %dma_wait3A_1003 = arith.constant 0 : i32
      %dma_wait3A_1004 = arith.constant 0 : i32
      %dma_wait3A_1005 = tpu.memref_slice %arg6[%dma_wait3A_1002, %dma_wait3A_1003, %dma_wait3A_1004] : memref<8x8x512xi32, #tpu.memory_space<vmem>> -> memref<1x8x512xi32, #tpu.memory_space<vmem>>
      %dma_wait3A_1006 = tpu.memref_squeeze %dma_wait3A_1005 : memref<1x8x512xi32, #tpu.memory_space<vmem>> -> memref<8x512xi32, #tpu.memory_space<vmem>>
      %dma_wait3A_1007 = tpu.memref_slice %arg2[%mul3A_982, %add3A_1001] : memref<200x16384xi32, #tpu.memory_space<hbm>> -> memref<8x512xi32, #tpu.memory_space<hbm>>
      %dma_wait3A_1008 = arith.constant 0 : i32
      %dma_wait3A_1009 = arith.constant 0 : i32
      %dma_wait3A_1010 = tpu.memref_slice %arg6[%dma_wait3A_1002, %dma_wait3A_1008, %dma_wait3A_1009] : memref<8x8x512xi32, #tpu.memory_space<vmem>> -> memref<1x8x512xi32, #tpu.memory_space<vmem>>
      %dma_wait3A_1011 = tpu.memref_squeeze %dma_wait3A_1010 : memref<1x8x512xi32, #tpu.memory_space<vmem>> -> memref<8x512xi32, #tpu.memory_space<vmem>>
      %dma_wait3A_1012 = tpu.memref_slice %arg2[%mul3A_982, %add3A_1001] : memref<200x16384xi32, #tpu.memory_space<hbm>> -> memref<8x512xi32, #tpu.memory_space<hbm>>
      tpu.wait_dma2 semaphore(%arg13 : memref<!tpu.dma_semaphore, #tpu.memory_space<semaphore_mem>>) src(%dma_wait3A_1012 : memref<8x512xi32, #tpu.memory_space<hbm>>) dst(%dma_wait3A_1011 : memref<8x512xi32, #tpu.memory_space<vmem>>)
      %gt3A_1013 = arith.constant 0 : i32
      %gt3A_1014 = arith.cmpi sgt, %scan3A_310, %gt3A_1013 : i32
      %convert_element_type3A_1015 = arith.extui %gt3A_1014 : i1 to i32
      %cond3A_1016 = arith.constant 0 : i32
      %cond3A_1017 = arith.cmpi ne, %convert_element_type3A_1015, %cond3A_1016 : i32
      scf.if %cond3A_1017 {
        %sub3A_1346 = arith.constant 8 : i32
        %sub3A_1347 = arith.subi %add3A_956, %sub3A_1346 : i32
        %jit3A_1348 = arith.constant 1 : i32
        %div3A_1349 = arith.divsi %sub3A_1347, %jit3A_1348 : i32
        %sign3A_1350 = arith.constant 0 : i32
        %sign3A_1351 = arith.cmpi sgt, %sub3A_1347, %sign3A_1350 : i32
        %sign3A_1352 = arith.extui %sign3A_1351 : i1 to i32
        %sign3A_1353 = arith.constant 0 : i32
        %sign3A_1354 = arith.cmpi slt, %sub3A_1347, %sign3A_1353 : i32
        %sign3A_1355 = arith.extui %sign3A_1354 : i1 to i32
        %sign3A_1356 = arith.subi %sign3A_1352, %sign3A_1355 : i32
        %sign3A_1357 = arith.constant 0 : i32
        %sign3A_1358 = arith.cmpi sgt, %jit3A_1348, %sign3A_1357 : i32
        %sign3A_1359 = arith.extui %sign3A_1358 : i1 to i32
        %sign3A_1360 = arith.constant 0 : i32
        %sign3A_1361 = arith.cmpi slt, %jit3A_1348, %sign3A_1360 : i32
        %sign3A_1362 = arith.extui %sign3A_1361 : i1 to i32
        %sign3A_1363 = arith.subi %sign3A_1359, %sign3A_1362 : i32
        %ne3A_1364 = arith.cmpi ne, %sign3A_1356, %sign3A_1363 : i32
        %rem3A_1365 = arith.remsi %sub3A_1347, %jit3A_1348 : i32
        %ne3A_1366 = arith.constant 0 : i32
        %ne3A_1367 = arith.cmpi ne, %rem3A_1365, %ne3A_1366 : i32
        %and3A_1368 = arith.andi %ne3A_1364, %ne3A_1367 : i1
        %sub3A_1369 = arith.constant 1 : i32
        %sub3A_1370 = arith.subi %div3A_1349, %sub3A_1369 : i32
        %select_n3A_1371 = arith.select %and3A_1368, %sub3A_1370, %div3A_1349 : i32
        %mul3A_1372 = arith.constant 8 : i32
        %mul3A_1373 = arith.muli %select_n3A_1371, %mul3A_1372 : i32
        %jit3A_1374 = arith.constant 1 : i32
        %eq3A_1375 = arith.constant 0 : i32
        %eq3A_1376 = arith.cmpi eq, %jit3A_1374, %eq3A_1375 : i32
        %jit3A_1377 = arith.constant 1 : i32
        %select_n3A_1378 = arith.select %eq3A_1376, %jit3A_1377, %jit3A_1374 : i32
        %rem3A_1379 = arith.remsi %sub3A_1347, %select_n3A_1378 : i32
        %ne3A_1380 = arith.constant 0 : i32
        %ne3A_1381 = arith.cmpi ne, %rem3A_1379, %ne3A_1380 : i32
        %lt3A_1382 = arith.constant 0 : i32
        %lt3A_1383 = arith.cmpi slt, %rem3A_1379, %lt3A_1382 : i32
        %lt3A_1384 = arith.constant 0 : i32
        %lt3A_1385 = arith.cmpi slt, %select_n3A_1378, %lt3A_1384 : i32
        %ne3A_1386 = arith.xori %lt3A_1383, %lt3A_1385 : i1
        %and3A_1387 = arith.andi %ne3A_1386, %ne3A_1381 : i1
        %add3A_1388 = arith.addi %rem3A_1379, %select_n3A_1378 : i32
        %select_n3A_1389 = arith.select %and3A_1387, %add3A_1388, %rem3A_1379 : i32
        %mul3A_1390 = arith.constant 512 : i32
        %mul3A_1391 = arith.muli %select_n3A_1389, %mul3A_1390 : i32
        %add3A_1392 = arith.addi %mul3A_2, %mul3A_1391 : i32
        %dma_wait3A_1393 = arith.constant 5 : i32
        %dma_wait3A_1394 = arith.constant 0 : i32
        %dma_wait3A_1395 = arith.constant 0 : i32
        %dma_wait3A_1396 = tpu.memref_slice %arg7[%dma_wait3A_1393, %dma_wait3A_1394, %dma_wait3A_1395] : memref<8x8x512xi32, #tpu.memory_space<vmem>> -> memref<1x8x512xi32, #tpu.memory_space<vmem>>
        %dma_wait3A_1397 = tpu.memref_squeeze %dma_wait3A_1396 : memref<1x8x512xi32, #tpu.memory_space<vmem>> -> memref<8x512xi32, #tpu.memory_space<vmem>>
        %dma_wait3A_1398 = tpu.memref_slice %arg4[%mul3A_1373, %add3A_1392] : memref<200x16384xi32, #tpu.memory_space<hbm>> -> memref<8x512xi32, #tpu.memory_space<hbm>>
        %dma_wait3A_1399 = tpu.memref_slice %arg4[%mul3A_1373, %add3A_1392] : memref<200x16384xi32, #tpu.memory_space<hbm>> -> memref<8x512xi32, #tpu.memory_space<hbm>>
        %dma_wait3A_1400 = arith.constant 0 : i32
        %dma_wait3A_1401 = arith.constant 0 : i32
        %dma_wait3A_1402 = tpu.memref_slice %arg7[%dma_wait3A_1393, %dma_wait3A_1400, %dma_wait3A_1401] : memref<8x8x512xi32, #tpu.memory_space<vmem>> -> memref<1x8x512xi32, #tpu.memory_space<vmem>>
        %dma_wait3A_1403 = tpu.memref_squeeze %dma_wait3A_1402 : memref<1x8x512xi32, #tpu.memory_space<vmem>> -> memref<8x512xi32, #tpu.memory_space<vmem>>
        tpu.wait_dma2 semaphore(%arg21 : memref<!tpu.dma_semaphore, #tpu.memory_space<semaphore_mem>>) src(%dma_wait3A_1403 : memref<8x512xi32, #tpu.memory_space<vmem>>) dst(%dma_wait3A_1399 : memref<8x512xi32, #tpu.memory_space<hbm>>)
      } else {
      }
      %parallel_loop3A_1018 = arith.constant 0 : i32
      %parallel_loop3A_1019 = arith.constant 256 : i32
      %parallel_loop3A_1020 = arith.constant 1 : i32
      scf.for %parallel_loop3A_1346 = %parallel_loop3A_1018 to %parallel_loop3A_1019 step %parallel_loop3A_1020  : i32 {
        %parallel_loop3A_1347 = arith.constant 5 : i32
        %parallel_loop3A_1348 = arith.shrsi %parallel_loop3A_1346, %parallel_loop3A_1347 : i32
        %parallel_loop3A_1349 = arith.constant 31 : i32
        %parallel_loop3A_1350 = arith.andi %parallel_loop3A_1346, %parallel_loop3A_1349 : i32
        %parallel_loop3A_1351 = arith.constant 16 : i32
        %parallel_loop3A_1352 = arith.muli %parallel_loop3A_1350, %parallel_loop3A_1351 : i32
        %parallel_loop3A_1353 = arith.constant 5 : i32
        %parallel_loop3A_1354 = arith.index_cast %parallel_loop3A_1353 : i32 to index
        %parallel_loop3A_1355 = arith.index_cast %parallel_loop3A_1348 : i32 to index
        %parallel_loop3A_1356 = arith.index_cast %parallel_loop3A_1352 : i32 to index
        %parallel_loop3A_1357 = tpu.vector_load %arg6[%parallel_loop3A_1354, %parallel_loop3A_1355, %parallel_loop3A_1356] {strides = array<i32>} : memref<8x8x512xi32, #tpu.memory_space<vmem>>, vector<16xi32>,
        %parallel_loop3A_1358 = arith.constant 120 : i32
        %parallel_loop3A_1359 = vector.broadcast %parallel_loop3A_1358 : i32 to vector<16xi32>
        %parallel_loop3A_1360 = arith.addi %parallel_loop3A_1357, %parallel_loop3A_1359 : vector<16xi32>
        %parallel_loop3A_1361 = vector.bitcast %parallel_loop3A_1360 : vector<16xi32> to vector<16xi32>
        %parallel_loop3A_1362 = arith.constant 240 : i32
        %parallel_loop3A_1363 = vector.broadcast %parallel_loop3A_1362 : i32 to vector<16xi32>
        %parallel_loop3A_1364 = arith.minui %parallel_loop3A_1361, %parallel_loop3A_1363 : vector<16xi32>
        %parallel_loop3A_1365 = vector.bitcast %parallel_loop3A_1364 : vector<16xi32> to vector<16xi32>
        %parallel_loop3A_1366 = tpu.vector_load_idx %arg5[%parallel_loop3A_1365] : memref<256xi32, #tpu.memory_space<vmem>>[vector<16xi32>], vector<16xi32>,
        %parallel_loop3A_1367 = arith.constant 5 : i32
        %parallel_loop3A_1368 = arith.index_cast %parallel_loop3A_1367 : i32 to index
        %parallel_loop3A_1369 = arith.index_cast %parallel_loop3A_1348 : i32 to index
        %parallel_loop3A_1370 = arith.index_cast %parallel_loop3A_1352 : i32 to index
        %parallel_loop3A_1371 = tpu.vector_load %arg7[%parallel_loop3A_1368, %parallel_loop3A_1369, %parallel_loop3A_1370] {strides = array<i32>} : memref<8x8x512xi32, #tpu.memory_space<vmem>>, vector<16xi32>,
        tpu.vector_store %arg7[%parallel_loop3A_1368, %parallel_loop3A_1369, %parallel_loop3A_1370], %parallel_loop3A_1366 {strides = array<i32>} : memref<8x8x512xi32, #tpu.memory_space<vmem>>, vector<16xi32>,
      } {sc.loop_unroll_factor = 8 : i64, sc.parallel_access}
      %jit3A_1021 = arith.constant 1 : i32
      %div3A_1022 = arith.divsi %add3A_956, %jit3A_1021 : i32
      %sign3A_1023 = arith.constant 0 : i32
      %sign3A_1024 = arith.cmpi sgt, %add3A_956, %sign3A_1023 : i32
      %sign3A_1025 = arith.extui %sign3A_1024 : i1 to i32
      %sign3A_1026 = arith.constant 0 : i32
      %sign3A_1027 = arith.cmpi slt, %add3A_956, %sign3A_1026 : i32
      %sign3A_1028 = arith.extui %sign3A_1027 : i1 to i32
      %sign3A_1029 = arith.subi %sign3A_1025, %sign3A_1028 : i32
      %sign3A_1030 = arith.constant 0 : i32
      %sign3A_1031 = arith.cmpi sgt, %jit3A_1021, %sign3A_1030 : i32
      %sign3A_1032 = arith.extui %sign3A_1031 : i1 to i32
      %sign3A_1033 = arith.constant 0 : i32
      %sign3A_1034 = arith.cmpi slt, %jit3A_1021, %sign3A_1033 : i32
      %sign3A_1035 = arith.extui %sign3A_1034 : i1 to i32
      %sign3A_1036 = arith.subi %sign3A_1032, %sign3A_1035 : i32
      %ne3A_1037 = arith.cmpi ne, %sign3A_1029, %sign3A_1036 : i32
      %rem3A_1038 = arith.remsi %add3A_956, %jit3A_1021 : i32
      %ne3A_1039 = arith.constant 0 : i32
      %ne3A_1040 = arith.cmpi ne, %rem3A_1038, %ne3A_1039 : i32
      %and3A_1041 = arith.andi %ne3A_1037, %ne3A_1040 : i1
      %sub3A_1042 = arith.constant 1 : i32
      %sub3A_1043 = arith.subi %div3A_1022, %sub3A_1042 : i32
      %select_n3A_1044 = arith.select %and3A_1041, %sub3A_1043, %div3A_1022 : i32
      %mul3A_1045 = arith.constant 8 : i32
      %mul3A_1046 = arith.muli %select_n3A_1044, %mul3A_1045 : i32
      %jit3A_1047 = arith.constant 1 : i32
      %eq3A_1048 = arith.constant 0 : i32
      %eq3A_1049 = arith.cmpi eq, %jit3A_1047, %eq3A_1048 : i32
      %jit3A_1050 = arith.constant 1 : i32
      %select_n3A_1051 = arith.select %eq3A_1049, %jit3A_1050, %jit3A_1047 : i32
      %rem3A_1052 = arith.remsi %add3A_956, %select_n3A_1051 : i32
      %ne3A_1053 = arith.constant 0 : i32
      %ne3A_1054 = arith.cmpi ne, %rem3A_1052, %ne3A_1053 : i32
      %lt3A_1055 = arith.constant 0 : i32
      %lt3A_1056 = arith.cmpi slt, %rem3A_1052, %lt3A_1055 : i32
      %lt3A_1057 = arith.constant 0 : i32
      %lt3A_1058 = arith.cmpi slt, %select_n3A_1051, %lt3A_1057 : i32
      %ne3A_1059 = arith.xori %lt3A_1056, %lt3A_1058 : i1
      %and3A_1060 = arith.andi %ne3A_1059, %ne3A_1054 : i1
      %add3A_1061 = arith.addi %rem3A_1052, %select_n3A_1051 : i32
      %select_n3A_1062 = arith.select %and3A_1060, %add3A_1061, %rem3A_1052 : i32
      %mul3A_1063 = arith.constant 512 : i32
      %mul3A_1064 = arith.muli %select_n3A_1062, %mul3A_1063 : i32
      %add3A_1065 = arith.addi %mul3A_2, %mul3A_1064 : i32
      %dma_start3A_1066 = arith.constant 5 : i32
      %dma_start3A_1067 = arith.constant 0 : i32
      %dma_start3A_1068 = arith.constant 0 : i32
      %dma_start3A_1069 = tpu.memref_slice %arg7[%dma_start3A_1066, %dma_start3A_1067, %dma_start3A_1068] : memref<8x8x512xi32, #tpu.memory_space<vmem>> -> memref<1x8x512xi32, #tpu.memory_space<vmem>>
      %dma_start3A_1070 = tpu.memref_squeeze %dma_start3A_1069 : memref<1x8x512xi32, #tpu.memory_space<vmem>> -> memref<8x512xi32, #tpu.memory_space<vmem>>
      %dma_start3A_1071 = tpu.memref_slice %arg4[%mul3A_1046, %add3A_1065] : memref<200x16384xi32, #tpu.memory_space<hbm>> -> memref<8x512xi32, #tpu.memory_space<hbm>>
      %dma_start3A_1072 = tpu.memref_slice %arg4[%mul3A_1046, %add3A_1065] : memref<200x16384xi32, #tpu.memory_space<hbm>> -> memref<8x512xi32, #tpu.memory_space<hbm>>
      %dma_start3A_1073 = arith.constant 0 : i32
      %dma_start3A_1074 = arith.constant 0 : i32
      %dma_start3A_1075 = tpu.memref_slice %arg7[%dma_start3A_1066, %dma_start3A_1073, %dma_start3A_1074] : memref<8x8x512xi32, #tpu.memory_space<vmem>> -> memref<1x8x512xi32, #tpu.memory_space<vmem>>
      %dma_start3A_1076 = tpu.memref_squeeze %dma_start3A_1075 : memref<1x8x512xi32, #tpu.memory_space<vmem>> -> memref<8x512xi32, #tpu.memory_space<vmem>>
      tpu.enqueue_dma source(%dma_start3A_1076 : memref<8x512xi32, #tpu.memory_space<vmem>>) target(%dma_start3A_1072 : memref<8x512xi32, #tpu.memory_space<hbm>>) target_semaphore(%arg21 : memref<!tpu.dma_semaphore, #tpu.memory_space<semaphore_mem>>)
      %add3A_1077 = arith.constant 8 : i32
      %add3A_1078 = arith.addi %add3A_956, %add3A_1077 : i32
      %lt3A_1079 = arith.constant 24 : i32
      %lt3A_1080 = arith.cmpi slt, %add3A_1078, %lt3A_1079 : i32
      %convert_element_type3A_1081 = arith.extui %lt3A_1080 : i1 to i32
      %cond3A_1082 = arith.constant 0 : i32
      %cond3A_1083 = arith.cmpi ne, %convert_element_type3A_1081, %cond3A_1082 : i32
      scf.if %cond3A_1083 {
        %add3A_1346 = arith.constant 8 : i32
        %add3A_1347 = arith.addi %add3A_956, %add3A_1346 : i32
        %jit3A_1348 = arith.constant 1 : i32
        %div3A_1349 = arith.divsi %add3A_1347, %jit3A_1348 : i32
        %sign3A_1350 = arith.constant 0 : i32
        %sign3A_1351 = arith.cmpi sgt, %add3A_1347, %sign3A_1350 : i32
        %sign3A_1352 = arith.extui %sign3A_1351 : i1 to i32
        %sign3A_1353 = arith.constant 0 : i32
        %sign3A_1354 = arith.cmpi slt, %add3A_1347, %sign3A_1353 : i32
        %sign3A_1355 = arith.extui %sign3A_1354 : i1 to i32
        %sign3A_1356 = arith.subi %sign3A_1352, %sign3A_1355 : i32
        %sign3A_1357 = arith.constant 0 : i32
        %sign3A_1358 = arith.cmpi sgt, %jit3A_1348, %sign3A_1357 : i32
        %sign3A_1359 = arith.extui %sign3A_1358 : i1 to i32
        %sign3A_1360 = arith.constant 0 : i32
        %sign3A_1361 = arith.cmpi slt, %jit3A_1348, %sign3A_1360 : i32
        %sign3A_1362 = arith.extui %sign3A_1361 : i1 to i32
        %sign3A_1363 = arith.subi %sign3A_1359, %sign3A_1362 : i32
        %ne3A_1364 = arith.cmpi ne, %sign3A_1356, %sign3A_1363 : i32
        %rem3A_1365 = arith.remsi %add3A_1347, %jit3A_1348 : i32
        %ne3A_1366 = arith.constant 0 : i32
        %ne3A_1367 = arith.cmpi ne, %rem3A_1365, %ne3A_1366 : i32
        %and3A_1368 = arith.andi %ne3A_1364, %ne3A_1367 : i1
        %sub3A_1369 = arith.constant 1 : i32
        %sub3A_1370 = arith.subi %div3A_1349, %sub3A_1369 : i32
        %select_n3A_1371 = arith.select %and3A_1368, %sub3A_1370, %div3A_1349 : i32
        %mul3A_1372 = arith.constant 8 : i32
        %mul3A_1373 = arith.muli %select_n3A_1371, %mul3A_1372 : i32
        %jit3A_1374 = arith.constant 1 : i32
        %eq3A_1375 = arith.constant 0 : i32
        %eq3A_1376 = arith.cmpi eq, %jit3A_1374, %eq3A_1375 : i32
        %jit3A_1377 = arith.constant 1 : i32
        %select_n3A_1378 = arith.select %eq3A_1376, %jit3A_1377, %jit3A_1374 : i32
        %rem3A_1379 = arith.remsi %add3A_1347, %select_n3A_1378 : i32
        %ne3A_1380 = arith.constant 0 : i32
        %ne3A_1381 = arith.cmpi ne, %rem3A_1379, %ne3A_1380 : i32
        %lt3A_1382 = arith.constant 0 : i32
        %lt3A_1383 = arith.cmpi slt, %rem3A_1379, %lt3A_1382 : i32
        %lt3A_1384 = arith.constant 0 : i32
        %lt3A_1385 = arith.cmpi slt, %select_n3A_1378, %lt3A_1384 : i32
        %ne3A_1386 = arith.xori %lt3A_1383, %lt3A_1385 : i1
        %and3A_1387 = arith.andi %ne3A_1386, %ne3A_1381 : i1
        %add3A_1388 = arith.addi %rem3A_1379, %select_n3A_1378 : i32
        %select_n3A_1389 = arith.select %and3A_1387, %add3A_1388, %rem3A_1379 : i32
        %mul3A_1390 = arith.constant 512 : i32
        %mul3A_1391 = arith.muli %select_n3A_1389, %mul3A_1390 : i32
        %add3A_1392 = arith.addi %mul3A_2, %mul3A_1391 : i32
        %dma_start3A_1393 = arith.constant 5 : i32
        %dma_start3A_1394 = arith.constant 0 : i32
        %dma_start3A_1395 = arith.constant 0 : i32
        %dma_start3A_1396 = tpu.memref_slice %arg6[%dma_start3A_1393, %dma_start3A_1394, %dma_start3A_1395] : memref<8x8x512xi32, #tpu.memory_space<vmem>> -> memref<1x8x512xi32, #tpu.memory_space<vmem>>
        %dma_start3A_1397 = tpu.memref_squeeze %dma_start3A_1396 : memref<1x8x512xi32, #tpu.memory_space<vmem>> -> memref<8x512xi32, #tpu.memory_space<vmem>>
        %dma_start3A_1398 = tpu.memref_slice %arg2[%mul3A_1373, %add3A_1392] : memref<200x16384xi32, #tpu.memory_space<hbm>> -> memref<8x512xi32, #tpu.memory_space<hbm>>
        %dma_start3A_1399 = arith.constant 0 : i32
        %dma_start3A_1400 = arith.constant 0 : i32
        %dma_start3A_1401 = tpu.memref_slice %arg6[%dma_start3A_1393, %dma_start3A_1399, %dma_start3A_1400] : memref<8x8x512xi32, #tpu.memory_space<vmem>> -> memref<1x8x512xi32, #tpu.memory_space<vmem>>
        %dma_start3A_1402 = tpu.memref_squeeze %dma_start3A_1401 : memref<1x8x512xi32, #tpu.memory_space<vmem>> -> memref<8x512xi32, #tpu.memory_space<vmem>>
        %dma_start3A_1403 = tpu.memref_slice %arg2[%mul3A_1373, %add3A_1392] : memref<200x16384xi32, #tpu.memory_space<hbm>> -> memref<8x512xi32, #tpu.memory_space<hbm>>
        tpu.enqueue_dma source(%dma_start3A_1403 : memref<8x512xi32, #tpu.memory_space<hbm>>) target(%dma_start3A_1402 : memref<8x512xi32, #tpu.memory_space<vmem>>) target_semaphore(%arg13 : memref<!tpu.dma_semaphore, #tpu.memory_space<semaphore_mem>>)
      } else {
      }
      %mul3A_1084 = arith.constant 8 : i32
      %mul3A_1085 = arith.muli %scan3A_310, %mul3A_1084 : i32
      %add3A_1086 = arith.constant 6 : i32
      %add3A_1087 = arith.addi %mul3A_1085, %add3A_1086 : i32
      %jit3A_1088 = arith.constant 1 : i32
      %div3A_1089 = arith.divsi %add3A_1087, %jit3A_1088 : i32
      %sign3A_1090 = arith.constant 0 : i32
      %sign3A_1091 = arith.cmpi sgt, %add3A_1087, %sign3A_1090 : i32
      %sign3A_1092 = arith.extui %sign3A_1091 : i1 to i32
      %sign3A_1093 = arith.constant 0 : i32
      %sign3A_1094 = arith.cmpi slt, %add3A_1087, %sign3A_1093 : i32
      %sign3A_1095 = arith.extui %sign3A_1094 : i1 to i32
      %sign3A_1096 = arith.subi %sign3A_1092, %sign3A_1095 : i32
      %sign3A_1097 = arith.constant 0 : i32
      %sign3A_1098 = arith.cmpi sgt, %jit3A_1088, %sign3A_1097 : i32
      %sign3A_1099 = arith.extui %sign3A_1098 : i1 to i32
      %sign3A_1100 = arith.constant 0 : i32
      %sign3A_1101 = arith.cmpi slt, %jit3A_1088, %sign3A_1100 : i32
      %sign3A_1102 = arith.extui %sign3A_1101 : i1 to i32
      %sign3A_1103 = arith.subi %sign3A_1099, %sign3A_1102 : i32
      %ne3A_1104 = arith.cmpi ne, %sign3A_1096, %sign3A_1103 : i32
      %rem3A_1105 = arith.remsi %add3A_1087, %jit3A_1088 : i32
      %ne3A_1106 = arith.constant 0 : i32
      %ne3A_1107 = arith.cmpi ne, %rem3A_1105, %ne3A_1106 : i32
      %and3A_1108 = arith.andi %ne3A_1104, %ne3A_1107 : i1
      %sub3A_1109 = arith.constant 1 : i32
      %sub3A_1110 = arith.subi %div3A_1089, %sub3A_1109 : i32
      %select_n3A_1111 = arith.select %and3A_1108, %sub3A_1110, %div3A_1089 : i32
      %mul3A_1112 = arith.constant 8 : i32
      %mul3A_1113 = arith.muli %select_n3A_1111, %mul3A_1112 : i32
      %jit3A_1114 = arith.constant 1 : i32
      %eq3A_1115 = arith.constant 0 : i32
      %eq3A_1116 = arith.cmpi eq, %jit3A_1114, %eq3A_1115 : i32
      %jit3A_1117 = arith.constant 1 : i32
      %select_n3A_1118 = arith.select %eq3A_1116, %jit3A_1117, %jit3A_1114 : i32
      %rem3A_1119 = arith.remsi %add3A_1087, %select_n3A_1118 : i32
      %ne3A_1120 = arith.constant 0 : i32
      %ne3A_1121 = arith.cmpi ne, %rem3A_1119, %ne3A_1120 : i32
      %lt3A_1122 = arith.constant 0 : i32
      %lt3A_1123 = arith.cmpi slt, %rem3A_1119, %lt3A_1122 : i32
      %lt3A_1124 = arith.constant 0 : i32
      %lt3A_1125 = arith.cmpi slt, %select_n3A_1118, %lt3A_1124 : i32
      %ne3A_1126 = arith.xori %lt3A_1123, %lt3A_1125 : i1
      %and3A_1127 = arith.andi %ne3A_1126, %ne3A_1121 : i1
      %add3A_1128 = arith.addi %rem3A_1119, %select_n3A_1118 : i32
      %select_n3A_1129 = arith.select %and3A_1127, %add3A_1128, %rem3A_1119 : i32
      %mul3A_1130 = arith.constant 512 : i32
      %mul3A_1131 = arith.muli %select_n3A_1129, %mul3A_1130 : i32
      %add3A_1132 = arith.addi %mul3A_2, %mul3A_1131 : i32
      %dma_wait3A_1133 = arith.constant 6 : i32
      %dma_wait3A_1134 = arith.constant 0 : i32
      %dma_wait3A_1135 = arith.constant 0 : i32
      %dma_wait3A_1136 = tpu.memref_slice %arg6[%dma_wait3A_1133, %dma_wait3A_1134, %dma_wait3A_1135] : memref<8x8x512xi32, #tpu.memory_space<vmem>> -> memref<1x8x512xi32, #tpu.memory_space<vmem>>
      %dma_wait3A_1137 = tpu.memref_squeeze %dma_wait3A_1136 : memref<1x8x512xi32, #tpu.memory_space<vmem>> -> memref<8x512xi32, #tpu.memory_space<vmem>>
      %dma_wait3A_1138 = tpu.memref_slice %arg2[%mul3A_1113, %add3A_1132] : memref<200x16384xi32, #tpu.memory_space<hbm>> -> memref<8x512xi32, #tpu.memory_space<hbm>>
      %dma_wait3A_1139 = arith.constant 0 : i32
      %dma_wait3A_1140 = arith.constant 0 : i32
      %dma_wait3A_1141 = tpu.memref_slice %arg6[%dma_wait3A_1133, %dma_wait3A_1139, %dma_wait3A_1140] : memref<8x8x512xi32, #tpu.memory_space<vmem>> -> memref<1x8x512xi32, #tpu.memory_space<vmem>>
      %dma_wait3A_1142 = tpu.memref_squeeze %dma_wait3A_1141 : memref<1x8x512xi32, #tpu.memory_space<vmem>> -> memref<8x512xi32, #tpu.memory_space<vmem>>
      %dma_wait3A_1143 = tpu.memref_slice %arg2[%mul3A_1113, %add3A_1132] : memref<200x16384xi32, #tpu.memory_space<hbm>> -> memref<8x512xi32, #tpu.memory_space<hbm>>
      tpu.wait_dma2 semaphore(%arg14 : memref<!tpu.dma_semaphore, #tpu.memory_space<semaphore_mem>>) src(%dma_wait3A_1143 : memref<8x512xi32, #tpu.memory_space<hbm>>) dst(%dma_wait3A_1142 : memref<8x512xi32, #tpu.memory_space<vmem>>)
      %gt3A_1144 = arith.constant 0 : i32
      %gt3A_1145 = arith.cmpi sgt, %scan3A_310, %gt3A_1144 : i32
      %convert_element_type3A_1146 = arith.extui %gt3A_1145 : i1 to i32
      %cond3A_1147 = arith.constant 0 : i32
      %cond3A_1148 = arith.cmpi ne, %convert_element_type3A_1146, %cond3A_1147 : i32
      scf.if %cond3A_1148 {
        %sub3A_1346 = arith.constant 8 : i32
        %sub3A_1347 = arith.subi %add3A_1087, %sub3A_1346 : i32
        %jit3A_1348 = arith.constant 1 : i32
        %div3A_1349 = arith.divsi %sub3A_1347, %jit3A_1348 : i32
        %sign3A_1350 = arith.constant 0 : i32
        %sign3A_1351 = arith.cmpi sgt, %sub3A_1347, %sign3A_1350 : i32
        %sign3A_1352 = arith.extui %sign3A_1351 : i1 to i32
        %sign3A_1353 = arith.constant 0 : i32
        %sign3A_1354 = arith.cmpi slt, %sub3A_1347, %sign3A_1353 : i32
        %sign3A_1355 = arith.extui %sign3A_1354 : i1 to i32
        %sign3A_1356 = arith.subi %sign3A_1352, %sign3A_1355 : i32
        %sign3A_1357 = arith.constant 0 : i32
        %sign3A_1358 = arith.cmpi sgt, %jit3A_1348, %sign3A_1357 : i32
        %sign3A_1359 = arith.extui %sign3A_1358 : i1 to i32
        %sign3A_1360 = arith.constant 0 : i32
        %sign3A_1361 = arith.cmpi slt, %jit3A_1348, %sign3A_1360 : i32
        %sign3A_1362 = arith.extui %sign3A_1361 : i1 to i32
        %sign3A_1363 = arith.subi %sign3A_1359, %sign3A_1362 : i32
        %ne3A_1364 = arith.cmpi ne, %sign3A_1356, %sign3A_1363 : i32
        %rem3A_1365 = arith.remsi %sub3A_1347, %jit3A_1348 : i32
        %ne3A_1366 = arith.constant 0 : i32
        %ne3A_1367 = arith.cmpi ne, %rem3A_1365, %ne3A_1366 : i32
        %and3A_1368 = arith.andi %ne3A_1364, %ne3A_1367 : i1
        %sub3A_1369 = arith.constant 1 : i32
        %sub3A_1370 = arith.subi %div3A_1349, %sub3A_1369 : i32
        %select_n3A_1371 = arith.select %and3A_1368, %sub3A_1370, %div3A_1349 : i32
        %mul3A_1372 = arith.constant 8 : i32
        %mul3A_1373 = arith.muli %select_n3A_1371, %mul3A_1372 : i32
        %jit3A_1374 = arith.constant 1 : i32
        %eq3A_1375 = arith.constant 0 : i32
        %eq3A_1376 = arith.cmpi eq, %jit3A_1374, %eq3A_1375 : i32
        %jit3A_1377 = arith.constant 1 : i32
        %select_n3A_1378 = arith.select %eq3A_1376, %jit3A_1377, %jit3A_1374 : i32
        %rem3A_1379 = arith.remsi %sub3A_1347, %select_n3A_1378 : i32
        %ne3A_1380 = arith.constant 0 : i32
        %ne3A_1381 = arith.cmpi ne, %rem3A_1379, %ne3A_1380 : i32
        %lt3A_1382 = arith.constant 0 : i32
        %lt3A_1383 = arith.cmpi slt, %rem3A_1379, %lt3A_1382 : i32
        %lt3A_1384 = arith.constant 0 : i32
        %lt3A_1385 = arith.cmpi slt, %select_n3A_1378, %lt3A_1384 : i32
        %ne3A_1386 = arith.xori %lt3A_1383, %lt3A_1385 : i1
        %and3A_1387 = arith.andi %ne3A_1386, %ne3A_1381 : i1
        %add3A_1388 = arith.addi %rem3A_1379, %select_n3A_1378 : i32
        %select_n3A_1389 = arith.select %and3A_1387, %add3A_1388, %rem3A_1379 : i32
        %mul3A_1390 = arith.constant 512 : i32
        %mul3A_1391 = arith.muli %select_n3A_1389, %mul3A_1390 : i32
        %add3A_1392 = arith.addi %mul3A_2, %mul3A_1391 : i32
        %dma_wait3A_1393 = arith.constant 6 : i32
        %dma_wait3A_1394 = arith.constant 0 : i32
        %dma_wait3A_1395 = arith.constant 0 : i32
        %dma_wait3A_1396 = tpu.memref_slice %arg7[%dma_wait3A_1393, %dma_wait3A_1394, %dma_wait3A_1395] : memref<8x8x512xi32, #tpu.memory_space<vmem>> -> memref<1x8x512xi32, #tpu.memory_space<vmem>>
        %dma_wait3A_1397 = tpu.memref_squeeze %dma_wait3A_1396 : memref<1x8x512xi32, #tpu.memory_space<vmem>> -> memref<8x512xi32, #tpu.memory_space<vmem>>
        %dma_wait3A_1398 = tpu.memref_slice %arg4[%mul3A_1373, %add3A_1392] : memref<200x16384xi32, #tpu.memory_space<hbm>> -> memref<8x512xi32, #tpu.memory_space<hbm>>
        %dma_wait3A_1399 = tpu.memref_slice %arg4[%mul3A_1373, %add3A_1392] : memref<200x16384xi32, #tpu.memory_space<hbm>> -> memref<8x512xi32, #tpu.memory_space<hbm>>
        %dma_wait3A_1400 = arith.constant 0 : i32
        %dma_wait3A_1401 = arith.constant 0 : i32
        %dma_wait3A_1402 = tpu.memref_slice %arg7[%dma_wait3A_1393, %dma_wait3A_1400, %dma_wait3A_1401] : memref<8x8x512xi32, #tpu.memory_space<vmem>> -> memref<1x8x512xi32, #tpu.memory_space<vmem>>
        %dma_wait3A_1403 = tpu.memref_squeeze %dma_wait3A_1402 : memref<1x8x512xi32, #tpu.memory_space<vmem>> -> memref<8x512xi32, #tpu.memory_space<vmem>>
        tpu.wait_dma2 semaphore(%arg22 : memref<!tpu.dma_semaphore, #tpu.memory_space<semaphore_mem>>) src(%dma_wait3A_1403 : memref<8x512xi32, #tpu.memory_space<vmem>>) dst(%dma_wait3A_1399 : memref<8x512xi32, #tpu.memory_space<hbm>>)
      } else {
      }
      %parallel_loop3A_1149 = arith.constant 0 : i32
      %parallel_loop3A_1150 = arith.constant 256 : i32
      %parallel_loop3A_1151 = arith.constant 1 : i32
      scf.for %parallel_loop3A_1346 = %parallel_loop3A_1149 to %parallel_loop3A_1150 step %parallel_loop3A_1151  : i32 {
        %parallel_loop3A_1347 = arith.constant 5 : i32
        %parallel_loop3A_1348 = arith.shrsi %parallel_loop3A_1346, %parallel_loop3A_1347 : i32
        %parallel_loop3A_1349 = arith.constant 31 : i32
        %parallel_loop3A_1350 = arith.andi %parallel_loop3A_1346, %parallel_loop3A_1349 : i32
        %parallel_loop3A_1351 = arith.constant 16 : i32
        %parallel_loop3A_1352 = arith.muli %parallel_loop3A_1350, %parallel_loop3A_1351 : i32
        %parallel_loop3A_1353 = arith.constant 6 : i32
        %parallel_loop3A_1354 = arith.index_cast %parallel_loop3A_1353 : i32 to index
        %parallel_loop3A_1355 = arith.index_cast %parallel_loop3A_1348 : i32 to index
        %parallel_loop3A_1356 = arith.index_cast %parallel_loop3A_1352 : i32 to index
        %parallel_loop3A_1357 = tpu.vector_load %arg6[%parallel_loop3A_1354, %parallel_loop3A_1355, %parallel_loop3A_1356] {strides = array<i32>} : memref<8x8x512xi32, #tpu.memory_space<vmem>>, vector<16xi32>,
        %parallel_loop3A_1358 = arith.constant 120 : i32
        %parallel_loop3A_1359 = vector.broadcast %parallel_loop3A_1358 : i32 to vector<16xi32>
        %parallel_loop3A_1360 = arith.addi %parallel_loop3A_1357, %parallel_loop3A_1359 : vector<16xi32>
        %parallel_loop3A_1361 = vector.bitcast %parallel_loop3A_1360 : vector<16xi32> to vector<16xi32>
        %parallel_loop3A_1362 = arith.constant 240 : i32
        %parallel_loop3A_1363 = vector.broadcast %parallel_loop3A_1362 : i32 to vector<16xi32>
        %parallel_loop3A_1364 = arith.minui %parallel_loop3A_1361, %parallel_loop3A_1363 : vector<16xi32>
        %parallel_loop3A_1365 = vector.bitcast %parallel_loop3A_1364 : vector<16xi32> to vector<16xi32>
        %parallel_loop3A_1366 = tpu.vector_load_idx %arg5[%parallel_loop3A_1365] : memref<256xi32, #tpu.memory_space<vmem>>[vector<16xi32>], vector<16xi32>,
        %parallel_loop3A_1367 = arith.constant 6 : i32
        %parallel_loop3A_1368 = arith.index_cast %parallel_loop3A_1367 : i32 to index
        %parallel_loop3A_1369 = arith.index_cast %parallel_loop3A_1348 : i32 to index
        %parallel_loop3A_1370 = arith.index_cast %parallel_loop3A_1352 : i32 to index
        %parallel_loop3A_1371 = tpu.vector_load %arg7[%parallel_loop3A_1368, %parallel_loop3A_1369, %parallel_loop3A_1370] {strides = array<i32>} : memref<8x8x512xi32, #tpu.memory_space<vmem>>, vector<16xi32>,
        tpu.vector_store %arg7[%parallel_loop3A_1368, %parallel_loop3A_1369, %parallel_loop3A_1370], %parallel_loop3A_1366 {strides = array<i32>} : memref<8x8x512xi32, #tpu.memory_space<vmem>>, vector<16xi32>,
      } {sc.loop_unroll_factor = 8 : i64, sc.parallel_access}
      %jit3A_1152 = arith.constant 1 : i32
      %div3A_1153 = arith.divsi %add3A_1087, %jit3A_1152 : i32
      %sign3A_1154 = arith.constant 0 : i32
      %sign3A_1155 = arith.cmpi sgt, %add3A_1087, %sign3A_1154 : i32
      %sign3A_1156 = arith.extui %sign3A_1155 : i1 to i32
      %sign3A_1157 = arith.constant 0 : i32
      %sign3A_1158 = arith.cmpi slt, %add3A_1087, %sign3A_1157 : i32
      %sign3A_1159 = arith.extui %sign3A_1158 : i1 to i32
      %sign3A_1160 = arith.subi %sign3A_1156, %sign3A_1159 : i32
      %sign3A_1161 = arith.constant 0 : i32
      %sign3A_1162 = arith.cmpi sgt, %jit3A_1152, %sign3A_1161 : i32
      %sign3A_1163 = arith.extui %sign3A_1162 : i1 to i32
      %sign3A_1164 = arith.constant 0 : i32
      %sign3A_1165 = arith.cmpi slt, %jit3A_1152, %sign3A_1164 : i32
      %sign3A_1166 = arith.extui %sign3A_1165 : i1 to i32
      %sign3A_1167 = arith.subi %sign3A_1163, %sign3A_1166 : i32
      %ne3A_1168 = arith.cmpi ne, %sign3A_1160, %sign3A_1167 : i32
      %rem3A_1169 = arith.remsi %add3A_1087, %jit3A_1152 : i32
      %ne3A_1170 = arith.constant 0 : i32
      %ne3A_1171 = arith.cmpi ne, %rem3A_1169, %ne3A_1170 : i32
      %and3A_1172 = arith.andi %ne3A_1168, %ne3A_1171 : i1
      %sub3A_1173 = arith.constant 1 : i32
      %sub3A_1174 = arith.subi %div3A_1153, %sub3A_1173 : i32
      %select_n3A_1175 = arith.select %and3A_1172, %sub3A_1174, %div3A_1153 : i32
      %mul3A_1176 = arith.constant 8 : i32
      %mul3A_1177 = arith.muli %select_n3A_1175, %mul3A_1176 : i32
      %jit3A_1178 = arith.constant 1 : i32
      %eq3A_1179 = arith.constant 0 : i32
      %eq3A_1180 = arith.cmpi eq, %jit3A_1178, %eq3A_1179 : i32
      %jit3A_1181 = arith.constant 1 : i32
      %select_n3A_1182 = arith.select %eq3A_1180, %jit3A_1181, %jit3A_1178 : i32
      %rem3A_1183 = arith.remsi %add3A_1087, %select_n3A_1182 : i32
      %ne3A_1184 = arith.constant 0 : i32
      %ne3A_1185 = arith.cmpi ne, %rem3A_1183, %ne3A_1184 : i32
      %lt3A_1186 = arith.constant 0 : i32
      %lt3A_1187 = arith.cmpi slt, %rem3A_1183, %lt3A_1186 : i32
      %lt3A_1188 = arith.constant 0 : i32
      %lt3A_1189 = arith.cmpi slt, %select_n3A_1182, %lt3A_1188 : i32
      %ne3A_1190 = arith.xori %lt3A_1187, %lt3A_1189 : i1
      %and3A_1191 = arith.andi %ne3A_1190, %ne3A_1185 : i1
      %add3A_1192 = arith.addi %rem3A_1183, %select_n3A_1182 : i32
      %select_n3A_1193 = arith.select %and3A_1191, %add3A_1192, %rem3A_1183 : i32
      %mul3A_1194 = arith.constant 512 : i32
      %mul3A_1195 = arith.muli %select_n3A_1193, %mul3A_1194 : i32
      %add3A_1196 = arith.addi %mul3A_2, %mul3A_1195 : i32
      %dma_start3A_1197 = arith.constant 6 : i32
      %dma_start3A_1198 = arith.constant 0 : i32
      %dma_start3A_1199 = arith.constant 0 : i32
      %dma_start3A_1200 = tpu.memref_slice %arg7[%dma_start3A_1197, %dma_start3A_1198, %dma_start3A_1199] : memref<8x8x512xi32, #tpu.memory_space<vmem>> -> memref<1x8x512xi32, #tpu.memory_space<vmem>>
      %dma_start3A_1201 = tpu.memref_squeeze %dma_start3A_1200 : memref<1x8x512xi32, #tpu.memory_space<vmem>> -> memref<8x512xi32, #tpu.memory_space<vmem>>
      %dma_start3A_1202 = tpu.memref_slice %arg4[%mul3A_1177, %add3A_1196] : memref<200x16384xi32, #tpu.memory_space<hbm>> -> memref<8x512xi32, #tpu.memory_space<hbm>>
      %dma_start3A_1203 = tpu.memref_slice %arg4[%mul3A_1177, %add3A_1196] : memref<200x16384xi32, #tpu.memory_space<hbm>> -> memref<8x512xi32, #tpu.memory_space<hbm>>
      %dma_start3A_1204 = arith.constant 0 : i32
      %dma_start3A_1205 = arith.constant 0 : i32
      %dma_start3A_1206 = tpu.memref_slice %arg7[%dma_start3A_1197, %dma_start3A_1204, %dma_start3A_1205] : memref<8x8x512xi32, #tpu.memory_space<vmem>> -> memref<1x8x512xi32, #tpu.memory_space<vmem>>
      %dma_start3A_1207 = tpu.memref_squeeze %dma_start3A_1206 : memref<1x8x512xi32, #tpu.memory_space<vmem>> -> memref<8x512xi32, #tpu.memory_space<vmem>>
      tpu.enqueue_dma source(%dma_start3A_1207 : memref<8x512xi32, #tpu.memory_space<vmem>>) target(%dma_start3A_1203 : memref<8x512xi32, #tpu.memory_space<hbm>>) target_semaphore(%arg22 : memref<!tpu.dma_semaphore, #tpu.memory_space<semaphore_mem>>)
      %add3A_1208 = arith.constant 8 : i32
      %add3A_1209 = arith.addi %add3A_1087, %add3A_1208 : i32
      %lt3A_1210 = arith.constant 24 : i32
      %lt3A_1211 = arith.cmpi slt, %add3A_1209, %lt3A_1210 : i32
      %convert_element_type3A_1212 = arith.extui %lt3A_1211 : i1 to i32
      %cond3A_1213 = arith.constant 0 : i32
      %cond3A_1214 = arith.cmpi ne, %convert_element_type3A_1212, %cond3A_1213 : i32
      scf.if %cond3A_1214 {
        %add3A_1346 = arith.constant 8 : i32
        %add3A_1347 = arith.addi %add3A_1087, %add3A_1346 : i32
        %jit3A_1348 = arith.constant 1 : i32
        %div3A_1349 = arith.divsi %add3A_1347, %jit3A_1348 : i32
        %sign3A_1350 = arith.constant 0 : i32
        %sign3A_1351 = arith.cmpi sgt, %add3A_1347, %sign3A_1350 : i32
        %sign3A_1352 = arith.extui %sign3A_1351 : i1 to i32
        %sign3A_1353 = arith.constant 0 : i32
        %sign3A_1354 = arith.cmpi slt, %add3A_1347, %sign3A_1353 : i32
        %sign3A_1355 = arith.extui %sign3A_1354 : i1 to i32
        %sign3A_1356 = arith.subi %sign3A_1352, %sign3A_1355 : i32
        %sign3A_1357 = arith.constant 0 : i32
        %sign3A_1358 = arith.cmpi sgt, %jit3A_1348, %sign3A_1357 : i32
        %sign3A_1359 = arith.extui %sign3A_1358 : i1 to i32
        %sign3A_1360 = arith.constant 0 : i32
        %sign3A_1361 = arith.cmpi slt, %jit3A_1348, %sign3A_1360 : i32
        %sign3A_1362 = arith.extui %sign3A_1361 : i1 to i32
        %sign3A_1363 = arith.subi %sign3A_1359, %sign3A_1362 : i32
        %ne3A_1364 = arith.cmpi ne, %sign3A_1356, %sign3A_1363 : i32
        %rem3A_1365 = arith.remsi %add3A_1347, %jit3A_1348 : i32
        %ne3A_1366 = arith.constant 0 : i32
        %ne3A_1367 = arith.cmpi ne, %rem3A_1365, %ne3A_1366 : i32
        %and3A_1368 = arith.andi %ne3A_1364, %ne3A_1367 : i1
        %sub3A_1369 = arith.constant 1 : i32
        %sub3A_1370 = arith.subi %div3A_1349, %sub3A_1369 : i32
        %select_n3A_1371 = arith.select %and3A_1368, %sub3A_1370, %div3A_1349 : i32
        %mul3A_1372 = arith.constant 8 : i32
        %mul3A_1373 = arith.muli %select_n3A_1371, %mul3A_1372 : i32
        %jit3A_1374 = arith.constant 1 : i32
        %eq3A_1375 = arith.constant 0 : i32
        %eq3A_1376 = arith.cmpi eq, %jit3A_1374, %eq3A_1375 : i32
        %jit3A_1377 = arith.constant 1 : i32
        %select_n3A_1378 = arith.select %eq3A_1376, %jit3A_1377, %jit3A_1374 : i32
        %rem3A_1379 = arith.remsi %add3A_1347, %select_n3A_1378 : i32
        %ne3A_1380 = arith.constant 0 : i32
        %ne3A_1381 = arith.cmpi ne, %rem3A_1379, %ne3A_1380 : i32
        %lt3A_1382 = arith.constant 0 : i32
        %lt3A_1383 = arith.cmpi slt, %rem3A_1379, %lt3A_1382 : i32
        %lt3A_1384 = arith.constant 0 : i32
        %lt3A_1385 = arith.cmpi slt, %select_n3A_1378, %lt3A_1384 : i32
        %ne3A_1386 = arith.xori %lt3A_1383, %lt3A_1385 : i1
        %and3A_1387 = arith.andi %ne3A_1386, %ne3A_1381 : i1
        %add3A_1388 = arith.addi %rem3A_1379, %select_n3A_1378 : i32
        %select_n3A_1389 = arith.select %and3A_1387, %add3A_1388, %rem3A_1379 : i32
        %mul3A_1390 = arith.constant 512 : i32
        %mul3A_1391 = arith.muli %select_n3A_1389, %mul3A_1390 : i32
        %add3A_1392 = arith.addi %mul3A_2, %mul3A_1391 : i32
        %dma_start3A_1393 = arith.constant 6 : i32
        %dma_start3A_1394 = arith.constant 0 : i32
        %dma_start3A_1395 = arith.constant 0 : i32
        %dma_start3A_1396 = tpu.memref_slice %arg6[%dma_start3A_1393, %dma_start3A_1394, %dma_start3A_1395] : memref<8x8x512xi32, #tpu.memory_space<vmem>> -> memref<1x8x512xi32, #tpu.memory_space<vmem>>
        %dma_start3A_1397 = tpu.memref_squeeze %dma_start3A_1396 : memref<1x8x512xi32, #tpu.memory_space<vmem>> -> memref<8x512xi32, #tpu.memory_space<vmem>>
        %dma_start3A_1398 = tpu.memref_slice %arg2[%mul3A_1373, %add3A_1392] : memref<200x16384xi32, #tpu.memory_space<hbm>> -> memref<8x512xi32, #tpu.memory_space<hbm>>
        %dma_start3A_1399 = arith.constant 0 : i32
        %dma_start3A_1400 = arith.constant 0 : i32
        %dma_start3A_1401 = tpu.memref_slice %arg6[%dma_start3A_1393, %dma_start3A_1399, %dma_start3A_1400] : memref<8x8x512xi32, #tpu.memory_space<vmem>> -> memref<1x8x512xi32, #tpu.memory_space<vmem>>
        %dma_start3A_1402 = tpu.memref_squeeze %dma_start3A_1401 : memref<1x8x512xi32, #tpu.memory_space<vmem>> -> memref<8x512xi32, #tpu.memory_space<vmem>>
        %dma_start3A_1403 = tpu.memref_slice %arg2[%mul3A_1373, %add3A_1392] : memref<200x16384xi32, #tpu.memory_space<hbm>> -> memref<8x512xi32, #tpu.memory_space<hbm>>
        tpu.enqueue_dma source(%dma_start3A_1403 : memref<8x512xi32, #tpu.memory_space<hbm>>) target(%dma_start3A_1402 : memref<8x512xi32, #tpu.memory_space<vmem>>) target_semaphore(%arg14 : memref<!tpu.dma_semaphore, #tpu.memory_space<semaphore_mem>>)
      } else {
      }
      %mul3A_1215 = arith.constant 8 : i32
      %mul3A_1216 = arith.muli %scan3A_310, %mul3A_1215 : i32
      %add3A_1217 = arith.constant 7 : i32
      %add3A_1218 = arith.addi %mul3A_1216, %add3A_1217 : i32
      %jit3A_1219 = arith.constant 1 : i32
      %div3A_1220 = arith.divsi %add3A_1218, %jit3A_1219 : i32
      %sign3A_1221 = arith.constant 0 : i32
      %sign3A_1222 = arith.cmpi sgt, %add3A_1218, %sign3A_1221 : i32
      %sign3A_1223 = arith.extui %sign3A_1222 : i1 to i32
      %sign3A_1224 = arith.constant 0 : i32
      %sign3A_1225 = arith.cmpi slt, %add3A_1218, %sign3A_1224 : i32
      %sign3A_1226 = arith.extui %sign3A_1225 : i1 to i32
      %sign3A_1227 = arith.subi %sign3A_1223, %sign3A_1226 : i32
      %sign3A_1228 = arith.constant 0 : i32
      %sign3A_1229 = arith.cmpi sgt, %jit3A_1219, %sign3A_1228 : i32
      %sign3A_1230 = arith.extui %sign3A_1229 : i1 to i32
      %sign3A_1231 = arith.constant 0 : i32
      %sign3A_1232 = arith.cmpi slt, %jit3A_1219, %sign3A_1231 : i32
      %sign3A_1233 = arith.extui %sign3A_1232 : i1 to i32
      %sign3A_1234 = arith.subi %sign3A_1230, %sign3A_1233 : i32
      %ne3A_1235 = arith.cmpi ne, %sign3A_1227, %sign3A_1234 : i32
      %rem3A_1236 = arith.remsi %add3A_1218, %jit3A_1219 : i32
      %ne3A_1237 = arith.constant 0 : i32
      %ne3A_1238 = arith.cmpi ne, %rem3A_1236, %ne3A_1237 : i32
      %and3A_1239 = arith.andi %ne3A_1235, %ne3A_1238 : i1
      %sub3A_1240 = arith.constant 1 : i32
      %sub3A_1241 = arith.subi %div3A_1220, %sub3A_1240 : i32
      %select_n3A_1242 = arith.select %and3A_1239, %sub3A_1241, %div3A_1220 : i32
      %mul3A_1243 = arith.constant 8 : i32
      %mul3A_1244 = arith.muli %select_n3A_1242, %mul3A_1243 : i32
      %jit3A_1245 = arith.constant 1 : i32
      %eq3A_1246 = arith.constant 0 : i32
      %eq3A_1247 = arith.cmpi eq, %jit3A_1245, %eq3A_1246 : i32
      %jit3A_1248 = arith.constant 1 : i32
      %select_n3A_1249 = arith.select %eq3A_1247, %jit3A_1248, %jit3A_1245 : i32
      %rem3A_1250 = arith.remsi %add3A_1218, %select_n3A_1249 : i32
      %ne3A_1251 = arith.constant 0 : i32
      %ne3A_1252 = arith.cmpi ne, %rem3A_1250, %ne3A_1251 : i32
      %lt3A_1253 = arith.constant 0 : i32
      %lt3A_1254 = arith.cmpi slt, %rem3A_1250, %lt3A_1253 : i32
      %lt3A_1255 = arith.constant 0 : i32
      %lt3A_1256 = arith.cmpi slt, %select_n3A_1249, %lt3A_1255 : i32
      %ne3A_1257 = arith.xori %lt3A_1254, %lt3A_1256 : i1
      %and3A_1258 = arith.andi %ne3A_1257, %ne3A_1252 : i1
      %add3A_1259 = arith.addi %rem3A_1250, %select_n3A_1249 : i32
      %select_n3A_1260 = arith.select %and3A_1258, %add3A_1259, %rem3A_1250 : i32
      %mul3A_1261 = arith.constant 512 : i32
      %mul3A_1262 = arith.muli %select_n3A_1260, %mul3A_1261 : i32
      %add3A_1263 = arith.addi %mul3A_2, %mul3A_1262 : i32
      %dma_wait3A_1264 = arith.constant 7 : i32
      %dma_wait3A_1265 = arith.constant 0 : i32
      %dma_wait3A_1266 = arith.constant 0 : i32
      %dma_wait3A_1267 = tpu.memref_slice %arg6[%dma_wait3A_1264, %dma_wait3A_1265, %dma_wait3A_1266] : memref<8x8x512xi32, #tpu.memory_space<vmem>> -> memref<1x8x512xi32, #tpu.memory_space<vmem>>
      %dma_wait3A_1268 = tpu.memref_squeeze %dma_wait3A_1267 : memref<1x8x512xi32, #tpu.memory_space<vmem>> -> memref<8x512xi32, #tpu.memory_space<vmem>>
      %dma_wait3A_1269 = tpu.memref_slice %arg2[%mul3A_1244, %add3A_1263] : memref<200x16384xi32, #tpu.memory_space<hbm>> -> memref<8x512xi32, #tpu.memory_space<hbm>>
      %dma_wait3A_1270 = arith.constant 0 : i32
      %dma_wait3A_1271 = arith.constant 0 : i32
      %dma_wait3A_1272 = tpu.memref_slice %arg6[%dma_wait3A_1264, %dma_wait3A_1270, %dma_wait3A_1271] : memref<8x8x512xi32, #tpu.memory_space<vmem>> -> memref<1x8x512xi32, #tpu.memory_space<vmem>>
      %dma_wait3A_1273 = tpu.memref_squeeze %dma_wait3A_1272 : memref<1x8x512xi32, #tpu.memory_space<vmem>> -> memref<8x512xi32, #tpu.memory_space<vmem>>
      %dma_wait3A_1274 = tpu.memref_slice %arg2[%mul3A_1244, %add3A_1263] : memref<200x16384xi32, #tpu.memory_space<hbm>> -> memref<8x512xi32, #tpu.memory_space<hbm>>
      tpu.wait_dma2 semaphore(%arg15 : memref<!tpu.dma_semaphore, #tpu.memory_space<semaphore_mem>>) src(%dma_wait3A_1274 : memref<8x512xi32, #tpu.memory_space<hbm>>) dst(%dma_wait3A_1273 : memref<8x512xi32, #tpu.memory_space<vmem>>)
      %gt3A_1275 = arith.constant 0 : i32
      %gt3A_1276 = arith.cmpi sgt, %scan3A_310, %gt3A_1275 : i32
      %convert_element_type3A_1277 = arith.extui %gt3A_1276 : i1 to i32
      %cond3A_1278 = arith.constant 0 : i32
      %cond3A_1279 = arith.cmpi ne, %convert_element_type3A_1277, %cond3A_1278 : i32
      scf.if %cond3A_1279 {
        %sub3A_1346 = arith.constant 8 : i32
        %sub3A_1347 = arith.subi %add3A_1218, %sub3A_1346 : i32
        %jit3A_1348 = arith.constant 1 : i32
        %div3A_1349 = arith.divsi %sub3A_1347, %jit3A_1348 : i32
        %sign3A_1350 = arith.constant 0 : i32
        %sign3A_1351 = arith.cmpi sgt, %sub3A_1347, %sign3A_1350 : i32
        %sign3A_1352 = arith.extui %sign3A_1351 : i1 to i32
        %sign3A_1353 = arith.constant 0 : i32
        %sign3A_1354 = arith.cmpi slt, %sub3A_1347, %sign3A_1353 : i32
        %sign3A_1355 = arith.extui %sign3A_1354 : i1 to i32
        %sign3A_1356 = arith.subi %sign3A_1352, %sign3A_1355 : i32
        %sign3A_1357 = arith.constant 0 : i32
        %sign3A_1358 = arith.cmpi sgt, %jit3A_1348, %sign3A_1357 : i32
        %sign3A_1359 = arith.extui %sign3A_1358 : i1 to i32
        %sign3A_1360 = arith.constant 0 : i32
        %sign3A_1361 = arith.cmpi slt, %jit3A_1348, %sign3A_1360 : i32
        %sign3A_1362 = arith.extui %sign3A_1361 : i1 to i32
        %sign3A_1363 = arith.subi %sign3A_1359, %sign3A_1362 : i32
        %ne3A_1364 = arith.cmpi ne, %sign3A_1356, %sign3A_1363 : i32
        %rem3A_1365 = arith.remsi %sub3A_1347, %jit3A_1348 : i32
        %ne3A_1366 = arith.constant 0 : i32
        %ne3A_1367 = arith.cmpi ne, %rem3A_1365, %ne3A_1366 : i32
        %and3A_1368 = arith.andi %ne3A_1364, %ne3A_1367 : i1
        %sub3A_1369 = arith.constant 1 : i32
        %sub3A_1370 = arith.subi %div3A_1349, %sub3A_1369 : i32
        %select_n3A_1371 = arith.select %and3A_1368, %sub3A_1370, %div3A_1349 : i32
        %mul3A_1372 = arith.constant 8 : i32
        %mul3A_1373 = arith.muli %select_n3A_1371, %mul3A_1372 : i32
        %jit3A_1374 = arith.constant 1 : i32
        %eq3A_1375 = arith.constant 0 : i32
        %eq3A_1376 = arith.cmpi eq, %jit3A_1374, %eq3A_1375 : i32
        %jit3A_1377 = arith.constant 1 : i32
        %select_n3A_1378 = arith.select %eq3A_1376, %jit3A_1377, %jit3A_1374 : i32
        %rem3A_1379 = arith.remsi %sub3A_1347, %select_n3A_1378 : i32
        %ne3A_1380 = arith.constant 0 : i32
        %ne3A_1381 = arith.cmpi ne, %rem3A_1379, %ne3A_1380 : i32
        %lt3A_1382 = arith.constant 0 : i32
        %lt3A_1383 = arith.cmpi slt, %rem3A_1379, %lt3A_1382 : i32
        %lt3A_1384 = arith.constant 0 : i32
        %lt3A_1385 = arith.cmpi slt, %select_n3A_1378, %lt3A_1384 : i32
        %ne3A_1386 = arith.xori %lt3A_1383, %lt3A_1385 : i1
        %and3A_1387 = arith.andi %ne3A_1386, %ne3A_1381 : i1
        %add3A_1388 = arith.addi %rem3A_1379, %select_n3A_1378 : i32
        %select_n3A_1389 = arith.select %and3A_1387, %add3A_1388, %rem3A_1379 : i32
        %mul3A_1390 = arith.constant 512 : i32
        %mul3A_1391 = arith.muli %select_n3A_1389, %mul3A_1390 : i32
        %add3A_1392 = arith.addi %mul3A_2, %mul3A_1391 : i32
        %dma_wait3A_1393 = arith.constant 7 : i32
        %dma_wait3A_1394 = arith.constant 0 : i32
        %dma_wait3A_1395 = arith.constant 0 : i32
        %dma_wait3A_1396 = tpu.memref_slice %arg7[%dma_wait3A_1393, %dma_wait3A_1394, %dma_wait3A_1395] : memref<8x8x512xi32, #tpu.memory_space<vmem>> -> memref<1x8x512xi32, #tpu.memory_space<vmem>>
        %dma_wait3A_1397 = tpu.memref_squeeze %dma_wait3A_1396 : memref<1x8x512xi32, #tpu.memory_space<vmem>> -> memref<8x512xi32, #tpu.memory_space<vmem>>
        %dma_wait3A_1398 = tpu.memref_slice %arg4[%mul3A_1373, %add3A_1392] : memref<200x16384xi32, #tpu.memory_space<hbm>> -> memref<8x512xi32, #tpu.memory_space<hbm>>
        %dma_wait3A_1399 = tpu.memref_slice %arg4[%mul3A_1373, %add3A_1392] : memref<200x16384xi32, #tpu.memory_space<hbm>> -> memref<8x512xi32, #tpu.memory_space<hbm>>
        %dma_wait3A_1400 = arith.constant 0 : i32
        %dma_wait3A_1401 = arith.constant 0 : i32
        %dma_wait3A_1402 = tpu.memref_slice %arg7[%dma_wait3A_1393, %dma_wait3A_1400, %dma_wait3A_1401] : memref<8x8x512xi32, #tpu.memory_space<vmem>> -> memref<1x8x512xi32, #tpu.memory_space<vmem>>
        %dma_wait3A_1403 = tpu.memref_squeeze %dma_wait3A_1402 : memref<1x8x512xi32, #tpu.memory_space<vmem>> -> memref<8x512xi32, #tpu.memory_space<vmem>>
        tpu.wait_dma2 semaphore(%arg23 : memref<!tpu.dma_semaphore, #tpu.memory_space<semaphore_mem>>) src(%dma_wait3A_1403 : memref<8x512xi32, #tpu.memory_space<vmem>>) dst(%dma_wait3A_1399 : memref<8x512xi32, #tpu.memory_space<hbm>>)
      } else {
      }
      %parallel_loop3A_1280 = arith.constant 0 : i32
      %parallel_loop3A_1281 = arith.constant 256 : i32
      %parallel_loop3A_1282 = arith.constant 1 : i32
      scf.for %parallel_loop3A_1346 = %parallel_loop3A_1280 to %parallel_loop3A_1281 step %parallel_loop3A_1282  : i32 {
        %parallel_loop3A_1347 = arith.constant 5 : i32
        %parallel_loop3A_1348 = arith.shrsi %parallel_loop3A_1346, %parallel_loop3A_1347 : i32
        %parallel_loop3A_1349 = arith.constant 31 : i32
        %parallel_loop3A_1350 = arith.andi %parallel_loop3A_1346, %parallel_loop3A_1349 : i32
        %parallel_loop3A_1351 = arith.constant 16 : i32
        %parallel_loop3A_1352 = arith.muli %parallel_loop3A_1350, %parallel_loop3A_1351 : i32
        %parallel_loop3A_1353 = arith.constant 7 : i32
        %parallel_loop3A_1354 = arith.index_cast %parallel_loop3A_1353 : i32 to index
        %parallel_loop3A_1355 = arith.index_cast %parallel_loop3A_1348 : i32 to index
        %parallel_loop3A_1356 = arith.index_cast %parallel_loop3A_1352 : i32 to index
        %parallel_loop3A_1357 = tpu.vector_load %arg6[%parallel_loop3A_1354, %parallel_loop3A_1355, %parallel_loop3A_1356] {strides = array<i32>} : memref<8x8x512xi32, #tpu.memory_space<vmem>>, vector<16xi32>,
        %parallel_loop3A_1358 = arith.constant 120 : i32
        %parallel_loop3A_1359 = vector.broadcast %parallel_loop3A_1358 : i32 to vector<16xi32>
        %parallel_loop3A_1360 = arith.addi %parallel_loop3A_1357, %parallel_loop3A_1359 : vector<16xi32>
        %parallel_loop3A_1361 = vector.bitcast %parallel_loop3A_1360 : vector<16xi32> to vector<16xi32>
        %parallel_loop3A_1362 = arith.constant 240 : i32
        %parallel_loop3A_1363 = vector.broadcast %parallel_loop3A_1362 : i32 to vector<16xi32>
        %parallel_loop3A_1364 = arith.minui %parallel_loop3A_1361, %parallel_loop3A_1363 : vector<16xi32>
        %parallel_loop3A_1365 = vector.bitcast %parallel_loop3A_1364 : vector<16xi32> to vector<16xi32>
        %parallel_loop3A_1366 = tpu.vector_load_idx %arg5[%parallel_loop3A_1365] : memref<256xi32, #tpu.memory_space<vmem>>[vector<16xi32>], vector<16xi32>,
        %parallel_loop3A_1367 = arith.constant 7 : i32
        %parallel_loop3A_1368 = arith.index_cast %parallel_loop3A_1367 : i32 to index
        %parallel_loop3A_1369 = arith.index_cast %parallel_loop3A_1348 : i32 to index
        %parallel_loop3A_1370 = arith.index_cast %parallel_loop3A_1352 : i32 to index
        %parallel_loop3A_1371 = tpu.vector_load %arg7[%parallel_loop3A_1368, %parallel_loop3A_1369, %parallel_loop3A_1370] {strides = array<i32>} : memref<8x8x512xi32, #tpu.memory_space<vmem>>, vector<16xi32>,
        tpu.vector_store %arg7[%parallel_loop3A_1368, %parallel_loop3A_1369, %parallel_loop3A_1370], %parallel_loop3A_1366 {strides = array<i32>} : memref<8x8x512xi32, #tpu.memory_space<vmem>>, vector<16xi32>,
      } {sc.loop_unroll_factor = 8 : i64, sc.parallel_access}
      %jit3A_1283 = arith.constant 1 : i32
      %div3A_1284 = arith.divsi %add3A_1218, %jit3A_1283 : i32
      %sign3A_1285 = arith.constant 0 : i32
      %sign3A_1286 = arith.cmpi sgt, %add3A_1218, %sign3A_1285 : i32
      %sign3A_1287 = arith.extui %sign3A_1286 : i1 to i32
      %sign3A_1288 = arith.constant 0 : i32
      %sign3A_1289 = arith.cmpi slt, %add3A_1218, %sign3A_1288 : i32
      %sign3A_1290 = arith.extui %sign3A_1289 : i1 to i32
      %sign3A_1291 = arith.subi %sign3A_1287, %sign3A_1290 : i32
      %sign3A_1292 = arith.constant 0 : i32
      %sign3A_1293 = arith.cmpi sgt, %jit3A_1283, %sign3A_1292 : i32
      %sign3A_1294 = arith.extui %sign3A_1293 : i1 to i32
      %sign3A_1295 = arith.constant 0 : i32
      %sign3A_1296 = arith.cmpi slt, %jit3A_1283, %sign3A_1295 : i32
      %sign3A_1297 = arith.extui %sign3A_1296 : i1 to i32
      %sign3A_1298 = arith.subi %sign3A_1294, %sign3A_1297 : i32
      %ne3A_1299 = arith.cmpi ne, %sign3A_1291, %sign3A_1298 : i32
      %rem3A_1300 = arith.remsi %add3A_1218, %jit3A_1283 : i32
      %ne3A_1301 = arith.constant 0 : i32
      %ne3A_1302 = arith.cmpi ne, %rem3A_1300, %ne3A_1301 : i32
      %and3A_1303 = arith.andi %ne3A_1299, %ne3A_1302 : i1
      %sub3A_1304 = arith.constant 1 : i32
      %sub3A_1305 = arith.subi %div3A_1284, %sub3A_1304 : i32
      %select_n3A_1306 = arith.select %and3A_1303, %sub3A_1305, %div3A_1284 : i32
      %mul3A_1307 = arith.constant 8 : i32
      %mul3A_1308 = arith.muli %select_n3A_1306, %mul3A_1307 : i32
      %jit3A_1309 = arith.constant 1 : i32
      %eq3A_1310 = arith.constant 0 : i32
      %eq3A_1311 = arith.cmpi eq, %jit3A_1309, %eq3A_1310 : i32
      %jit3A_1312 = arith.constant 1 : i32
      %select_n3A_1313 = arith.select %eq3A_1311, %jit3A_1312, %jit3A_1309 : i32
      %rem3A_1314 = arith.remsi %add3A_1218, %select_n3A_1313 : i32
      %ne3A_1315 = arith.constant 0 : i32
      %ne3A_1316 = arith.cmpi ne, %rem3A_1314, %ne3A_1315 : i32
      %lt3A_1317 = arith.constant 0 : i32
      %lt3A_1318 = arith.cmpi slt, %rem3A_1314, %lt3A_1317 : i32
      %lt3A_1319 = arith.constant 0 : i32
      %lt3A_1320 = arith.cmpi slt, %select_n3A_1313, %lt3A_1319 : i32
      %ne3A_1321 = arith.xori %lt3A_1318, %lt3A_1320 : i1
      %and3A_1322 = arith.andi %ne3A_1321, %ne3A_1316 : i1
      %add3A_1323 = arith.addi %rem3A_1314, %select_n3A_1313 : i32
      %select_n3A_1324 = arith.select %and3A_1322, %add3A_1323, %rem3A_1314 : i32
      %mul3A_1325 = arith.constant 512 : i32
      %mul3A_1326 = arith.muli %select_n3A_1324, %mul3A_1325 : i32
      %add3A_1327 = arith.addi %mul3A_2, %mul3A_1326 : i32
      %dma_start3A_1328 = arith.constant 7 : i32
      %dma_start3A_1329 = arith.constant 0 : i32
      %dma_start3A_1330 = arith.constant 0 : i32
      %dma_start3A_1331 = tpu.memref_slice %arg7[%dma_start3A_1328, %dma_start3A_1329, %dma_start3A_1330] : memref<8x8x512xi32, #tpu.memory_space<vmem>> -> memref<1x8x512xi32, #tpu.memory_space<vmem>>
      %dma_start3A_1332 = tpu.memref_squeeze %dma_start3A_1331 : memref<1x8x512xi32, #tpu.memory_space<vmem>> -> memref<8x512xi32, #tpu.memory_space<vmem>>
      %dma_start3A_1333 = tpu.memref_slice %arg4[%mul3A_1308, %add3A_1327] : memref<200x16384xi32, #tpu.memory_space<hbm>> -> memref<8x512xi32, #tpu.memory_space<hbm>>
      %dma_start3A_1334 = tpu.memref_slice %arg4[%mul3A_1308, %add3A_1327] : memref<200x16384xi32, #tpu.memory_space<hbm>> -> memref<8x512xi32, #tpu.memory_space<hbm>>
      %dma_start3A_1335 = arith.constant 0 : i32
      %dma_start3A_1336 = arith.constant 0 : i32
      %dma_start3A_1337 = tpu.memref_slice %arg7[%dma_start3A_1328, %dma_start3A_1335, %dma_start3A_1336] : memref<8x8x512xi32, #tpu.memory_space<vmem>> -> memref<1x8x512xi32, #tpu.memory_space<vmem>>
      %dma_start3A_1338 = tpu.memref_squeeze %dma_start3A_1337 : memref<1x8x512xi32, #tpu.memory_space<vmem>> -> memref<8x512xi32, #tpu.memory_space<vmem>>
      tpu.enqueue_dma source(%dma_start3A_1338 : memref<8x512xi32, #tpu.memory_space<vmem>>) target(%dma_start3A_1334 : memref<8x512xi32, #tpu.memory_space<hbm>>) target_semaphore(%arg23 : memref<!tpu.dma_semaphore, #tpu.memory_space<semaphore_mem>>)
      %add3A_1339 = arith.constant 8 : i32
      %add3A_1340 = arith.addi %add3A_1218, %add3A_1339 : i32
      %lt3A_1341 = arith.constant 24 : i32
      %lt3A_1342 = arith.cmpi slt, %add3A_1340, %lt3A_1341 : i32
      %convert_element_type3A_1343 = arith.extui %lt3A_1342 : i1 to i32
      %cond3A_1344 = arith.constant 0 : i32
      %cond3A_1345 = arith.cmpi ne, %convert_element_type3A_1343, %cond3A_1344 : i32
      scf.if %cond3A_1345 {
        %add3A_1346 = arith.constant 8 : i32
        %add3A_1347 = arith.addi %add3A_1218, %add3A_1346 : i32
        %jit3A_1348 = arith.constant 1 : i32
        %div3A_1349 = arith.divsi %add3A_1347, %jit3A_1348 : i32
        %sign3A_1350 = arith.constant 0 : i32
        %sign3A_1351 = arith.cmpi sgt, %add3A_1347, %sign3A_1350 : i32
        %sign3A_1352 = arith.extui %sign3A_1351 : i1 to i32
        %sign3A_1353 = arith.constant 0 : i32
        %sign3A_1354 = arith.cmpi slt, %add3A_1347, %sign3A_1353 : i32
        %sign3A_1355 = arith.extui %sign3A_1354 : i1 to i32
        %sign3A_1356 = arith.subi %sign3A_1352, %sign3A_1355 : i32
        %sign3A_1357 = arith.constant 0 : i32
        %sign3A_1358 = arith.cmpi sgt, %jit3A_1348, %sign3A_1357 : i32
        %sign3A_1359 = arith.extui %sign3A_1358 : i1 to i32
        %sign3A_1360 = arith.constant 0 : i32
        %sign3A_1361 = arith.cmpi slt, %jit3A_1348, %sign3A_1360 : i32
        %sign3A_1362 = arith.extui %sign3A_1361 : i1 to i32
        %sign3A_1363 = arith.subi %sign3A_1359, %sign3A_1362 : i32
        %ne3A_1364 = arith.cmpi ne, %sign3A_1356, %sign3A_1363 : i32
        %rem3A_1365 = arith.remsi %add3A_1347, %jit3A_1348 : i32
        %ne3A_1366 = arith.constant 0 : i32
        %ne3A_1367 = arith.cmpi ne, %rem3A_1365, %ne3A_1366 : i32
        %and3A_1368 = arith.andi %ne3A_1364, %ne3A_1367 : i1
        %sub3A_1369 = arith.constant 1 : i32
        %sub3A_1370 = arith.subi %div3A_1349, %sub3A_1369 : i32
        %select_n3A_1371 = arith.select %and3A_1368, %sub3A_1370, %div3A_1349 : i32
        %mul3A_1372 = arith.constant 8 : i32
        %mul3A_1373 = arith.muli %select_n3A_1371, %mul3A_1372 : i32
        %jit3A_1374 = arith.constant 1 : i32
        %eq3A_1375 = arith.constant 0 : i32
        %eq3A_1376 = arith.cmpi eq, %jit3A_1374, %eq3A_1375 : i32
        %jit3A_1377 = arith.constant 1 : i32
        %select_n3A_1378 = arith.select %eq3A_1376, %jit3A_1377, %jit3A_1374 : i32
        %rem3A_1379 = arith.remsi %add3A_1347, %select_n3A_1378 : i32
        %ne3A_1380 = arith.constant 0 : i32
        %ne3A_1381 = arith.cmpi ne, %rem3A_1379, %ne3A_1380 : i32
        %lt3A_1382 = arith.constant 0 : i32
        %lt3A_1383 = arith.cmpi slt, %rem3A_1379, %lt3A_1382 : i32
        %lt3A_1384 = arith.constant 0 : i32
        %lt3A_1385 = arith.cmpi slt, %select_n3A_1378, %lt3A_1384 : i32
        %ne3A_1386 = arith.xori %lt3A_1383, %lt3A_1385 : i1
        %and3A_1387 = arith.andi %ne3A_1386, %ne3A_1381 : i1
        %add3A_1388 = arith.addi %rem3A_1379, %select_n3A_1378 : i32
        %select_n3A_1389 = arith.select %and3A_1387, %add3A_1388, %rem3A_1379 : i32
        %mul3A_1390 = arith.constant 512 : i32
        %mul3A_1391 = arith.muli %select_n3A_1389, %mul3A_1390 : i32
        %add3A_1392 = arith.addi %mul3A_2, %mul3A_1391 : i32
        %dma_start3A_1393 = arith.constant 7 : i32
        %dma_start3A_1394 = arith.constant 0 : i32
        %dma_start3A_1395 = arith.constant 0 : i32
        %dma_start3A_1396 = tpu.memref_slice %arg6[%dma_start3A_1393, %dma_start3A_1394, %dma_start3A_1395] : memref<8x8x512xi32, #tpu.memory_space<vmem>> -> memref<1x8x512xi32, #tpu.memory_space<vmem>>
        %dma_start3A_1397 = tpu.memref_squeeze %dma_start3A_1396 : memref<1x8x512xi32, #tpu.memory_space<vmem>> -> memref<8x512xi32, #tpu.memory_space<vmem>>
        %dma_start3A_1398 = tpu.memref_slice %arg2[%mul3A_1373, %add3A_1392] : memref<200x16384xi32, #tpu.memory_space<hbm>> -> memref<8x512xi32, #tpu.memory_space<hbm>>
        %dma_start3A_1399 = arith.constant 0 : i32
        %dma_start3A_1400 = arith.constant 0 : i32
        %dma_start3A_1401 = tpu.memref_slice %arg6[%dma_start3A_1393, %dma_start3A_1399, %dma_start3A_1400] : memref<8x8x512xi32, #tpu.memory_space<vmem>> -> memref<1x8x512xi32, #tpu.memory_space<vmem>>
        %dma_start3A_1402 = tpu.memref_squeeze %dma_start3A_1401 : memref<1x8x512xi32, #tpu.memory_space<vmem>> -> memref<8x512xi32, #tpu.memory_space<vmem>>
        %dma_start3A_1403 = tpu.memref_slice %arg2[%mul3A_1373, %add3A_1392] : memref<200x16384xi32, #tpu.memory_space<hbm>> -> memref<8x512xi32, #tpu.memory_space<hbm>>
        tpu.enqueue_dma source(%dma_start3A_1403 : memref<8x512xi32, #tpu.memory_space<hbm>>) target(%dma_start3A_1402 : memref<8x512xi32, #tpu.memory_space<vmem>>) target_semaphore(%arg15 : memref<!tpu.dma_semaphore, #tpu.memory_space<semaphore_mem>>)
      } else {
      }
    }
    %scan3A_128 = arith.constant 3 : i32
    %add3A_129 = arith.constant 0 : i32
    %add3A_130 = arith.addi %mul3A_2, %add3A_129 : i32
    %dma_start3A_131 = arith.constant 0 : i32
    %dma_start3A_132 = arith.constant 0 : i32
    %dma_start3A_133 = arith.constant 0 : i32
    %dma_start3A_134 = tpu.memref_slice %arg6[%dma_start3A_131, %dma_start3A_132, %dma_start3A_133] : memref<8x8x512xi32, #tpu.memory_space<vmem>> -> memref<1x8x512xi32, #tpu.memory_space<vmem>>
    %dma_start3A_135 = tpu.memref_squeeze %dma_start3A_134 : memref<1x8x512xi32, #tpu.memory_space<vmem>> -> memref<8x512xi32, #tpu.memory_space<vmem>>
    %dma_start3A_136 = arith.constant 192 : i32
    %dma_start3A_137 = tpu.memref_slice %arg2[%dma_start3A_136, %add3A_130] : memref<200x16384xi32, #tpu.memory_space<hbm>> -> memref<8x512xi32, #tpu.memory_space<hbm>>
    %dma_start3A_138 = arith.constant 0 : i32
    %dma_start3A_139 = arith.constant 0 : i32
    %dma_start3A_140 = tpu.memref_slice %arg6[%dma_start3A_131, %dma_start3A_138, %dma_start3A_139] : memref<8x8x512xi32, #tpu.memory_space<vmem>> -> memref<1x8x512xi32, #tpu.memory_space<vmem>>
    %dma_start3A_141 = tpu.memref_squeeze %dma_start3A_140 : memref<1x8x512xi32, #tpu.memory_space<vmem>> -> memref<8x512xi32, #tpu.memory_space<vmem>>
    %dma_start3A_142 = arith.constant 192 : i32
    %dma_start3A_143 = tpu.memref_slice %arg2[%dma_start3A_142, %add3A_130] : memref<200x16384xi32, #tpu.memory_space<hbm>> -> memref<8x512xi32, #tpu.memory_space<hbm>>
    tpu.enqueue_dma source(%dma_start3A_143 : memref<8x512xi32, #tpu.memory_space<hbm>>) target(%dma_start3A_141 : memref<8x512xi32, #tpu.memory_space<vmem>>) target_semaphore(%arg8 : memref<!tpu.dma_semaphore, #tpu.memory_space<semaphore_mem>>)
    %add3A_144 = arith.constant 0 : i32
    %add3A_145 = arith.addi %mul3A_2, %add3A_144 : i32
    %dma_wait3A = arith.constant 0 : i32
    %dma_wait3A_146 = arith.constant 0 : i32
    %dma_wait3A_147 = arith.constant 0 : i32
    %dma_wait3A_148 = tpu.memref_slice %arg6[%dma_wait3A, %dma_wait3A_146, %dma_wait3A_147] : memref<8x8x512xi32, #tpu.memory_space<vmem>> -> memref<1x8x512xi32, #tpu.memory_space<vmem>>
    %dma_wait3A_149 = tpu.memref_squeeze %dma_wait3A_148 : memref<1x8x512xi32, #tpu.memory_space<vmem>> -> memref<8x512xi32, #tpu.memory_space<vmem>>
    %dma_wait3A_150 = arith.constant 192 : i32
    %dma_wait3A_151 = tpu.memref_slice %arg2[%dma_wait3A_150, %add3A_145] : memref<200x16384xi32, #tpu.memory_space<hbm>> -> memref<8x512xi32, #tpu.memory_space<hbm>>
    %dma_wait3A_152 = arith.constant 0 : i32
    %dma_wait3A_153 = arith.constant 0 : i32
    %dma_wait3A_154 = tpu.memref_slice %arg6[%dma_wait3A, %dma_wait3A_152, %dma_wait3A_153] : memref<8x8x512xi32, #tpu.memory_space<vmem>> -> memref<1x8x512xi32, #tpu.memory_space<vmem>>
    %dma_wait3A_155 = tpu.memref_squeeze %dma_wait3A_154 : memref<1x8x512xi32, #tpu.memory_space<vmem>> -> memref<8x512xi32, #tpu.memory_space<vmem>>
    %dma_wait3A_156 = arith.constant 192 : i32
    %dma_wait3A_157 = tpu.memref_slice %arg2[%dma_wait3A_156, %add3A_145] : memref<200x16384xi32, #tpu.memory_space<hbm>> -> memref<8x512xi32, #tpu.memory_space<hbm>>
    tpu.wait_dma2 semaphore(%arg8 : memref<!tpu.dma_semaphore, #tpu.memory_space<semaphore_mem>>) src(%dma_wait3A_157 : memref<8x512xi32, #tpu.memory_space<hbm>>) dst(%dma_wait3A_155 : memref<8x512xi32, #tpu.memory_space<vmem>>)
    %add3A_158 = arith.constant 0 : i32
    %add3A_159 = arith.addi %mul3A_2, %add3A_158 : i32
    %dma_wait3A_160 = arith.constant 0 : i32
    %dma_wait3A_161 = arith.constant 0 : i32
    %dma_wait3A_162 = arith.constant 0 : i32
    %dma_wait3A_163 = tpu.memref_slice %arg7[%dma_wait3A_160, %dma_wait3A_161, %dma_wait3A_162] : memref<8x8x512xi32, #tpu.memory_space<vmem>> -> memref<1x8x512xi32, #tpu.memory_space<vmem>>
    %dma_wait3A_164 = tpu.memref_squeeze %dma_wait3A_163 : memref<1x8x512xi32, #tpu.memory_space<vmem>> -> memref<8x512xi32, #tpu.memory_space<vmem>>
    %dma_wait3A_165 = arith.constant 128 : i32
    %dma_wait3A_166 = tpu.memref_slice %arg4[%dma_wait3A_165, %add3A_159] : memref<200x16384xi32, #tpu.memory_space<hbm>> -> memref<8x512xi32, #tpu.memory_space<hbm>>
    %dma_wait3A_167 = arith.constant 128 : i32
    %dma_wait3A_168 = tpu.memref_slice %arg4[%dma_wait3A_167, %add3A_159] : memref<200x16384xi32, #tpu.memory_space<hbm>> -> memref<8x512xi32, #tpu.memory_space<hbm>>
    %dma_wait3A_169 = arith.constant 0 : i32
    %dma_wait3A_170 = arith.constant 0 : i32
    %dma_wait3A_171 = tpu.memref_slice %arg7[%dma_wait3A_160, %dma_wait3A_169, %dma_wait3A_170] : memref<8x8x512xi32, #tpu.memory_space<vmem>> -> memref<1x8x512xi32, #tpu.memory_space<vmem>>
    %dma_wait3A_172 = tpu.memref_squeeze %dma_wait3A_171 : memref<1x8x512xi32, #tpu.memory_space<vmem>> -> memref<8x512xi32, #tpu.memory_space<vmem>>
    tpu.wait_dma2 semaphore(%arg16 : memref<!tpu.dma_semaphore, #tpu.memory_space<semaphore_mem>>) src(%dma_wait3A_172 : memref<8x512xi32, #tpu.memory_space<vmem>>) dst(%dma_wait3A_168 : memref<8x512xi32, #tpu.memory_space<hbm>>)
    %parallel_loop3A = arith.constant 0 : i32
    %parallel_loop3A_173 = arith.constant 256 : i32
    %parallel_loop3A_174 = arith.constant 1 : i32
    scf.for %parallel_loop3A_310 = %parallel_loop3A to %parallel_loop3A_173 step %parallel_loop3A_174  : i32 {
      %parallel_loop3A_311 = arith.constant 5 : i32
      %parallel_loop3A_312 = arith.shrsi %parallel_loop3A_310, %parallel_loop3A_311 : i32
      %parallel_loop3A_313 = arith.constant 31 : i32
      %parallel_loop3A_314 = arith.andi %parallel_loop3A_310, %parallel_loop3A_313 : i32
      %parallel_loop3A_315 = arith.constant 16 : i32
      %parallel_loop3A_316 = arith.muli %parallel_loop3A_314, %parallel_loop3A_315 : i32
      %parallel_loop3A_317 = arith.constant 0 : i32
      %parallel_loop3A_318 = arith.index_cast %parallel_loop3A_317 : i32 to index
      %parallel_loop3A_319 = arith.index_cast %parallel_loop3A_312 : i32 to index
      %parallel_loop3A_320 = arith.index_cast %parallel_loop3A_316 : i32 to index
      %parallel_loop3A_321 = tpu.vector_load %arg6[%parallel_loop3A_318, %parallel_loop3A_319, %parallel_loop3A_320] {strides = array<i32>} : memref<8x8x512xi32, #tpu.memory_space<vmem>>, vector<16xi32>,
      %parallel_loop3A_322 = arith.constant 120 : i32
      %parallel_loop3A_323 = vector.broadcast %parallel_loop3A_322 : i32 to vector<16xi32>
      %parallel_loop3A_324 = arith.addi %parallel_loop3A_321, %parallel_loop3A_323 : vector<16xi32>
      %parallel_loop3A_325 = vector.bitcast %parallel_loop3A_324 : vector<16xi32> to vector<16xi32>
      %parallel_loop3A_326 = arith.constant 240 : i32
      %parallel_loop3A_327 = vector.broadcast %parallel_loop3A_326 : i32 to vector<16xi32>
      %parallel_loop3A_328 = arith.minui %parallel_loop3A_325, %parallel_loop3A_327 : vector<16xi32>
      %parallel_loop3A_329 = vector.bitcast %parallel_loop3A_328 : vector<16xi32> to vector<16xi32>
      %parallel_loop3A_330 = tpu.vector_load_idx %arg5[%parallel_loop3A_329] : memref<256xi32, #tpu.memory_space<vmem>>[vector<16xi32>], vector<16xi32>,
      %parallel_loop3A_331 = arith.constant 0 : i32
      %parallel_loop3A_332 = arith.index_cast %parallel_loop3A_331 : i32 to index
      %parallel_loop3A_333 = arith.index_cast %parallel_loop3A_312 : i32 to index
      %parallel_loop3A_334 = arith.index_cast %parallel_loop3A_316 : i32 to index
      %parallel_loop3A_335 = tpu.vector_load %arg7[%parallel_loop3A_332, %parallel_loop3A_333, %parallel_loop3A_334] {strides = array<i32>} : memref<8x8x512xi32, #tpu.memory_space<vmem>>, vector<16xi32>,
      tpu.vector_store %arg7[%parallel_loop3A_332, %parallel_loop3A_333, %parallel_loop3A_334], %parallel_loop3A_330 {strides = array<i32>} : memref<8x8x512xi32, #tpu.memory_space<vmem>>, vector<16xi32>,
    } {sc.loop_unroll_factor = 8 : i64, sc.parallel_access}
    %add3A_175 = arith.constant 0 : i32
    %add3A_176 = arith.addi %mul3A_2, %add3A_175 : i32
    %dma_start3A_177 = arith.constant 0 : i32
    %dma_start3A_178 = arith.constant 0 : i32
    %dma_start3A_179 = arith.constant 0 : i32
    %dma_start3A_180 = tpu.memref_slice %arg7[%dma_start3A_177, %dma_start3A_178, %dma_start3A_179] : memref<8x8x512xi32, #tpu.memory_space<vmem>> -> memref<1x8x512xi32, #tpu.memory_space<vmem>>
    %dma_start3A_181 = tpu.memref_squeeze %dma_start3A_180 : memref<1x8x512xi32, #tpu.memory_space<vmem>> -> memref<8x512xi32, #tpu.memory_space<vmem>>
    %dma_start3A_182 = arith.constant 192 : i32
    %dma_start3A_183 = tpu.memref_slice %arg4[%dma_start3A_182, %add3A_176] : memref<200x16384xi32, #tpu.memory_space<hbm>> -> memref<8x512xi32, #tpu.memory_space<hbm>>
    %dma_start3A_184 = arith.constant 192 : i32
    %dma_start3A_185 = tpu.memref_slice %arg4[%dma_start3A_184, %add3A_176] : memref<200x16384xi32, #tpu.memory_space<hbm>> -> memref<8x512xi32, #tpu.memory_space<hbm>>
    %dma_start3A_186 = arith.constant 0 : i32
    %dma_start3A_187 = arith.constant 0 : i32
    %dma_start3A_188 = tpu.memref_slice %arg7[%dma_start3A_177, %dma_start3A_186, %dma_start3A_187] : memref<8x8x512xi32, #tpu.memory_space<vmem>> -> memref<1x8x512xi32, #tpu.memory_space<vmem>>
    %dma_start3A_189 = tpu.memref_squeeze %dma_start3A_188 : memref<1x8x512xi32, #tpu.memory_space<vmem>> -> memref<8x512xi32, #tpu.memory_space<vmem>>
    tpu.enqueue_dma source(%dma_start3A_189 : memref<8x512xi32, #tpu.memory_space<vmem>>) target(%dma_start3A_185 : memref<8x512xi32, #tpu.memory_space<hbm>>) target_semaphore(%arg16 : memref<!tpu.dma_semaphore, #tpu.memory_space<semaphore_mem>>)
    %add3A_190 = arith.constant 0 : i32
    %add3A_191 = arith.addi %mul3A_2, %add3A_190 : i32
    %dma_wait3A_192 = arith.constant 1 : i32
    %dma_wait3A_193 = arith.constant 0 : i32
    %dma_wait3A_194 = arith.constant 0 : i32
    %dma_wait3A_195 = tpu.memref_slice %arg7[%dma_wait3A_192, %dma_wait3A_193, %dma_wait3A_194] : memref<8x8x512xi32, #tpu.memory_space<vmem>> -> memref<1x8x512xi32, #tpu.memory_space<vmem>>
    %dma_wait3A_196 = tpu.memref_squeeze %dma_wait3A_195 : memref<1x8x512xi32, #tpu.memory_space<vmem>> -> memref<8x512xi32, #tpu.memory_space<vmem>>
    %dma_wait3A_197 = arith.constant 136 : i32
    %dma_wait3A_198 = tpu.memref_slice %arg4[%dma_wait3A_197, %add3A_191] : memref<200x16384xi32, #tpu.memory_space<hbm>> -> memref<8x512xi32, #tpu.memory_space<hbm>>
    %dma_wait3A_199 = arith.constant 136 : i32
    %dma_wait3A_200 = tpu.memref_slice %arg4[%dma_wait3A_199, %add3A_191] : memref<200x16384xi32, #tpu.memory_space<hbm>> -> memref<8x512xi32, #tpu.memory_space<hbm>>
    %dma_wait3A_201 = arith.constant 0 : i32
    %dma_wait3A_202 = arith.constant 0 : i32
    %dma_wait3A_203 = tpu.memref_slice %arg7[%dma_wait3A_192, %dma_wait3A_201, %dma_wait3A_202] : memref<8x8x512xi32, #tpu.memory_space<vmem>> -> memref<1x8x512xi32, #tpu.memory_space<vmem>>
    %dma_wait3A_204 = tpu.memref_squeeze %dma_wait3A_203 : memref<1x8x512xi32, #tpu.memory_space<vmem>> -> memref<8x512xi32, #tpu.memory_space<vmem>>
    tpu.wait_dma2 semaphore(%arg17 : memref<!tpu.dma_semaphore, #tpu.memory_space<semaphore_mem>>) src(%dma_wait3A_204 : memref<8x512xi32, #tpu.memory_space<vmem>>) dst(%dma_wait3A_200 : memref<8x512xi32, #tpu.memory_space<hbm>>)
    %add3A_205 = arith.constant 0 : i32
    %add3A_206 = arith.addi %mul3A_2, %add3A_205 : i32
    %dma_wait3A_207 = arith.constant 2 : i32
    %dma_wait3A_208 = arith.constant 0 : i32
    %dma_wait3A_209 = arith.constant 0 : i32
    %dma_wait3A_210 = tpu.memref_slice %arg7[%dma_wait3A_207, %dma_wait3A_208, %dma_wait3A_209] : memref<8x8x512xi32, #tpu.memory_space<vmem>> -> memref<1x8x512xi32, #tpu.memory_space<vmem>>
    %dma_wait3A_211 = tpu.memref_squeeze %dma_wait3A_210 : memref<1x8x512xi32, #tpu.memory_space<vmem>> -> memref<8x512xi32, #tpu.memory_space<vmem>>
    %dma_wait3A_212 = arith.constant 144 : i32
    %dma_wait3A_213 = tpu.memref_slice %arg4[%dma_wait3A_212, %add3A_206] : memref<200x16384xi32, #tpu.memory_space<hbm>> -> memref<8x512xi32, #tpu.memory_space<hbm>>
    %dma_wait3A_214 = arith.constant 144 : i32
    %dma_wait3A_215 = tpu.memref_slice %arg4[%dma_wait3A_214, %add3A_206] : memref<200x16384xi32, #tpu.memory_space<hbm>> -> memref<8x512xi32, #tpu.memory_space<hbm>>
    %dma_wait3A_216 = arith.constant 0 : i32
    %dma_wait3A_217 = arith.constant 0 : i32
    %dma_wait3A_218 = tpu.memref_slice %arg7[%dma_wait3A_207, %dma_wait3A_216, %dma_wait3A_217] : memref<8x8x512xi32, #tpu.memory_space<vmem>> -> memref<1x8x512xi32, #tpu.memory_space<vmem>>
    %dma_wait3A_219 = tpu.memref_squeeze %dma_wait3A_218 : memref<1x8x512xi32, #tpu.memory_space<vmem>> -> memref<8x512xi32, #tpu.memory_space<vmem>>
    tpu.wait_dma2 semaphore(%arg18 : memref<!tpu.dma_semaphore, #tpu.memory_space<semaphore_mem>>) src(%dma_wait3A_219 : memref<8x512xi32, #tpu.memory_space<vmem>>) dst(%dma_wait3A_215 : memref<8x512xi32, #tpu.memory_space<hbm>>)
    %add3A_220 = arith.constant 0 : i32
    %add3A_221 = arith.addi %mul3A_2, %add3A_220 : i32
    %dma_wait3A_222 = arith.constant 3 : i32
    %dma_wait3A_223 = arith.constant 0 : i32
    %dma_wait3A_224 = arith.constant 0 : i32
    %dma_wait3A_225 = tpu.memref_slice %arg7[%dma_wait3A_222, %dma_wait3A_223, %dma_wait3A_224] : memref<8x8x512xi32, #tpu.memory_space<vmem>> -> memref<1x8x512xi32, #tpu.memory_space<vmem>>
    %dma_wait3A_226 = tpu.memref_squeeze %dma_wait3A_225 : memref<1x8x512xi32, #tpu.memory_space<vmem>> -> memref<8x512xi32, #tpu.memory_space<vmem>>
    %dma_wait3A_227 = arith.constant 152 : i32
    %dma_wait3A_228 = tpu.memref_slice %arg4[%dma_wait3A_227, %add3A_221] : memref<200x16384xi32, #tpu.memory_space<hbm>> -> memref<8x512xi32, #tpu.memory_space<hbm>>
    %dma_wait3A_229 = arith.constant 152 : i32
    %dma_wait3A_230 = tpu.memref_slice %arg4[%dma_wait3A_229, %add3A_221] : memref<200x16384xi32, #tpu.memory_space<hbm>> -> memref<8x512xi32, #tpu.memory_space<hbm>>
    %dma_wait3A_231 = arith.constant 0 : i32
    %dma_wait3A_232 = arith.constant 0 : i32
    %dma_wait3A_233 = tpu.memref_slice %arg7[%dma_wait3A_222, %dma_wait3A_231, %dma_wait3A_232] : memref<8x8x512xi32, #tpu.memory_space<vmem>> -> memref<1x8x512xi32, #tpu.memory_space<vmem>>
    %dma_wait3A_234 = tpu.memref_squeeze %dma_wait3A_233 : memref<1x8x512xi32, #tpu.memory_space<vmem>> -> memref<8x512xi32, #tpu.memory_space<vmem>>
    tpu.wait_dma2 semaphore(%arg19 : memref<!tpu.dma_semaphore, #tpu.memory_space<semaphore_mem>>) src(%dma_wait3A_234 : memref<8x512xi32, #tpu.memory_space<vmem>>) dst(%dma_wait3A_230 : memref<8x512xi32, #tpu.memory_space<hbm>>)
    %add3A_235 = arith.constant 0 : i32
    %add3A_236 = arith.addi %mul3A_2, %add3A_235 : i32
    %dma_wait3A_237 = arith.constant 4 : i32
    %dma_wait3A_238 = arith.constant 0 : i32
    %dma_wait3A_239 = arith.constant 0 : i32
    %dma_wait3A_240 = tpu.memref_slice %arg7[%dma_wait3A_237, %dma_wait3A_238, %dma_wait3A_239] : memref<8x8x512xi32, #tpu.memory_space<vmem>> -> memref<1x8x512xi32, #tpu.memory_space<vmem>>
    %dma_wait3A_241 = tpu.memref_squeeze %dma_wait3A_240 : memref<1x8x512xi32, #tpu.memory_space<vmem>> -> memref<8x512xi32, #tpu.memory_space<vmem>>
    %dma_wait3A_242 = arith.constant 160 : i32
    %dma_wait3A_243 = tpu.memref_slice %arg4[%dma_wait3A_242, %add3A_236] : memref<200x16384xi32, #tpu.memory_space<hbm>> -> memref<8x512xi32, #tpu.memory_space<hbm>>
    %dma_wait3A_244 = arith.constant 160 : i32
    %dma_wait3A_245 = tpu.memref_slice %arg4[%dma_wait3A_244, %add3A_236] : memref<200x16384xi32, #tpu.memory_space<hbm>> -> memref<8x512xi32, #tpu.memory_space<hbm>>
    %dma_wait3A_246 = arith.constant 0 : i32
    %dma_wait3A_247 = arith.constant 0 : i32
    %dma_wait3A_248 = tpu.memref_slice %arg7[%dma_wait3A_237, %dma_wait3A_246, %dma_wait3A_247] : memref<8x8x512xi32, #tpu.memory_space<vmem>> -> memref<1x8x512xi32, #tpu.memory_space<vmem>>
    %dma_wait3A_249 = tpu.memref_squeeze %dma_wait3A_248 : memref<1x8x512xi32, #tpu.memory_space<vmem>> -> memref<8x512xi32, #tpu.memory_space<vmem>>
    tpu.wait_dma2 semaphore(%arg20 : memref<!tpu.dma_semaphore, #tpu.memory_space<semaphore_mem>>) src(%dma_wait3A_249 : memref<8x512xi32, #tpu.memory_space<vmem>>) dst(%dma_wait3A_245 : memref<8x512xi32, #tpu.memory_space<hbm>>)
    %add3A_250 = arith.constant 0 : i32
    %add3A_251 = arith.addi %mul3A_2, %add3A_250 : i32
    %dma_wait3A_252 = arith.constant 5 : i32
    %dma_wait3A_253 = arith.constant 0 : i32
    %dma_wait3A_254 = arith.constant 0 : i32
    %dma_wait3A_255 = tpu.memref_slice %arg7[%dma_wait3A_252, %dma_wait3A_253, %dma_wait3A_254] : memref<8x8x512xi32, #tpu.memory_space<vmem>> -> memref<1x8x512xi32, #tpu.memory_space<vmem>>
    %dma_wait3A_256 = tpu.memref_squeeze %dma_wait3A_255 : memref<1x8x512xi32, #tpu.memory_space<vmem>> -> memref<8x512xi32, #tpu.memory_space<vmem>>
    %dma_wait3A_257 = arith.constant 168 : i32
    %dma_wait3A_258 = tpu.memref_slice %arg4[%dma_wait3A_257, %add3A_251] : memref<200x16384xi32, #tpu.memory_space<hbm>> -> memref<8x512xi32, #tpu.memory_space<hbm>>
    %dma_wait3A_259 = arith.constant 168 : i32
    %dma_wait3A_260 = tpu.memref_slice %arg4[%dma_wait3A_259, %add3A_251] : memref<200x16384xi32, #tpu.memory_space<hbm>> -> memref<8x512xi32, #tpu.memory_space<hbm>>
    %dma_wait3A_261 = arith.constant 0 : i32
    %dma_wait3A_262 = arith.constant 0 : i32
    %dma_wait3A_263 = tpu.memref_slice %arg7[%dma_wait3A_252, %dma_wait3A_261, %dma_wait3A_262] : memref<8x8x512xi32, #tpu.memory_space<vmem>> -> memref<1x8x512xi32, #tpu.memory_space<vmem>>
    %dma_wait3A_264 = tpu.memref_squeeze %dma_wait3A_263 : memref<1x8x512xi32, #tpu.memory_space<vmem>> -> memref<8x512xi32, #tpu.memory_space<vmem>>
    tpu.wait_dma2 semaphore(%arg21 : memref<!tpu.dma_semaphore, #tpu.memory_space<semaphore_mem>>) src(%dma_wait3A_264 : memref<8x512xi32, #tpu.memory_space<vmem>>) dst(%dma_wait3A_260 : memref<8x512xi32, #tpu.memory_space<hbm>>)
    %add3A_265 = arith.constant 0 : i32
    %add3A_266 = arith.addi %mul3A_2, %add3A_265 : i32
    %dma_wait3A_267 = arith.constant 6 : i32
    %dma_wait3A_268 = arith.constant 0 : i32
    %dma_wait3A_269 = arith.constant 0 : i32
    %dma_wait3A_270 = tpu.memref_slice %arg7[%dma_wait3A_267, %dma_wait3A_268, %dma_wait3A_269] : memref<8x8x512xi32, #tpu.memory_space<vmem>> -> memref<1x8x512xi32, #tpu.memory_space<vmem>>
    %dma_wait3A_271 = tpu.memref_squeeze %dma_wait3A_270 : memref<1x8x512xi32, #tpu.memory_space<vmem>> -> memref<8x512xi32, #tpu.memory_space<vmem>>
    %dma_wait3A_272 = arith.constant 176 : i32
    %dma_wait3A_273 = tpu.memref_slice %arg4[%dma_wait3A_272, %add3A_266] : memref<200x16384xi32, #tpu.memory_space<hbm>> -> memref<8x512xi32, #tpu.memory_space<hbm>>
    %dma_wait3A_274 = arith.constant 176 : i32
    %dma_wait3A_275 = tpu.memref_slice %arg4[%dma_wait3A_274, %add3A_266] : memref<200x16384xi32, #tpu.memory_space<hbm>> -> memref<8x512xi32, #tpu.memory_space<hbm>>
    %dma_wait3A_276 = arith.constant 0 : i32
    %dma_wait3A_277 = arith.constant 0 : i32
    %dma_wait3A_278 = tpu.memref_slice %arg7[%dma_wait3A_267, %dma_wait3A_276, %dma_wait3A_277] : memref<8x8x512xi32, #tpu.memory_space<vmem>> -> memref<1x8x512xi32, #tpu.memory_space<vmem>>
    %dma_wait3A_279 = tpu.memref_squeeze %dma_wait3A_278 : memref<1x8x512xi32, #tpu.memory_space<vmem>> -> memref<8x512xi32, #tpu.memory_space<vmem>>
    tpu.wait_dma2 semaphore(%arg22 : memref<!tpu.dma_semaphore, #tpu.memory_space<semaphore_mem>>) src(%dma_wait3A_279 : memref<8x512xi32, #tpu.memory_space<vmem>>) dst(%dma_wait3A_275 : memref<8x512xi32, #tpu.memory_space<hbm>>)
    %add3A_280 = arith.constant 0 : i32
    %add3A_281 = arith.addi %mul3A_2, %add3A_280 : i32
    %dma_wait3A_282 = arith.constant 7 : i32
    %dma_wait3A_283 = arith.constant 0 : i32
    %dma_wait3A_284 = arith.constant 0 : i32
    %dma_wait3A_285 = tpu.memref_slice %arg7[%dma_wait3A_282, %dma_wait3A_283, %dma_wait3A_284] : memref<8x8x512xi32, #tpu.memory_space<vmem>> -> memref<1x8x512xi32, #tpu.memory_space<vmem>>
    %dma_wait3A_286 = tpu.memref_squeeze %dma_wait3A_285 : memref<1x8x512xi32, #tpu.memory_space<vmem>> -> memref<8x512xi32, #tpu.memory_space<vmem>>
    %dma_wait3A_287 = arith.constant 184 : i32
    %dma_wait3A_288 = tpu.memref_slice %arg4[%dma_wait3A_287, %add3A_281] : memref<200x16384xi32, #tpu.memory_space<hbm>> -> memref<8x512xi32, #tpu.memory_space<hbm>>
    %dma_wait3A_289 = arith.constant 184 : i32
    %dma_wait3A_290 = tpu.memref_slice %arg4[%dma_wait3A_289, %add3A_281] : memref<200x16384xi32, #tpu.memory_space<hbm>> -> memref<8x512xi32, #tpu.memory_space<hbm>>
    %dma_wait3A_291 = arith.constant 0 : i32
    %dma_wait3A_292 = arith.constant 0 : i32
    %dma_wait3A_293 = tpu.memref_slice %arg7[%dma_wait3A_282, %dma_wait3A_291, %dma_wait3A_292] : memref<8x8x512xi32, #tpu.memory_space<vmem>> -> memref<1x8x512xi32, #tpu.memory_space<vmem>>
    %dma_wait3A_294 = tpu.memref_squeeze %dma_wait3A_293 : memref<1x8x512xi32, #tpu.memory_space<vmem>> -> memref<8x512xi32, #tpu.memory_space<vmem>>
    tpu.wait_dma2 semaphore(%arg23 : memref<!tpu.dma_semaphore, #tpu.memory_space<semaphore_mem>>) src(%dma_wait3A_294 : memref<8x512xi32, #tpu.memory_space<vmem>>) dst(%dma_wait3A_290 : memref<8x512xi32, #tpu.memory_space<hbm>>)
    %add3A_295 = arith.constant 0 : i32
    %add3A_296 = arith.addi %mul3A_2, %add3A_295 : i32
    %dma_wait3A_297 = arith.constant 0 : i32
    %dma_wait3A_298 = arith.constant 0 : i32
    %dma_wait3A_299 = arith.constant 0 : i32
    %dma_wait3A_300 = tpu.memref_slice %arg7[%dma_wait3A_297, %dma_wait3A_298, %dma_wait3A_299] : memref<8x8x512xi32, #tpu.memory_space<vmem>> -> memref<1x8x512xi32, #tpu.memory_space<vmem>>
    %dma_wait3A_301 = tpu.memref_squeeze %dma_wait3A_300 : memref<1x8x512xi32, #tpu.memory_space<vmem>> -> memref<8x512xi32, #tpu.memory_space<vmem>>
    %dma_wait3A_302 = arith.constant 192 : i32
    %dma_wait3A_303 = tpu.memref_slice %arg4[%dma_wait3A_302, %add3A_296] : memref<200x16384xi32, #tpu.memory_space<hbm>> -> memref<8x512xi32, #tpu.memory_space<hbm>>
    %dma_wait3A_304 = arith.constant 192 : i32
    %dma_wait3A_305 = tpu.memref_slice %arg4[%dma_wait3A_304, %add3A_296] : memref<200x16384xi32, #tpu.memory_space<hbm>> -> memref<8x512xi32, #tpu.memory_space<hbm>>
    %dma_wait3A_306 = arith.constant 0 : i32
    %dma_wait3A_307 = arith.constant 0 : i32
    %dma_wait3A_308 = tpu.memref_slice %arg7[%dma_wait3A_297, %dma_wait3A_306, %dma_wait3A_307] : memref<8x8x512xi32, #tpu.memory_space<vmem>> -> memref<1x8x512xi32, #tpu.memory_space<vmem>>
    %dma_wait3A_309 = tpu.memref_squeeze %dma_wait3A_308 : memref<1x8x512xi32, #tpu.memory_space<vmem>> -> memref<8x512xi32, #tpu.memory_space<vmem>>
    tpu.wait_dma2 semaphore(%arg16 : memref<!tpu.dma_semaphore, #tpu.memory_space<semaphore_mem>>) src(%dma_wait3A_309 : memref<8x512xi32, #tpu.memory_space<vmem>>) dst(%dma_wait3A_305 : memref<8x512xi32, #tpu.memory_space<hbm>>)
    return
  }
}

</mosaic_0001>

<sc_bundles>
// kernel: kernel.3.cloned.1.call-start
scs
__scs_entry_jumppad:
0x0: {  	(pc) =	sbr.rel $0x88, $3  }
0x1: {  	(tag) =	ssettag $0x0;
	lr =	simm.s32 $0x1  }
0x2: {  	[smem:$0x3F9F] =	sst lr;
	_ =	strace $0xD0000000  }
0x3: {  	_ = 	snop  }
0x4: {  	_ = 	snop  }
0x5: {  	_ = 	snop  }
0x6: {  	_ = 	snop  }
0x7: {  	_ = 	snop  }
__scs_overlays_trampoline_lowered:
0x8: {  	[smem:$0x3FAE] =	sst s0  }
0x9: {  	[smem:$0x3FAF] =	sst s1  }
0xa: {  	[smem:$0x3FB0] =	sst s2  }
0xb: {  	[smem:$0x3FB1] =	sst s3  }
0xc: {  	[smem:$0x3FB2] =	sst s4  }
0xd: {  	[smem:$0x3FB3] =	sst s5  }
0xe: {  	[smem:$0x3FB4] =	sst s6  }
0xf: {  	[smem:$0x3FB5] =	sst s7  }
0x10: {  	[smem:$0x3FB6] =	sst s8  }
0x11: {  	[smem:$0x3FB7] =	sst s9;
	s0 =	simm.s32 @!p0 $0x0  }
0x12: {  	s1 =	sld [smem:$0x3F9D];
	s0 =	simm.s32 @p0 $0x1  }
0x13: {  	[smem:$0x3FB8] =	sst s0;
	s0 =	simm.s32 @!p1 $0x0  }
0x14: {  	s2 =	sld [smem:$0x3F9C];
	s0 =	simm.s32 @p1 $0x1  }
0x15: {  	[smem:$0x3FB9] =	sst s0;
	s0 =	simm.s32 @!p2 $0x0  }
0x16: {  	s3 =	sld [smem:$0x3FDB];
	s0 =	simm.s32 @p2 $0x1  }
0x17: {  	s4 =	simm.s32 $0x1BF5;
	[smem:$0x3FBB] =	sst s0  }
0x18: {  	s0 =	sld [smem:$0x3F9E];
	_ =	swait.ge [sflag:s4], $0x0  }
0x19: {  	s7 =	sld [smem:$0x3F9F]  }
0x1a: {  	s8 =	sadd.s32 $0xFFFFE003, lr  }
0x1b: {  	s9 =	sadd.s32 $0xFFFFFEF7, lr;
	s5 =	simm.s32 $0xFFFFFFFF;
	p2 =	slt.u32 s8, $0xFFFFF086  }
0x1c: {  	p1 =	slt.u32 s9, $0xF7A;
	s5 =	simm.s32 @!p2 $0x0  }
0x1d: {  	s5 =	simm.s32 @p1 $0x1;
	p0 =	seq.s32 s7, s2  }
0x1e: {  	s7 =	smul.u32 @!p0 $0xF7A, s2;
	p2 =	seq.s32 @!p0 s5, $0x0  }
0x1f: {  	s9 =	smul.u32 $0xF7A, s1;
	s8 =	simm.s32 @!p0 $0x1BF5;
	p2 =	por !p2, p0  }
0x20: {  	[sflag:s8] =	ssyncset.s32 @!p0 $0xFFFFF086;
	s6 =	sadd.s32 @!p0 s3, s7;
	s7 =	simm.s32 @!p0 $0x108  }
0x21: {  	s3 =	sadd.s32 s3, s9;
	s6 =	sadd.s32 @!p0 $0x88, s6;
	s7 =	simm.s32 @p2 $0x1082  }
0x22: {  	[simem:s7], [sflag:s8] =	dma.local @!p0 [hbm:s6], $0xF7A  }
0x23: {  	s9 =	sor.u32 $0xD0000000, s2;
	s6 =	simm.s32 $0x108;
	_ =	swait.ge @!p0 [sflag:s8], $0x0  }
0x24: {  	s3 =	sadd.s32 $0x88, s3;
	s6 =	simm.s32 @!p1 $0x1082;
	[sflag:s4] =	ssyncset.s32 $0xFFFFF086  }
0x25: {  	[simem:s6], [sflag:s4] =	dma.local [hbm:s3], $0xF7A  }
0x26: {  	[smem:$0x3F9F] =	sst s1;
	(tag) =	ssettag s2;
	_ =	strace s9  }
0x27: {  	s1 =	sld [smem:$0x3FAF]  }
0x28: {  	s2 =	sld [smem:$0x3FB0]  }
0x29: {  	s4 =	sld [smem:$0x3FB2]  }
0x2a: {  	p0 =	seq.s32 s5, $0x0;
	s5 =	sld [smem:$0x3FB3]  }
0x2b: {  	s6 =	sld [smem:$0x3FB4]  }
0x2c: {  	s7 =	sld [smem:$0x3FB5]  }
0x2d: {  	s3 =	simm.s32 $0x108;
	s8 =	sld [smem:$0x3FB6]  }
0x2e: {  	s3 =	simm.s32 @!p0 $0x1082;
	s9 =	sld [smem:$0x3FB7]  }
0x2f: {  	lr =	sadd.s32 s0, s3;
	s0 =	sld [smem:$0x3FAE]  }
0x30: {  	s3 =	sld [smem:$0x3FB1]  }
0x31: {  	[smem:$0x3FBA] =	sst s10  }
0x32: {  	s10 =	sld [smem:$0x3FB8];
	_ =	sdelay $0x3  }
0x33: {  	p0 =	seq.s32 s10, $0x1;
	s10 =	sld [smem:$0x3FBA];
	_ =	sdelay $0x3  }
0x34: {  	[smem:$0x3FBA] =	sst s10  }
0x35: {  	s10 =	sld [smem:$0x3FB9];
	_ =	sdelay $0x3  }
0x36: {  	p1 =	seq.s32 s10, $0x1;
	s10 =	sld [smem:$0x3FBA];
	_ =	sdelay $0x3  }
0x37: {  	[smem:$0x3FBA] =	sst s10  }
0x38: {  	s10 =	sld [smem:$0x3FBB]  }
0x39: {  	_ = 	snop;
	(pc) =	sbr.ind lr, $3  }
0x3a: {  	_ = 	snop  }
0x3b: {  	_ = 	snop  }
0x3c: {  	p2 =	seq.s32 s10, $0x1;
	s10 =	sld [smem:$0x3FBA]  }
0x3d: {  	_ =	shalt  }
0x3e: {  	_ =	shalt  }
0x3f: {  	_ =	shalt  }
0x40: {  	_ =	shalt  }
0x41: {  	_ =	shalt  }
0x42: {  	_ =	shalt  }
0x43: {  	_ =	shalt  }
0x44: {  	_ =	shalt  }
0x45: {  	_ =	shalt  }
0x46: {  	_ =	shalt  }
0x47: {  	_ =	shalt  }
0x48: {  	_ =	shalt  }
0x49: {  	_ =	shalt  }
0x4a: {  	_ =	shalt  }
0x4b: {  	_ =	shalt  }
0x4c: {  	_ =	shalt  }
0x4d: {  	_ =	shalt  }
0x4e: {  	_ =	shalt  }
0x4f: {  	_ =	shalt  }
0x50: {  	_ =	shalt  }
0x51: {  	_ =	shalt  }
0x52: {  	_ =	shalt  }
0x53: {  	_ =	shalt  }
0x54: {  	_ =	shalt  }
0x55: {  	_ =	shalt  }
0x56: {  	_ =	shalt  }
0x57: {  	_ =	shalt  }
0x58: {  	_ =	shalt  }
0x59: {  	_ =	shalt  }
0x5a: {  	_ =	shalt  }
0x5b: {  	_ =	shalt  }
0x5c: {  	_ =	shalt  }
0x5d: {  	_ =	shalt  }
0x5e: {  	_ =	shalt  }
0x5f: {  	_ =	shalt  }
0x60: {  	_ =	shalt  }
0x61: {  	_ =	shalt  }
0x62: {  	_ =	shalt  }
0x63: {  	_ =	shalt  }
0x64: {  	_ =	shalt  }
0x65: {  	_ =	shalt  }
0x66: {  	_ =	shalt  }
0x67: {  	_ =	shalt  }
0x68: {  	_ =	shalt  }
0x69: {  	_ =	shalt  }
0x6a: {  	_ =	shalt  }
0x6b: {  	_ =	shalt  }
0x6c: {  	_ =	shalt  }
0x6d: {  	_ =	shalt  }
0x6e: {  	_ =	shalt  }
0x6f: {  	_ =	shalt  }
0x70: {  	_ =	shalt  }
0x71: {  	_ =	shalt  }
0x72: {  	_ =	shalt  }
0x73: {  	_ =	shalt  }
0x74: {  	_ =	shalt  }
0x75: {  	_ =	shalt  }
0x76: {  	_ =	shalt  }
0x77: {  	_ =	shalt  }
0x78: {  	_ =	shalt  }
0x79: {  	_ =	shalt  }
0x7a: {  	_ =	shalt  }
0x7b: {  	_ =	shalt  }
0x7c: {  	_ =	shalt  }
0x7d: {  	_ =	shalt  }
0x7e: {  	_ =	shalt  }
0x7f: {  	_ =	shalt  }
0x80: {  	_ =	shalt  }
0x81: {  	_ =	shalt  }
0x82: {  	_ =	shalt  }
0x83: {  	_ =	shalt  }
0x84: {  	_ =	shalt  }
0x85: {  	_ =	shalt  }
0x86: {  	_ =	shalt  }
0x87: {  	_ =	shalt  }
.Lfunc_end0:
.L_simem_size_0:
called_computation_lowered:
.L_overlay_start_0:
0x88: {  	s2 =	sld [smem:$0x3FD9]  }
0x89: {  	s3 =	sld [smem:$0x3FFE];
	_ =	sdelay $0x1  }
0x8a: {  	s1 =	srdreg.scid  }
0x8b: {  	s0 =	sand.u32 $0x1, s1  }
0x8c: {  	s18 =	sshll.u32 s0, $0xA;
	s2 =	sadd.s32 s3, s2  }
0x8d: {  	s2 =	sadd.s32 s2, s18  }
0x8e: {  	[smem:$0x3FC6] =	sst s2  }
0x8f: {  	_ = 	snop  }
0x90: {  	s2 =	sld [smem:$0x3FC9]  }
0x91: {  	s19 =	sld [smem:$0x3FC8]  }
0x92: {  	s4 =	sld [smem:$0x3FD0];
	(tm) =	ssettm $0x1  }
0x93: {  	s5 =	sld [smem:$0x3FFB];
	_ =	sdelay $0x3  }
0x94: {  	_ =	strace s5  }
0x95: {  	s5 =	sld [smem:$0x3FFC];
	_ =	sdelay $0x3  }
0x96: {  	_ =	strace s5  }
0x97: {  	s5 =	sld [smem:$0x3FFD];
	_ =	sdelay $0x3  }
0x98: {  	_ =	strace s5  }
0x99: {  	_ =	strace $0x8FFFFFFF  }
0x9a: {  	s20 =	sld [smem:$0x3FDB];
	_ =	sdelay $0x1  }
0x9b: {  	s6 =	simm.s32 $_scs_section_size  }
0x9c: {  	s7 =	simm.s32 $_size__tile_overlayer_lowered;
	s8 =	simm.s32 $_tile_overlayer_lowered  }
0x9d: {  	s23 =	simm.s32 $0x1BFF;
	s22 =	sshll.u32 s8, $0x1;
	s5 =	sadd.s32 s6, s20  }
0x9e: {  	s9 =	simm.s32 $0x0;
	s21 =	sshll.u32 s7, $0x1;
	s7 =	sadd.s32 s22, s5  }
0x9f: {  	[timem:s9], [sflag:s23] =	dma.local [hbm:s7], s21  }
0xa0: {  	_ =	swait.ge [sflag:s23], s21  }
0xa1: {  	s6 =	ssub.s32 $0x0, s21;
	[sflag:s23] =	ssyncset.done $0x0  }
0xa2: {  	[sflag:s23] =	ssyncadd.s32 s6;
	_ =	sdelay $0x1  }
0xa3: {  	s24 =	simm.s32 $0x1B8B  }
0xa4: {  	_ =	swait.ge [sflag:s24], $0x1  }
0xa5: {  	[sflag:s24] =	ssyncset.done $0x0  }
0xa6: {  	s25 =	simm.s32 $0x1B8E;
	[sflag:s24] =	ssyncadd.s32 $0xFFFFFFFF  }
0xa7: {  	s26 =	simm.s32 $execute0_lowered;
	[smem:$0x3FD2] =	sst s25  }
0xa8: {  	s6 =	sshll.u32 s26, $0x1;
	_ =	strace $0x80000046;
	[dreg:$0x1] =	wrdreg $0xFFFFFFFF  }
0xa9: {  	s28 =	simm.s32 $_size_execute0_lowered;
	s5 =	sadd.s32 s5, s6;
	[dreg:$0x0] =	wrdreg $0x0  }
0xaa: {  	s6 =	sshll.u32 s28, $0x1;
	[dreg:$0x2] =	wrdreg s5  }
0xab: {  	[dreg:$0x3] =	wrdreg s6  }
0xac: {  	[dreg:$0x4] =	wrdreg $0xC0  }
0xad: {  	_ =	task [dreg:s9], $0x5FFFF  }
0xae: {  	[dreg:$0x1] =	wrdreg $0xFFFFFFFF  }
0xaf: {  	[dreg:$0x0] =	wrdreg $0x60  }
0xb0: {  	[dreg:$0x2] =	wrdreg s2  }
0xb1: {  	[dreg:$0x3] =	wrdreg s19  }
0xb2: {  	[dreg:$0x4] =	wrdreg s4  }
0xb3: {  	[dreg:$0x5] =	wrdreg $0x9  }
0xb4: {  	_ =	task.clear_ibuf [dreg:s9], $0x6FFFF;
	_ =	strace $0x90000046  }
0xb5: {  	s29 =	simm.s32 $0x9;
	_ =	strace $0x80000048  }
0xb6: {  	_ =	swait.ge [sflag:s29], $0x1  }
0xb7: {  	[sflag:s29] =	ssyncadd.s32 $0xFFFFFFFF  }
0xb8: {  	_ =	strace $0x90000048  }
0xb9: {  	_ =	sfence  }
0xba: {  	s30 =	sld [smem:$0x0];
	_ =	sdelay $0x2  }
0xbb: {  	s31 =	sshll.u32 s1, $0xD;
	s1 =	sshrl.u32 s1, $0x2  }
0xbc: {  	s3 =	sand.u32 $0x4000, s31;
	s1 =	sadd.s32 s1, s30  }
0xbd: {  	s0 =	sor.u32 s3, s0;
	s1 =	sshll.u32 s1, $0x11  }
0xbe: {  	s0 =	sor.u32 s1, s0  }
0xbf: {  	s0 =	sadd.s32 $0x8F2B, s0  }
0xc0: {  	[sflag:s0] =	ssyncadd.remote.s32 $0x1  }
0xc1: {  	_ =	sfence.sel $0xFFFF  }
0xc2: {  	[dreg:$0x0] =	wrdreg $0xFFFFFFFF;
	(pc) =	sbr.abs _section_cstart, $3  }
0xc3: {  	[dreg:$0x1] =	wrdreg $0xFFFFFFFF  }
0xc4: {  	_ =	task.clear_ibuf [dreg:s9], $0x2FFFF;
	_ =	strace $0x9FFFFFFF  }
0xc5: {  	(tm) =	ssettm $0x7FFFFFFF  }
tec
execute0_lowered:
.L_overlay_start_1:
0x0: {  	(tag) =	ssettag $0x1  }
0x1: {  	s1 =	rddreg [dreg:$0x0]  }
0x2: {  	s4 =	rddreg [dreg:$0x2];
	s6 =	simm.s32 $0x0  }
0x3: {  	s0 =	srdreg.scid;
	[smem:$0x7FF] =	sst s6;
	s24 =	sadd.s32 $0x4000, s4  }
0x4: {  	s25 =	sadd.s32 $0x8000, s4;
	_ =	strace $0x80000047;
	[dreg:$0x18] =	wrdreg s24  }
0x5: {  	s2 =	stileid.u32;
	s26 =	sadd.s32 $0xC000, s4;
	[dreg:$0x19] =	wrdreg s25  }
0x6: {  	s0 =	sand.u32 $0x1, s0;
	s28 =	sadd.s32 $0x10000, s4;
	[dreg:$0x1a] =	wrdreg s26  }
0x7: {  	s2 =	sshll.u32 s2, $0xD;
	s29 =	sadd.s32 $0x14000, s4;
	[dreg:$0x1b] =	wrdreg s28  }
0x8: {  	s30 =	sadd.s32 $0x18000, s4;
	s3 =	sshll.u32 s0, $0xC;
	[dreg:$0x1c] =	wrdreg s29  }
0x9: {  	[dreg:$0x1d] =	wrdreg s30;
	s5 =	sor.u32 s3, s2  }
0xa: {  	s15 =	sor.u32 $0x100000, s5;
	[dreg:$0x4] =	wrdreg s5  }
0xb: {  	s16 =	sor.u32 $0x120000, s5;
	[dreg:$0xd] =	wrdreg s15  }
0xc: {  	s17 =	sor.u32 $0x140000, s5;
	[dreg:$0xe] =	wrdreg s16  }
0xd: {  	s18 =	sor.u32 $0x160000, s5;
	[dreg:$0xf] =	wrdreg s17  }
0xe: {  	s19 =	sor.u32 $0x180000, s5;
	[dreg:$0x10] =	wrdreg s18  }
0xf: {  	s0 =	ssub.s32 $0x2, s0;
	s20 =	sor.u32 $0x1A0000, s5;
	[dreg:$0x11] =	wrdreg s19  }
0x10: {  	s31 =	sshrl.u32 s0, $0x1;
	s21 =	sor.u32 $0x1C0000, s5;
	[dreg:$0x12] =	wrdreg s20  }
0x11: {  	s2 =	sshrl.u32 s5, $0x3;
	s22 =	sor.u32 $0x1E0000, s5;
	[dreg:$0x13] =	wrdreg s21  }
0x12: {  	s0 =	ssub.s32 s0, s31;
	s31 =	sadd.s32 $0x1C000, s4;
	[dreg:$0x14] =	wrdreg s22  }
0x13: {  	s7 =	sadd.s32 s1, s2;
	[dreg:$0x1e] =	wrdreg s31  }
0x14: {  	s0 =	smax.u32 s0, $0x1;
	[dreg:$0x5] =	wrdreg s7  }
0x15: {  	s8 =	sadd.s32 $0x4000, s7;
	[dreg:$0x17] =	wrdreg s0  }
0x16: {  	s9 =	sadd.s32 $0x8000, s7;
	[dreg:$0x6] =	wrdreg s8  }
0x17: {  	s10 =	sadd.s32 $0xC000, s7;
	[dreg:$0x7] =	wrdreg s9  }
0x18: {  	s11 =	sadd.s32 $0x10000, s7;
	[dreg:$0x8] =	wrdreg s10  }
0x19: {  	s24 =	simm.s32 $0x1;
	s12 =	sadd.s32 $0x14000, s7;
	[dreg:$0x9] =	wrdreg s11  }
0x1a: {  	s2 =	sor.u32 $0x60000, s2;
	s13 =	sadd.s32 $0x18000, s7;
	[dreg:$0xa] =	wrdreg s12  }
0x1b: {  	s17 =	simm.s32 $0x6;
	s14 =	sadd.s32 $0x1C000, s7;
	[dreg:$0xb] =	wrdreg s13  }
0x1c: {  	s20 =	simm.s32 $0x7;
	s23 =	sadd.s32 s1, s2;
	[dreg:$0xc] =	wrdreg s14  }
0x1d: {  	s2 =	sadd.s32 s4, s2;
	s4 =	simm.s32 $0x5;
	[dreg:$0x15] =	wrdreg s23  }
0x1e: {  	v0 =	vimm.s32 $0x80000000;
	[dreg:$0x16] =	wrdreg s2;
	s8 =	simm.s32 $0x8;
	s2 =	simm.s32 $0x0  }
.LBB2_1:
0x1f: {  	[dreg:$0x1f] =	wrdreg s2  }
0x20: {  	s0 =	rddreg [dreg:$0x5];
	s11 =	simm.s32 $0x100  }
0x21: {  	[tilespmem:s11], [sflag:$0x1] =	stream.linear.gather [hbm4b:s0+s6], $0x1000, $0x38;
	[tilespmem:$0x10100] =	vst v63  }
0x22: {  	s12 =	rddreg [dreg:$0x6];
	s13 =	simm.s32 $0x1100  }
0x23: {  	[tilespmem:s13], [sflag:$0x2] =	stream.linear.gather [hbm4b:s12+s6], $0x1000, $0x38;
	[tilespmem:$0x10100] =	vst v63  }
0x24: {  	s14 =	rddreg [dreg:$0x7];
	s15 =	simm.s32 $0x2100  }
0x25: {  	[tilespmem:s15], [sflag:$0x3] =	stream.linear.gather [hbm4b:s14+s6], $0x1000, $0x38;
	[tilespmem:$0x10100] =	vst v63  }
0x26: {  	s16 =	rddreg [dreg:$0x8];
	s18 =	simm.s32 $0x3100  }
0x27: {  	[tilespmem:s18], [sflag:$0x4] =	stream.linear.gather [hbm4b:s16+s6], $0x1000, $0x38;
	[tilespmem:$0x10100] =	vst v63  }
0x28: {  	s19 =	rddreg [dreg:$0x9];
	s21 =	simm.s32 $0x4100  }
0x29: {  	[tilespmem:s21], [sflag:$0x5] =	stream.linear.gather [hbm4b:s19+s6], $0x1000, $0x38;
	[tilespmem:$0x10100] =	vst v63  }
0x2a: {  	s22 =	rddreg [dreg:$0xa];
	s23 =	simm.s32 $0x5100  }
0x2b: {  	[tilespmem:s23], [sflag:$0x6] =	stream.linear.gather [hbm4b:s22+s6], $0x1000, $0x38;
	[tilespmem:$0x10100] =	vst v63  }
0x2c: {  	s25 =	rddreg [dreg:$0xb];
	s26 =	simm.s32 $0x6100  }
0x2d: {  	[tilespmem:s26], [sflag:$0x7] =	stream.linear.gather [hbm4b:s25+s6], $0x1000, $0x38;
	[tilespmem:$0x10100] =	vst v63  }
0x2e: {  	s28 =	rddreg [dreg:$0xc];
	s29 =	simm.s32 $0x7100  }
0x2f: {  	[tilespmem:s29], [sflag:$0x8] =	stream.linear.gather [hbm4b:s28+s6], $0x1000, $0x38;
	[tilespmem:$0x10100] =	vst v63  }
0x30: {  	s30 =	rddreg [dreg:$0x1];
	s31 =	simm.s32 $0x11  }
0x31: {  	[tilespmem:s6], [sflag:$0x11] =	stream.linear.gather [hbm4b:s30+s6], $0x78, $0x38;
	[tilespmem:$0x10100] =	vst v63  }
0x32: {  	_ =	swait.ge [sflag:s31], $0x78  }
0x33: {  	[sflag:s31] =	ssyncset.done $0x0  }
0x34: {  	s3 =	simm.s32 $0x78;
	[sflag:s31] =	ssyncadd.s32 $0xFFFFFF88  }
0x35: {  	[tilespmem:s3], [sflag:$0x11] =	stream.linear.gather [hbm4b:s30+s6], $0x78, $0x38;
	[tilespmem:$0x10100] =	vst v63  }
0x36: {  	_ =	swait.ge [sflag:s31], $0x78  }
0x37: {  	[sflag:s31] =	ssyncset.done $0x0  }
0x38: {  	[sflag:s31] =	ssyncadd.s32 $0xFFFFFF88  }
0x39: {  	s16 =	simm.s32 $0x0;
	[tilespmem:$0xF0] =	vst v0  }
.LBB2_2:
0x3a: {  	_ =	swait.ge [sflag:s24], $0x1000  }
0x3b: {  	p0 =	seq.s32 s16, $0x0;
	s0 =	simm.s32 $0x0;
	[sflag:s24] =	ssyncset.done $0x0  }
0x3c: {  	s2 =	simm.s32 @!p0 $0x9;
	s3 =	sand.u32 $0x3, s0;
	[sflag:s24] =	ssyncadd.s32 $0xFFFFF000  }
0x3d: {  	s3 =	sshll.u32 s3, $0xA;
	_ =	swait.ge @!p0 [sflag:s2], $0x1000  }
0x3e: {  	s5 =	sand.u32 $0xC00, s0;
	s3 =	sadd.s32 $0x0, s3;
	[sflag:s2] =	ssyncset.done @!p0 $0x0  }
0x3f: {  	s0 =	sand.u32 $0x380, s0;
	s29 =	sor.u32 $0x70, s3;
	[sflag:s2] =	ssyncadd.s32 @!p0 $0xFFFFF000  }
0x40: {  	s14 =	sor.u32 s0, s5;
	v1 =	vld [tilespmem:s29+$0x100]  }
0x41: {  	s10 =	sor.u32 $0x60, s3;
	v5 =	vld [tilespmem:s14+$0x120]  }
0x42: {  	v2 =	vld [tilespmem:s10+$0x100]  }
0x43: {  	s30 =	simm.s32 $0x1;
	v3 =	vld [tilespmem:s14+$0x100]  }
0x44: {  	s0 =	sand.u32 $0x3, s30;
	v4 =	vld [tilespmem:s14+$0x110]  }
0x45: {  	s0 =	sshll.u32 s0, $0xA;
	v6 =	vld [tilespmem:s14+$0x130]  }
0x46: {  	s25 =	simm.s32 $0x400;
	s26 =	simm.s32 $0x20;
	s0 =	sadd.s32 $0x20, s0;
	v7 =	vld [tilespmem:s14+$0x140];
	v5 =	vadd.s32 $0x78, v5  }
0x47: {  	s31 =	sand.u32 $0xC00, s25;
	s13 =	sand.u32 $0x380, s26;
	s22 =	sor.u32 $0x60, s0;
	v8 =	vld [tilespmem:s14+$0x150];
	v5 =	vmin.u32 v5, $0xF0  }
0x48: {  	s3 =	sor.u32 s13, s31;
	v10 =	vld [tilespmem:s22+$0x100];
	v1 =	vadd.s32 $0x78, v1  }
0x49: {  	v11 =	vld [tilespmem:s3+$0x100];
	v2 =	vadd.s32 $0x78, v2;
	v1 =	vmin.u32 v1, $0xF0  }
0x4a: {  	v12 =	vld [tilespmem:s3+$0x110];
	v3 =	vadd.s32 $0x78, v3;
	v2 =	vmin.u32 v2, $0xF0  }
0x4b: {  	v13 =	vld [tilespmem:s3+$0x120];
	v4 =	vadd.s32 $0x78, v4;
	v3 =	vmin.u32 v3, $0xF0  }
0x4c: {  	s5 =	sor.u32 $0x70, s0;
	v4 =	vmin.u32 v4, $0xF0;
	v9 =	vld.idx.msk [tilespmem:v5+s6+$0x0], $0xffff  }
0x4d: {  	v5 =	vld [tilespmem:s5+$0x100]  }
0x4e: {  	v1 =	vld.idx.msk [tilespmem:v1+s6+$0x0], $0xffff  }
0x4f: {  	v6 =	vadd.s32 $0x78, v6;
	v2 =	vld.idx.msk [tilespmem:v2+s6+$0x0], $0xffff  }
0x50: {  	v7 =	vadd.s32 $0x78, v7;
	v6 =	vmin.u32 v6, $0xF0;
	v3 =	vld.idx.msk [tilespmem:v3+s6+$0x0], $0xffff  }
0x51: {  	v8 =	vadd.s32 $0x78, v8;
	v7 =	vmin.u32 v7, $0xF0;
	v4 =	vld.idx.msk [tilespmem:v4+s6+$0x0], $0xffff  }
0x52: {  	v15 =	vld [tilespmem:s3+$0x130];
	v14 =	vmin.u32 v8, $0xF0;
	v5 =	vadd.s32 $0x78, v5  }
0x53: {  	v16 =	vld [tilespmem:s3+$0x140];
	[tilespmem:s29+$0x8100] =	vst v1;
	v1 =	vadd.s32 $0x78, v10;
	v17 =	vmin.u32 v5, $0xF0  }
0x54: {  	v8 =	vadd.s32 $0x78, v11;
	[tilespmem:s10+$0x8100] =	vst v2;
	v5 =	vld [tilespmem:s3+$0x150];
	v10 =	vmin.u32 v1, $0xF0  }
0x55: {  	v8 =	vmin.u32 v8, $0xF0;
	v2 =	vld.idx.msk [tilespmem:v6+s6+$0x0], $0xffff;
	[tilespmem:s14+$0x8100] =	vst v3;
	v1 =	vadd.s32 $0x78, v12  }
0x56: {  	v3 =	vld.idx.msk [tilespmem:v7+s6+$0x0], $0xffff;
	[tilespmem:s14+$0x8110] =	vst v4;
	v6 =	vmin.u32 v1, $0xF0;
	v1 =	vadd.s32 $0x78, v13  }
0x57: {  	v7 =	vadd.s32 $0x78, v15;
	v4 =	vld.idx.msk [tilespmem:v14+s6+$0x0], $0xffff;
	[tilespmem:s14+$0x8120] =	vst v9;
	v9 =	vmin.u32 v1, $0xF0  }
0x58: {  	s19 =	sshll.u32 s16, $0x14;
	s0 =	simm.s32 $0x8;
	s2 =	simm.s32 $0x2;
	v11 =	vadd.s32 $0x78, v16;
	v1 =	vmin.u32 v7, $0xF0;
	v7 =	vld.idx.msk [tilespmem:v17+s6+$0x0], $0xffff  }
.LBB2_3:
0x59: {  	s10 =	sand.u32 $0x3, s2;
	s0 =	sadd.s32 $0x8, s0;
	v11 =	vmin.u32 v11, $0xF0;
	v5 =	vadd.s32 $0x78, v5;
	v10 =	vld.idx.msk [tilespmem:v10+s6+$0x0], $0xffff;
	s25 =	sadd.s32 $0x400, s25  }
0x5a: {  	s26 =	sadd.s32 $0x20, s26;
	s10 =	sshll.u32 s10, $0xA;
	p1 =	slt.u32 s0, $0xF8;
	v8 =	vld.idx.msk [tilespmem:v8+s6+$0x0], $0xffff;
	v12 =	vmin.u32 v5, $0xF0  }
0x5b: {  	s13 =	sand.u32 $0xC00, s25;
	s23 =	sand.u32 $0x380, s26;
	s10 =	sadd.s32 s10, s26;
	v5 =	vld.idx.msk [tilespmem:v6+s6+$0x0], $0xffff;
	[tilespmem:s14+$0x8130] =	vst v2  }
0x5c: {  	s13 =	sor.u32 s23, s13;
	s23 =	sor.u32 $0x60, s10;
	s10 =	sor.u32 $0x70, s10;
	v2 =	vld.idx.msk [tilespmem:v9+s6+$0x0], $0xffff;
	[tilespmem:s14+$0x8140] =	vst v3  }
0x5d: {  	v3 =	vld [tilespmem:s10+$0x100];
	[tilespmem:s14+$0x8150] =	vst v4;
	s14 =	smov.u32 s3;
	s3 =	smov.u32 s13  }
0x5e: {  	v4 =	vld [tilespmem:s23+$0x100];
	[tilespmem:s5+$0x8100] =	vst v7;
	s5 =	smov.u32 s10  }
0x5f: {  	v6 =	vld [tilespmem:s3+$0x100];
	[tilespmem:s22+$0x8100] =	vst v10;
	s22 =	smov.u32 s23  }
0x60: {  	v7 =	vld [tilespmem:s3+$0x110];
	[tilespmem:s14+$0x8100] =	vst v8  }
0x61: {  	v9 =	vld [tilespmem:s3+$0x120];
	[tilespmem:s14+$0x8110] =	vst v5  }
0x62: {  	v13 =	vld [tilespmem:s3+$0x130];
	v3 =	vadd.s32 $0x78, v3;
	[tilespmem:s14+$0x8120] =	vst v2  }
0x63: {  	v14 =	vld [tilespmem:s3+$0x140];
	v2 =	vadd.s32 $0x78, v4;
	v15 =	vmin.u32 v3, $0xF0  }
.Ltmp0:
0x64: {  	v3 =	vadd.s32 $0x78, v6;
	v5 =	vld [tilespmem:s3+$0x150];
	v10 =	vmin.u32 v2, $0xF0;
	(pc) =	sbr.rel @p1 .LBB2_3-.Ltmp0, $4  }
0x65: {  	v8 =	vmin.u32 v3, $0xF0;
	v3 =	vadd.s32 $0x78, v7;
	v2 =	vld.idx.msk [tilespmem:v1+s6+$0x0], $0xffff  }
0x66: {  	v6 =	vmin.u32 v3, $0xF0;
	v1 =	vadd.s32 $0x78, v9;
	v3 =	vld.idx.msk [tilespmem:v11+s6+$0x0], $0xffff  }
0x67: {  	v9 =	vmin.u32 v1, $0xF0;
	v1 =	vadd.s32 $0x78, v13;
	v4 =	vld.idx.msk [tilespmem:v12+s6+$0x0], $0xffff  }
0x68: {  	s2 =	sadd.s32 $0x1, s2;
	v1 =	vmin.u32 v1, $0xF0;
	v11 =	vadd.s32 $0x78, v14;
	v7 =	vld.idx.msk [tilespmem:v15+s6+$0x0], $0xffff  }
0x69: {  	_ =	sdelay $0x3  }
0x6a: {  	v10 =	vld.idx.msk [tilespmem:v10+s6+$0x0], $0xffff  }
0x6b: {  	v8 =	vld.idx.msk [tilespmem:v8+s6+$0x0], $0xffff;
	[tilespmem:s14+$0x8130] =	vst v2  }
0x6c: {  	v11 =	vmin.u32 v11, $0xF0;
	v5 =	vadd.s32 $0x78, v5;
	v1 =	vld.idx.msk [tilespmem:v1+s6+$0x0], $0xffff;
	[tilespmem:s14+$0x8140] =	vst v3  }
0x6d: {  	v5 =	vmin.u32 v5, $0xF0;
	v2 =	vld.idx.msk [tilespmem:v6+s6+$0x0], $0xffff;
	[tilespmem:s14+$0x8150] =	vst v4  }
0x6e: {  	v3 =	vld.idx.msk [tilespmem:v9+s6+$0x0], $0xffff;
	[tilespmem:s5+$0x8100] =	vst v7  }
0x6f: {  	[tilespmem:s22+$0x8100] =	vst v10  }
0x70: {  	[tilespmem:s3+$0x8100] =	vst v8  }
0x71: {  	v63 =	vld.idx.msk [tilespmem:v11+s6+$0x0], $0xffff;
	[tilespmem:s3+$0x8130] =	vst v1  }
0x72: {  	v5 =	vld.idx.msk [tilespmem:v5+s6+$0x0], $0xffff;
	[tilespmem:s3+$0x8110] =	vst v2  }
0x73: {  	p1 =	sne.s32 s16, $0x2;
	[tilespmem:s3+$0x8120] =	vst v3  }
.Ltmp1:
0x74: {  	s0 =	rddreg [dreg:$0x4];
	(pc) =	sbr.rel @p1 .LBB2_6-.Ltmp1, $4  }
0x75: {  	s0 =	sor.u32 s0, s19  }
0x76: {  	s31 =	rddreg [dreg:$0x2];
	[tilespmem:s3+$0x8140] =	vst v63;
	s14 =	sshrl.u32 s0, $0x3  }
0x77: {  	s2 =	simm.s32 $0x8100;
	[tilespmem:s3+$0x8150] =	vst v5;
	s0 =	sadd.s32 s31, s14  }
0x78: {  	[hbm4b:s0+s6] =	stream.linear.scatter [tilespmem:s2], [sflag:$0x9], $0x1000, $0x38;
	[tilespmem:$0x10100] =	vst v63  }
.Ltmp2:
0x79: {  	(pc) =	sbr.rel .LBB2_7-.Ltmp2, $4  }
0x7a: {  	s0 =	simm.s32 $0x2  }
0x7b: {  	_ =	swait.ge [sflag:s0], $0x1000  }
0x7c: {  	[sflag:s0] =	ssyncset.done $0x0  }
0x7d: {  	[sflag:s0] =	ssyncadd.s32 $0xFFFFF000  }
.LBB2_6:
0x7e: {  	s0 =	rddreg [dreg:$0xd]  }
0x7f: {  	s0 =	sadd.s32 s0, s19  }
0x80: {  	s2 =	simm.s32 $0x100;
	s0 =	sshrl.u32 s0, $0x3  }
.Ltmp3:
0x81: {  	s31 =	simm.s32 $0x2;
	s0 =	sadd.s32 s1, s0;
	(pc) =	sbr.rel @p0 .LBB2_8-.Ltmp3, $4  }
0x82: {  	[tilespmem:s2], [sflag:$0x1] =	stream.linear.gather [hbm4b:s0+s6], $0x1000, $0x38;
	[tilespmem:$0x10100] =	vst v63  }
0x83: {  	_ =	swait.ge [sflag:s31], $0x1000  }
0x84: {  	[sflag:s31] =	ssyncset.done $0x0  }
0x85: {  	[sflag:s31] =	ssyncadd.s32 $0xFFFFF000  }
.LBB2_7:
0x86: {  	s0 =	simm.s32 $0xA  }
0x87: {  	_ =	swait.ge [sflag:s0], $0x1000  }
0x88: {  	[sflag:s0] =	ssyncset.done $0x0  }
0x89: {  	[sflag:s0] =	ssyncadd.s32 $0xFFFFF000  }
.LBB2_8:
0x8a: {  	s0 =	simm.s32 $0x0  }
0x8b: {  	s2 =	sand.u32 $0x3, s0;
	s3 =	sand.u32 $0xC00, s0;
	s0 =	sand.u32 $0x380, s0  }
0x8c: {  	s3 =	sor.u32 s0, s3  }
0x8d: {  	s2 =	sshll.u32 s2, $0xA;
	v3 =	vld [tilespmem:s3+$0x1100]  }
0x8e: {  	s2 =	sadd.s32 $0x0, s2;
	v5 =	vld [tilespmem:s3+$0x1120]  }
0x8f: {  	v4 =	vld [tilespmem:s3+$0x1110];
	s10 =	sor.u32 $0x1070, s2  }
0x90: {  	v1 =	vld [tilespmem:s10+$0x100]  }
0x91: {  	v6 =	vld [tilespmem:s3+$0x1130]  }
0x92: {  	s26 =	simm.s32 $0x400;
	s28 =	simm.s32 $0x20;
	v7 =	vld [tilespmem:s3+$0x1140];
	s2 =	sor.u32 $0x1060, s2  }
0x93: {  	s31 =	simm.s32 $0x1;
	s5 =	sand.u32 $0xC00, s26;
	s13 =	sand.u32 $0x380, s28;
	v2 =	vld [tilespmem:s2+$0x100];
	v5 =	vadd.s32 $0x78, v5  }
0x94: {  	s0 =	sand.u32 $0x3, s31;
	s5 =	sor.u32 s13, s5;
	v8 =	vld [tilespmem:s3+$0x1150];
	v5 =	vmin.u32 v5, $0xF0  }
0x95: {  	s0 =	sshll.u32 s0, $0xA;
	v11 =	vld [tilespmem:s5+$0x1100];
	v1 =	vadd.s32 $0x78, v1  }
0x96: {  	v12 =	vld [tilespmem:s5+$0x1110];
	s0 =	sadd.s32 $0x20, s0;
	v3 =	vadd.s32 $0x78, v3;
	v1 =	vmin.u32 v1, $0xF0  }
0x97: {  	v13 =	vld [tilespmem:s5+$0x1120];
	s25 =	sor.u32 $0x1060, s0;
	v4 =	vadd.s32 $0x78, v4;
	v3 =	vmin.u32 v3, $0xF0  }
0x98: {  	v10 =	vld [tilespmem:s25+$0x100];
	v4 =	vmin.u32 v4, $0xF0;
	v2 =	vadd.s32 $0x78, v2  }
0x99: {  	s22 =	sor.u32 $0x1070, s0;
	v2 =	vmin.u32 v2, $0xF0;
	v9 =	vld.idx.msk [tilespmem:v5+s6+$0x0], $0xffff  }
0x9a: {  	v5 =	vld [tilespmem:s22+$0x100]  }
0x9b: {  	v1 =	vld.idx.msk [tilespmem:v1+s6+$0x0], $0xffff  }
0x9c: {  	v7 =	vadd.s32 $0x78, v7;
	v3 =	vld.idx.msk [tilespmem:v3+s6+$0x0], $0xffff  }
0x9d: {  	v6 =	vadd.s32 $0x78, v6;
	v7 =	vmin.u32 v7, $0xF0;
	v4 =	vld.idx.msk [tilespmem:v4+s6+$0x0], $0xffff  }
0x9e: {  	v8 =	vadd.s32 $0x78, v8;
	v6 =	vmin.u32 v6, $0xF0;
	v2 =	vld.idx.msk [tilespmem:v2+s6+$0x0], $0xffff  }
0x9f: {  	v15 =	vld [tilespmem:s5+$0x1130];
	v14 =	vmin.u32 v8, $0xF0;
	v5 =	vadd.s32 $0x78, v5  }
0xa0: {  	v16 =	vld [tilespmem:s5+$0x1140];
	v17 =	vmin.u32 v5, $0xF0;
	[tilespmem:s10+$0x8100] =	vst v1;
	v1 =	vadd.s32 $0x78, v10  }
0xa1: {  	v8 =	vadd.s32 $0x78, v11;
	[tilespmem:s3+$0x9100] =	vst v3;
	v5 =	vld [tilespmem:s5+$0x1150];
	v10 =	vmin.u32 v1, $0xF0  }
0xa2: {  	v8 =	vmin.u32 v8, $0xF0;
	v3 =	vld.idx.msk [tilespmem:v7+s6+$0x0], $0xffff;
	[tilespmem:s3+$0x9110] =	vst v4;
	v1 =	vadd.s32 $0x78, v12  }
0xa3: {  	[tilespmem:s2+$0x8100] =	vst v2;
	v2 =	vld.idx.msk [tilespmem:v6+s6+$0x0], $0xffff;
	v6 =	vmin.u32 v1, $0xF0;
	v1 =	vadd.s32 $0x78, v13  }
0xa4: {  	v7 =	vadd.s32 $0x78, v15;
	v4 =	vld.idx.msk [tilespmem:v14+s6+$0x0], $0xffff;
	[tilespmem:s3+$0x9120] =	vst v9;
	v9 =	vmin.u32 v1, $0xF0  }
0xa5: {  	s0 =	simm.s32 $0x8;
	v11 =	vadd.s32 $0x78, v16;
	s2 =	simm.s32 $0x2;
	v1 =	vmin.u32 v7, $0xF0;
	v7 =	vld.idx.msk [tilespmem:v17+s6+$0x0], $0xffff  }
.LBB2_9:
0xa6: {  	s10 =	sand.u32 $0x3, s2;
	s0 =	sadd.s32 $0x8, s0;
	v11 =	vmin.u32 v11, $0xF0;
	v5 =	vadd.s32 $0x78, v5;
	v10 =	vld.idx.msk [tilespmem:v10+s6+$0x0], $0xffff;
	s26 =	sadd.s32 $0x400, s26  }
0xa7: {  	s28 =	sadd.s32 $0x20, s28;
	s10 =	sshll.u32 s10, $0xA;
	p2 =	slt.u32 s0, $0xF8;
	v8 =	vld.idx.msk [tilespmem:v8+s6+$0x0], $0xffff;
	v12 =	vmin.u32 v5, $0xF0  }
0xa8: {  	s13 =	sand.u32 $0xC00, s26;
	s23 =	sand.u32 $0x380, s28;
	s10 =	sadd.s32 s10, s28;
	v5 =	vld.idx.msk [tilespmem:v6+s6+$0x0], $0xffff;
	[tilespmem:s3+$0x9130] =	vst v2  }
0xa9: {  	s13 =	sor.u32 s23, s13;
	s23 =	sor.u32 $0x1060, s10;
	s10 =	sor.u32 $0x1070, s10;
	v2 =	vld.idx.msk [tilespmem:v9+s6+$0x0], $0xffff;
	[tilespmem:s3+$0x9140] =	vst v3  }
0xaa: {  	v3 =	vld [tilespmem:s10+$0x100];
	[tilespmem:s3+$0x9150] =	vst v4;
	s3 =	smov.u32 s5;
	s5 =	smov.u32 s13  }
0xab: {  	v4 =	vld [tilespmem:s23+$0x100];
	[tilespmem:s22+$0x8100] =	vst v7;
	s22 =	smov.u32 s10  }
0xac: {  	v6 =	vld [tilespmem:s5+$0x1100];
	[tilespmem:s25+$0x8100] =	vst v10;
	s25 =	smov.u32 s23  }
0xad: {  	v7 =	vld [tilespmem:s5+$0x1110];
	[tilespmem:s3+$0x9100] =	vst v8  }
0xae: {  	v9 =	vld [tilespmem:s5+$0x1120];
	[tilespmem:s3+$0x9110] =	vst v5  }
0xaf: {  	v13 =	vld [tilespmem:s5+$0x1130];
	v3 =	vadd.s32 $0x78, v3;
	[tilespmem:s3+$0x9120] =	vst v2  }
0xb0: {  	v14 =	vld [tilespmem:s5+$0x1140];
	v2 =	vadd.s32 $0x78, v4;
	v15 =	vmin.u32 v3, $0xF0  }
.Ltmp4:
0xb1: {  	v3 =	vadd.s32 $0x78, v6;
	v5 =	vld [tilespmem:s5+$0x1150];
	v10 =	vmin.u32 v2, $0xF0;
	(pc) =	sbr.rel @p2 .LBB2_9-.Ltmp4, $4  }
0xb2: {  	v8 =	vmin.u32 v3, $0xF0;
	v3 =	vadd.s32 $0x78, v7;
	v2 =	vld.idx.msk [tilespmem:v1+s6+$0x0], $0xffff  }
0xb3: {  	v6 =	vmin.u32 v3, $0xF0;
	v1 =	vadd.s32 $0x78, v9;
	v3 =	vld.idx.msk [tilespmem:v11+s6+$0x0], $0xffff  }
0xb4: {  	v9 =	vmin.u32 v1, $0xF0;
	v1 =	vadd.s32 $0x78, v13;
	v4 =	vld.idx.msk [tilespmem:v12+s6+$0x0], $0xffff  }
0xb5: {  	s2 =	sadd.s32 $0x1, s2;
	v1 =	vmin.u32 v1, $0xF0;
	v11 =	vadd.s32 $0x78, v14;
	v7 =	vld.idx.msk [tilespmem:v15+s6+$0x0], $0xffff  }
0xb6: {  	_ =	sdelay $0x3  }
0xb7: {  	v11 =	vmin.u32 v11, $0xF0;
	v5 =	vadd.s32 $0x78, v5;
	v10 =	vld.idx.msk [tilespmem:v10+s6+$0x0], $0xffff  }
0xb8: {  	v8 =	vld.idx.msk [tilespmem:v8+s6+$0x0], $0xffff;
	v5 =	vmin.u32 v5, $0xF0;
	[tilespmem:s3+$0x9130] =	vst v2  }
0xb9: {  	v1 =	vld.idx.msk [tilespmem:v1+s6+$0x0], $0xffff;
	[tilespmem:s3+$0x9140] =	vst v3  }
0xba: {  	v2 =	vld.idx.msk [tilespmem:v6+s6+$0x0], $0xffff;
	[tilespmem:s3+$0x9150] =	vst v4  }
0xbb: {  	v3 =	vld.idx.msk [tilespmem:v9+s6+$0x0], $0xffff;
	[tilespmem:s22+$0x8100] =	vst v7  }
0xbc: {  	[tilespmem:s25+$0x8100] =	vst v10;
	v63 =	vld.idx.msk [tilespmem:v11+s6+$0x0], $0xffff  }
0xbd: {  	[tilespmem:s5+$0x9100] =	vst v8;
	v5 =	vld.idx.msk [tilespmem:v5+s6+$0x0], $0xffff  }
0xbe: {  	[tilespmem:s5+$0x9130] =	vst v1  }
0xbf: {  	[tilespmem:s5+$0x9110] =	vst v2  }
0xc0: {  	[tilespmem:s5+$0x9120] =	vst v3  }
.Ltmp5:
0xc1: {  	[tilespmem:s5+$0x9140] =	vst v63;
	(pc) =	sbr.rel @p1 .LBB2_12-.Ltmp5, $4  }
0xc2: {  	[tilespmem:s5+$0x9150] =	vst v5  }
0xc3: {  	s0 =	rddreg [dreg:$0x18]  }
0xc4: {  	s2 =	simm.s32 $0x9100;
	s0 =	sadd.s32 s14, s0  }
0xc5: {  	[hbm4b:s0+s6] =	stream.linear.scatter [tilespmem:s2], [sflag:$0xA], $0x1000, $0x38;
	[tilespmem:$0x10100] =	vst v63  }
.Ltmp6:
0xc6: {  	(pc) =	sbr.rel .LBB2_13-.Ltmp6, $4  }
0xc7: {  	s0 =	simm.s32 $0x3  }
0xc8: {  	_ =	swait.ge [sflag:s0], $0x1000  }
0xc9: {  	[sflag:s0] =	ssyncset.done $0x0  }
0xca: {  	[sflag:s0] =	ssyncadd.s32 $0xFFFFF000  }
.LBB2_12:
0xcb: {  	s0 =	rddreg [dreg:$0xe]  }
0xcc: {  	s0 =	sadd.s32 s0, s19  }
0xcd: {  	s2 =	simm.s32 $0x1100;
	s0 =	sshrl.u32 s0, $0x3  }
.Ltmp7:
0xce: {  	s31 =	simm.s32 $0x3;
	s0 =	sadd.s32 s1, s0;
	(pc) =	sbr.rel @p0 .LBB2_14-.Ltmp7, $4  }
0xcf: {  	[tilespmem:s2], [sflag:$0x2] =	stream.linear.gather [hbm4b:s0+s6], $0x1000, $0x38;
	[tilespmem:$0x10100] =	vst v63  }
0xd0: {  	_ =	swait.ge [sflag:s31], $0x1000  }
0xd1: {  	[sflag:s31] =	ssyncset.done $0x0  }
0xd2: {  	[sflag:s31] =	ssyncadd.s32 $0xFFFFF000  }
.LBB2_13:
0xd3: {  	s0 =	simm.s32 $0xB  }
0xd4: {  	_ =	swait.ge [sflag:s0], $0x1000  }
0xd5: {  	[sflag:s0] =	ssyncset.done $0x0  }
0xd6: {  	[sflag:s0] =	ssyncadd.s32 $0xFFFFF000  }
.LBB2_14:
0xd7: {  	s0 =	simm.s32 $0x0  }
0xd8: {  	s2 =	sand.u32 $0x3, s0;
	s3 =	sand.u32 $0xC00, s0;
	s0 =	sand.u32 $0x380, s0  }
0xd9: {  	s3 =	sor.u32 s0, s3  }
0xda: {  	s2 =	sshll.u32 s2, $0xA;
	v3 =	vld [tilespmem:s3+$0x2100]  }
0xdb: {  	s2 =	sadd.s32 $0x0, s2;
	v5 =	vld [tilespmem:s3+$0x2120]  }
0xdc: {  	v4 =	vld [tilespmem:s3+$0x2110];
	s10 =	sor.u32 $0x2070, s2  }
0xdd: {  	v1 =	vld [tilespmem:s10+$0x100]  }
0xde: {  	v6 =	vld [tilespmem:s3+$0x2130]  }
0xdf: {  	s26 =	simm.s32 $0x400;
	s28 =	simm.s32 $0x20;
	v7 =	vld [tilespmem:s3+$0x2140];
	s2 =	sor.u32 $0x2060, s2  }
0xe0: {  	s31 =	simm.s32 $0x1;
	s5 =	sand.u32 $0xC00, s26;
	s13 =	sand.u32 $0x380, s28;
	v2 =	vld [tilespmem:s2+$0x100];
	v5 =	vadd.s32 $0x78, v5  }
0xe1: {  	s0 =	sand.u32 $0x3, s31;
	s5 =	sor.u32 s13, s5;
	v8 =	vld [tilespmem:s3+$0x2150];
	v5 =	vmin.u32 v5, $0xF0  }
0xe2: {  	s0 =	sshll.u32 s0, $0xA;
	v11 =	vld [tilespmem:s5+$0x2100];
	v1 =	vadd.s32 $0x78, v1  }
0xe3: {  	v12 =	vld [tilespmem:s5+$0x2110];
	s0 =	sadd.s32 $0x20, s0;
	v3 =	vadd.s32 $0x78, v3;
	v1 =	vmin.u32 v1, $0xF0  }
0xe4: {  	v13 =	vld [tilespmem:s5+$0x2120];
	s25 =	sor.u32 $0x2060, s0;
	v4 =	vadd.s32 $0x78, v4;
	v3 =	vmin.u32 v3, $0xF0  }
0xe5: {  	v10 =	vld [tilespmem:s25+$0x100];
	v4 =	vmin.u32 v4, $0xF0;
	v2 =	vadd.s32 $0x78, v2  }
0xe6: {  	s22 =	sor.u32 $0x2070, s0;
	v2 =	vmin.u32 v2, $0xF0;
	v9 =	vld.idx.msk [tilespmem:v5+s6+$0x0], $0xffff  }
0xe7: {  	v5 =	vld [tilespmem:s22+$0x100]  }
0xe8: {  	v1 =	vld.idx.msk [tilespmem:v1+s6+$0x0], $0xffff  }
0xe9: {  	v7 =	vadd.s32 $0x78, v7;
	v3 =	vld.idx.msk [tilespmem:v3+s6+$0x0], $0xffff  }
0xea: {  	v6 =	vadd.s32 $0x78, v6;
	v7 =	vmin.u32 v7, $0xF0;
	v4 =	vld.idx.msk [tilespmem:v4+s6+$0x0], $0xffff  }
0xeb: {  	v8 =	vadd.s32 $0x78, v8;
	v6 =	vmin.u32 v6, $0xF0;
	v2 =	vld.idx.msk [tilespmem:v2+s6+$0x0], $0xffff  }
0xec: {  	v15 =	vld [tilespmem:s5+$0x2130];
	v14 =	vmin.u32 v8, $0xF0;
	v5 =	vadd.s32 $0x78, v5  }
0xed: {  	v16 =	vld [tilespmem:s5+$0x2140];
	v17 =	vmin.u32 v5, $0xF0;
	[tilespmem:s10+$0x8100] =	vst v1;
	v1 =	vadd.s32 $0x78, v10  }
0xee: {  	v8 =	vadd.s32 $0x78, v11;
	[tilespmem:s3+$0xA100] =	vst v3;
	v5 =	vld [tilespmem:s5+$0x2150];
	v10 =	vmin.u32 v1, $0xF0  }
0xef: {  	v8 =	vmin.u32 v8, $0xF0;
	v3 =	vld.idx.msk [tilespmem:v7+s6+$0x0], $0xffff;
	[tilespmem:s3+$0xA110] =	vst v4;
	v1 =	vadd.s32 $0x78, v12  }
0xf0: {  	[tilespmem:s2+$0x8100] =	vst v2;
	v2 =	vld.idx.msk [tilespmem:v6+s6+$0x0], $0xffff;
	v6 =	vmin.u32 v1, $0xF0;
	v1 =	vadd.s32 $0x78, v13  }
0xf1: {  	v7 =	vadd.s32 $0x78, v15;
	v4 =	vld.idx.msk [tilespmem:v14+s6+$0x0], $0xffff;
	[tilespmem:s3+$0xA120] =	vst v9;
	v9 =	vmin.u32 v1, $0xF0  }
0xf2: {  	s0 =	simm.s32 $0x8;
	v11 =	vadd.s32 $0x78, v16;
	s2 =	simm.s32 $0x2;
	v1 =	vmin.u32 v7, $0xF0;
	v7 =	vld.idx.msk [tilespmem:v17+s6+$0x0], $0xffff  }
.LBB2_15:
0xf3: {  	s10 =	sand.u32 $0x3, s2;
	s0 =	sadd.s32 $0x8, s0;
	v11 =	vmin.u32 v11, $0xF0;
	v5 =	vadd.s32 $0x78, v5;
	v10 =	vld.idx.msk [tilespmem:v10+s6+$0x0], $0xffff;
	s26 =	sadd.s32 $0x400, s26  }
0xf4: {  	s28 =	sadd.s32 $0x20, s28;
	s10 =	sshll.u32 s10, $0xA;
	p2 =	slt.u32 s0, $0xF8;
	v8 =	vld.idx.msk [tilespmem:v8+s6+$0x0], $0xffff;
	v12 =	vmin.u32 v5, $0xF0  }
0xf5: {  	s13 =	sand.u32 $0xC00, s26;
	s23 =	sand.u32 $0x380, s28;
	s10 =	sadd.s32 s10, s28;
	v5 =	vld.idx.msk [tilespmem:v6+s6+$0x0], $0xffff;
	[tilespmem:s3+$0xA130] =	vst v2  }
0xf6: {  	s13 =	sor.u32 s23, s13;
	s23 =	sor.u32 $0x2060, s10;
	s10 =	sor.u32 $0x2070, s10;
	v2 =	vld.idx.msk [tilespmem:v9+s6+$0x0], $0xffff;
	[tilespmem:s3+$0xA140] =	vst v3  }
0xf7: {  	v3 =	vld [tilespmem:s10+$0x100];
	[tilespmem:s3+$0xA150] =	vst v4;
	s3 =	smov.u32 s5;
	s5 =	smov.u32 s13  }
0xf8: {  	v4 =	vld [tilespmem:s23+$0x100];
	[tilespmem:s22+$0x8100] =	vst v7;
	s22 =	smov.u32 s10  }
0xf9: {  	v6 =	vld [tilespmem:s5+$0x2100];
	[tilespmem:s25+$0x8100] =	vst v10;
	s25 =	smov.u32 s23  }
0xfa: {  	v7 =	vld [tilespmem:s5+$0x2110];
	[tilespmem:s3+$0xA100] =	vst v8  }
0xfb: {  	v9 =	vld [tilespmem:s5+$0x2120];
	[tilespmem:s3+$0xA110] =	vst v5  }
0xfc: {  	v13 =	vld [tilespmem:s5+$0x2130];
	v3 =	vadd.s32 $0x78, v3;
	[tilespmem:s3+$0xA120] =	vst v2  }
0xfd: {  	v14 =	vld [tilespmem:s5+$0x2140];
	v2 =	vadd.s32 $0x78, v4;
	v15 =	vmin.u32 v3, $0xF0  }
.Ltmp8:
0xfe: {  	v3 =	vadd.s32 $0x78, v6;
	v5 =	vld [tilespmem:s5+$0x2150];
	v10 =	vmin.u32 v2, $0xF0;
	(pc) =	sbr.rel @p2 .LBB2_15-.Ltmp8, $4  }
0xff: {  	v8 =	vmin.u32 v3, $0xF0;
	v3 =	vadd.s32 $0x78, v7;
	v2 =	vld.idx.msk [tilespmem:v1+s6+$0x0], $0xffff  }
0x100: {  	v6 =	vmin.u32 v3, $0xF0;
	v1 =	vadd.s32 $0x78, v9;
	v3 =	vld.idx.msk [tilespmem:v11+s6+$0x0], $0xffff  }
0x101: {  	v9 =	vmin.u32 v1, $0xF0;
	v1 =	vadd.s32 $0x78, v13;
	v4 =	vld.idx.msk [tilespmem:v12+s6+$0x0], $0xffff  }
0x102: {  	s2 =	sadd.s32 $0x1, s2;
	v1 =	vmin.u32 v1, $0xF0;
	v11 =	vadd.s32 $0x78, v14;
	v7 =	vld.idx.msk [tilespmem:v15+s6+$0x0], $0xffff  }
0x103: {  	_ =	sdelay $0x3  }
0x104: {  	v11 =	vmin.u32 v11, $0xF0;
	v5 =	vadd.s32 $0x78, v5;
	v10 =	vld.idx.msk [tilespmem:v10+s6+$0x0], $0xffff  }
0x105: {  	v8 =	vld.idx.msk [tilespmem:v8+s6+$0x0], $0xffff;
	v5 =	vmin.u32 v5, $0xF0;
	[tilespmem:s3+$0xA130] =	vst v2  }
0x106: {  	v1 =	vld.idx.msk [tilespmem:v1+s6+$0x0], $0xffff;
	[tilespmem:s3+$0xA140] =	vst v3  }
0x107: {  	v2 =	vld.idx.msk [tilespmem:v6+s6+$0x0], $0xffff;
	[tilespmem:s3+$0xA150] =	vst v4  }
0x108: {  	v3 =	vld.idx.msk [tilespmem:v9+s6+$0x0], $0xffff;
	[tilespmem:s22+$0x8100] =	vst v7  }
0x109: {  	[tilespmem:s25+$0x8100] =	vst v10;
	v63 =	vld.idx.msk [tilespmem:v11+s6+$0x0], $0xffff  }
0x10a: {  	[tilespmem:s5+$0xA100] =	vst v8;
	v5 =	vld.idx.msk [tilespmem:v5+s6+$0x0], $0xffff  }
0x10b: {  	[tilespmem:s5+$0xA130] =	vst v1  }
0x10c: {  	[tilespmem:s5+$0xA110] =	vst v2  }
0x10d: {  	[tilespmem:s5+$0xA120] =	vst v3  }
.Ltmp9:
0x10e: {  	[tilespmem:s5+$0xA140] =	vst v63;
	(pc) =	sbr.rel @p1 .LBB2_18-.Ltmp9, $4  }
0x10f: {  	[tilespmem:s5+$0xA150] =	vst v5  }
0x110: {  	s0 =	rddreg [dreg:$0x19]  }
0x111: {  	s2 =	simm.s32 $0xA100;
	s0 =	sadd.s32 s14, s0  }
0x112: {  	[hbm4b:s0+s6] =	stream.linear.scatter [tilespmem:s2], [sflag:$0xB], $0x1000, $0x38;
	[tilespmem:$0x10100] =	vst v63  }
.Ltmp10:
0x113: {  	(pc) =	sbr.rel .LBB2_19-.Ltmp10, $4  }
0x114: {  	s0 =	simm.s32 $0x4  }
0x115: {  	_ =	swait.ge [sflag:s0], $0x1000  }
0x116: {  	[sflag:s0] =	ssyncset.done $0x0  }
0x117: {  	[sflag:s0] =	ssyncadd.s32 $0xFFFFF000  }
.LBB2_18:
0x118: {  	s0 =	rddreg [dreg:$0xf]  }
0x119: {  	s0 =	sadd.s32 s0, s19  }
0x11a: {  	s2 =	simm.s32 $0x2100;
	s0 =	sshrl.u32 s0, $0x3  }
.Ltmp11:
0x11b: {  	s31 =	simm.s32 $0x4;
	s0 =	sadd.s32 s1, s0;
	(pc) =	sbr.rel @p0 .LBB2_20-.Ltmp11, $4  }
0x11c: {  	[tilespmem:s2], [sflag:$0x3] =	stream.linear.gather [hbm4b:s0+s6], $0x1000, $0x38;
	[tilespmem:$0x10100] =	vst v63  }
0x11d: {  	_ =	swait.ge [sflag:s31], $0x1000  }
0x11e: {  	[sflag:s31] =	ssyncset.done $0x0  }
0x11f: {  	[sflag:s31] =	ssyncadd.s32 $0xFFFFF000  }
.LBB2_19:
0x120: {  	s0 =	simm.s32 $0xC  }
0x121: {  	_ =	swait.ge [sflag:s0], $0x1000  }
0x122: {  	[sflag:s0] =	ssyncset.done $0x0  }
0x123: {  	[sflag:s0] =	ssyncadd.s32 $0xFFFFF000  }
.LBB2_20:
0x124: {  	s0 =	simm.s32 $0x0  }
0x125: {  	s2 =	sand.u32 $0x3, s0;
	s3 =	sand.u32 $0xC00, s0;
	s0 =	sand.u32 $0x380, s0  }
0x126: {  	s3 =	sor.u32 s0, s3  }
0x127: {  	s2 =	sshll.u32 s2, $0xA;
	v3 =	vld [tilespmem:s3+$0x3100]  }
0x128: {  	s2 =	sadd.s32 $0x0, s2;
	v5 =	vld [tilespmem:s3+$0x3120]  }
0x129: {  	v4 =	vld [tilespmem:s3+$0x3110];
	s10 =	sor.u32 $0x3070, s2  }
0x12a: {  	v1 =	vld [tilespmem:s10+$0x100]  }
0x12b: {  	v6 =	vld [tilespmem:s3+$0x3130]  }
0x12c: {  	s26 =	simm.s32 $0x400;
	s28 =	simm.s32 $0x20;
	v7 =	vld [tilespmem:s3+$0x3140];
	s2 =	sor.u32 $0x3060, s2  }
0x12d: {  	s31 =	simm.s32 $0x1;
	s5 =	sand.u32 $0xC00, s26;
	s13 =	sand.u32 $0x380, s28;
	v2 =	vld [tilespmem:s2+$0x100];
	v5 =	vadd.s32 $0x78, v5  }
0x12e: {  	s0 =	sand.u32 $0x3, s31;
	s5 =	sor.u32 s13, s5;
	v8 =	vld [tilespmem:s3+$0x3150];
	v5 =	vmin.u32 v5, $0xF0  }
0x12f: {  	s0 =	sshll.u32 s0, $0xA;
	v11 =	vld [tilespmem:s5+$0x3100];
	v1 =	vadd.s32 $0x78, v1  }
0x130: {  	v12 =	vld [tilespmem:s5+$0x3110];
	s0 =	sadd.s32 $0x20, s0;
	v3 =	vadd.s32 $0x78, v3;
	v1 =	vmin.u32 v1, $0xF0  }
0x131: {  	v13 =	vld [tilespmem:s5+$0x3120];
	s25 =	sor.u32 $0x3060, s0;
	v4 =	vadd.s32 $0x78, v4;
	v3 =	vmin.u32 v3, $0xF0  }
0x132: {  	v10 =	vld [tilespmem:s25+$0x100];
	v4 =	vmin.u32 v4, $0xF0;
	v2 =	vadd.s32 $0x78, v2  }
0x133: {  	s22 =	sor.u32 $0x3070, s0;
	v2 =	vmin.u32 v2, $0xF0;
	v9 =	vld.idx.msk [tilespmem:v5+s6+$0x0], $0xffff  }
0x134: {  	v5 =	vld [tilespmem:s22+$0x100]  }
0x135: {  	v1 =	vld.idx.msk [tilespmem:v1+s6+$0x0], $0xffff  }
0x136: {  	v7 =	vadd.s32 $0x78, v7;
	v3 =	vld.idx.msk [tilespmem:v3+s6+$0x0], $0xffff  }
0x137: {  	v6 =	vadd.s32 $0x78, v6;
	v7 =	vmin.u32 v7, $0xF0;
	v4 =	vld.idx.msk [tilespmem:v4+s6+$0x0], $0xffff  }
0x138: {  	v8 =	vadd.s32 $0x78, v8;
	v6 =	vmin.u32 v6, $0xF0;
	v2 =	vld.idx.msk [tilespmem:v2+s6+$0x0], $0xffff  }
0x139: {  	v15 =	vld [tilespmem:s5+$0x3130];
	v14 =	vmin.u32 v8, $0xF0;
	v5 =	vadd.s32 $0x78, v5  }
0x13a: {  	v16 =	vld [tilespmem:s5+$0x3140];
	v17 =	vmin.u32 v5, $0xF0;
	[tilespmem:s10+$0x8100] =	vst v1;
	v1 =	vadd.s32 $0x78, v10  }
0x13b: {  	v8 =	vadd.s32 $0x78, v11;
	[tilespmem:s3+$0xB100] =	vst v3;
	v5 =	vld [tilespmem:s5+$0x3150];
	v10 =	vmin.u32 v1, $0xF0  }
0x13c: {  	v8 =	vmin.u32 v8, $0xF0;
	v3 =	vld.idx.msk [tilespmem:v7+s6+$0x0], $0xffff;
	[tilespmem:s3+$0xB110] =	vst v4;
	v1 =	vadd.s32 $0x78, v12  }
0x13d: {  	[tilespmem:s2+$0x8100] =	vst v2;
	v2 =	vld.idx.msk [tilespmem:v6+s6+$0x0], $0xffff;
	v6 =	vmin.u32 v1, $0xF0;
	v1 =	vadd.s32 $0x78, v13  }
0x13e: {  	v7 =	vadd.s32 $0x78, v15;
	v4 =	vld.idx.msk [tilespmem:v14+s6+$0x0], $0xffff;
	[tilespmem:s3+$0xB120] =	vst v9;
	v9 =	vmin.u32 v1, $0xF0  }
0x13f: {  	s0 =	simm.s32 $0x8;
	v11 =	vadd.s32 $0x78, v16;
	s2 =	simm.s32 $0x2;
	v1 =	vmin.u32 v7, $0xF0;
	v7 =	vld.idx.msk [tilespmem:v17+s6+$0x0], $0xffff  }
.LBB2_21:
0x140: {  	s10 =	sand.u32 $0x3, s2;
	s0 =	sadd.s32 $0x8, s0;
	v11 =	vmin.u32 v11, $0xF0;
	v5 =	vadd.s32 $0x78, v5;
	v10 =	vld.idx.msk [tilespmem:v10+s6+$0x0], $0xffff;
	s26 =	sadd.s32 $0x400, s26  }
0x141: {  	s28 =	sadd.s32 $0x20, s28;
	s10 =	sshll.u32 s10, $0xA;
	p2 =	slt.u32 s0, $0xF8;
	v8 =	vld.idx.msk [tilespmem:v8+s6+$0x0], $0xffff;
	v12 =	vmin.u32 v5, $0xF0  }
0x142: {  	s13 =	sand.u32 $0xC00, s26;
	s23 =	sand.u32 $0x380, s28;
	s10 =	sadd.s32 s10, s28;
	v5 =	vld.idx.msk [tilespmem:v6+s6+$0x0], $0xffff;
	[tilespmem:s3+$0xB130] =	vst v2  }
0x143: {  	s13 =	sor.u32 s23, s13;
	s23 =	sor.u32 $0x3060, s10;
	s10 =	sor.u32 $0x3070, s10;
	v2 =	vld.idx.msk [tilespmem:v9+s6+$0x0], $0xffff;
	[tilespmem:s3+$0xB140] =	vst v3  }
0x144: {  	v3 =	vld [tilespmem:s10+$0x100];
	[tilespmem:s3+$0xB150] =	vst v4;
	s3 =	smov.u32 s5;
	s5 =	smov.u32 s13  }
0x145: {  	v4 =	vld [tilespmem:s23+$0x100];
	[tilespmem:s22+$0x8100] =	vst v7;
	s22 =	smov.u32 s10  }
0x146: {  	v6 =	vld [tilespmem:s5+$0x3100];
	[tilespmem:s25+$0x8100] =	vst v10;
	s25 =	smov.u32 s23  }
0x147: {  	v7 =	vld [tilespmem:s5+$0x3110];
	[tilespmem:s3+$0xB100] =	vst v8  }
0x148: {  	v9 =	vld [tilespmem:s5+$0x3120];
	[tilespmem:s3+$0xB110] =	vst v5  }
0x149: {  	v13 =	vld [tilespmem:s5+$0x3130];
	v3 =	vadd.s32 $0x78, v3;
	[tilespmem:s3+$0xB120] =	vst v2  }
0x14a: {  	v14 =	vld [tilespmem:s5+$0x3140];
	v2 =	vadd.s32 $0x78, v4;
	v15 =	vmin.u32 v3, $0xF0  }
.Ltmp12:
0x14b: {  	v3 =	vadd.s32 $0x78, v6;
	v5 =	vld [tilespmem:s5+$0x3150];
	v10 =	vmin.u32 v2, $0xF0;
	(pc) =	sbr.rel @p2 .LBB2_21-.Ltmp12, $4  }
0x14c: {  	v8 =	vmin.u32 v3, $0xF0;
	v3 =	vadd.s32 $0x78, v7;
	v2 =	vld.idx.msk [tilespmem:v1+s6+$0x0], $0xffff  }
0x14d: {  	v6 =	vmin.u32 v3, $0xF0;
	v1 =	vadd.s32 $0x78, v9;
	v3 =	vld.idx.msk [tilespmem:v11+s6+$0x0], $0xffff  }
0x14e: {  	v9 =	vmin.u32 v1, $0xF0;
	v1 =	vadd.s32 $0x78, v13;
	v4 =	vld.idx.msk [tilespmem:v12+s6+$0x0], $0xffff  }
0x14f: {  	s2 =	sadd.s32 $0x1, s2;
	v1 =	vmin.u32 v1, $0xF0;
	v11 =	vadd.s32 $0x78, v14;
	v7 =	vld.idx.msk [tilespmem:v15+s6+$0x0], $0xffff  }
0x150: {  	_ =	sdelay $0x3  }
0x151: {  	v11 =	vmin.u32 v11, $0xF0;
	v5 =	vadd.s32 $0x78, v5;
	v10 =	vld.idx.msk [tilespmem:v10+s6+$0x0], $0xffff  }
0x152: {  	v8 =	vld.idx.msk [tilespmem:v8+s6+$0x0], $0xffff;
	v5 =	vmin.u32 v5, $0xF0;
	[tilespmem:s3+$0xB130] =	vst v2  }
0x153: {  	v1 =	vld.idx.msk [tilespmem:v1+s6+$0x0], $0xffff;
	[tilespmem:s3+$0xB140] =	vst v3  }
0x154: {  	v2 =	vld.idx.msk [tilespmem:v6+s6+$0x0], $0xffff;
	[tilespmem:s3+$0xB150] =	vst v4  }
0x155: {  	v3 =	vld.idx.msk [tilespmem:v9+s6+$0x0], $0xffff;
	[tilespmem:s22+$0x8100] =	vst v7  }
0x156: {  	[tilespmem:s25+$0x8100] =	vst v10;
	v63 =	vld.idx.msk [tilespmem:v11+s6+$0x0], $0xffff  }
0x157: {  	[tilespmem:s5+$0xB100] =	vst v8;
	v5 =	vld.idx.msk [tilespmem:v5+s6+$0x0], $0xffff  }
0x158: {  	[tilespmem:s5+$0xB130] =	vst v1  }
0x159: {  	[tilespmem:s5+$0xB110] =	vst v2  }
0x15a: {  	[tilespmem:s5+$0xB120] =	vst v3  }
.Ltmp13:
0x15b: {  	[tilespmem:s5+$0xB140] =	vst v63;
	(pc) =	sbr.rel @p1 .LBB2_24-.Ltmp13, $4  }
0x15c: {  	[tilespmem:s5+$0xB150] =	vst v5  }
0x15d: {  	s0 =	rddreg [dreg:$0x1a]  }
0x15e: {  	s2 =	simm.s32 $0xB100;
	s0 =	sadd.s32 s14, s0  }
0x15f: {  	[hbm4b:s0+s6] =	stream.linear.scatter [tilespmem:s2], [sflag:$0xC], $0x1000, $0x38;
	[tilespmem:$0x10100] =	vst v63  }
.Ltmp14:
0x160: {  	(pc) =	sbr.rel .LBB2_25-.Ltmp14, $4  }
0x161: {  	_ = 	snop  }
0x162: {  	_ =	swait.ge [sflag:s4], $0x1000  }
0x163: {  	[sflag:s4] =	ssyncset.done $0x0  }
0x164: {  	[sflag:s4] =	ssyncadd.s32 $0xFFFFF000  }
.LBB2_24:
0x165: {  	s0 =	rddreg [dreg:$0x10]  }
0x166: {  	s0 =	sadd.s32 s0, s19  }
0x167: {  	s0 =	sshrl.u32 s0, $0x3  }
.Ltmp15:
0x168: {  	s2 =	simm.s32 $0x3100;
	s0 =	sadd.s32 s1, s0;
	(pc) =	sbr.rel @p0 .LBB2_26-.Ltmp15, $4  }
0x169: {  	[tilespmem:s2], [sflag:$0x4] =	stream.linear.gather [hbm4b:s0+s6], $0x1000, $0x38;
	[tilespmem:$0x10100] =	vst v63  }
0x16a: {  	_ =	swait.ge [sflag:s4], $0x1000  }
0x16b: {  	[sflag:s4] =	ssyncset.done $0x0  }
0x16c: {  	[sflag:s4] =	ssyncadd.s32 $0xFFFFF000  }
.LBB2_25:
0x16d: {  	s0 =	simm.s32 $0xD  }
0x16e: {  	_ =	swait.ge [sflag:s0], $0x1000  }
0x16f: {  	[sflag:s0] =	ssyncset.done $0x0  }
0x170: {  	[sflag:s0] =	ssyncadd.s32 $0xFFFFF000  }
.LBB2_26:
0x171: {  	s0 =	simm.s32 $0x0  }
0x172: {  	s2 =	sand.u32 $0x3, s0;
	s3 =	sand.u32 $0xC00, s0;
	s0 =	sand.u32 $0x380, s0  }
0x173: {  	s3 =	sor.u32 s0, s3  }
0x174: {  	s2 =	sshll.u32 s2, $0xA;
	v3 =	vld [tilespmem:s3+$0x4100]  }
0x175: {  	s2 =	sadd.s32 $0x0, s2;
	v5 =	vld [tilespmem:s3+$0x4120]  }
0x176: {  	v4 =	vld [tilespmem:s3+$0x4110];
	s10 =	sor.u32 $0x4070, s2  }
0x177: {  	v1 =	vld [tilespmem:s10+$0x100]  }
0x178: {  	v6 =	vld [tilespmem:s3+$0x4130]  }
0x179: {  	s26 =	simm.s32 $0x400;
	s28 =	simm.s32 $0x20;
	v7 =	vld [tilespmem:s3+$0x4140];
	s2 =	sor.u32 $0x4060, s2  }
0x17a: {  	s31 =	simm.s32 $0x1;
	s5 =	sand.u32 $0xC00, s26;
	s13 =	sand.u32 $0x380, s28;
	v2 =	vld [tilespmem:s2+$0x100];
	v5 =	vadd.s32 $0x78, v5  }
0x17b: {  	s0 =	sand.u32 $0x3, s31;
	s5 =	sor.u32 s13, s5;
	v8 =	vld [tilespmem:s3+$0x4150];
	v5 =	vmin.u32 v5, $0xF0  }
0x17c: {  	s0 =	sshll.u32 s0, $0xA;
	v11 =	vld [tilespmem:s5+$0x4100];
	v1 =	vadd.s32 $0x78, v1  }
0x17d: {  	v12 =	vld [tilespmem:s5+$0x4110];
	s0 =	sadd.s32 $0x20, s0;
	v3 =	vadd.s32 $0x78, v3;
	v1 =	vmin.u32 v1, $0xF0  }
0x17e: {  	v13 =	vld [tilespmem:s5+$0x4120];
	s25 =	sor.u32 $0x4060, s0;
	v4 =	vadd.s32 $0x78, v4;
	v3 =	vmin.u32 v3, $0xF0  }
0x17f: {  	v10 =	vld [tilespmem:s25+$0x100];
	v4 =	vmin.u32 v4, $0xF0;
	v2 =	vadd.s32 $0x78, v2  }
0x180: {  	s22 =	sor.u32 $0x4070, s0;
	v2 =	vmin.u32 v2, $0xF0;
	v9 =	vld.idx.msk [tilespmem:v5+s6+$0x0], $0xffff  }
0x181: {  	v5 =	vld [tilespmem:s22+$0x100]  }
0x182: {  	v1 =	vld.idx.msk [tilespmem:v1+s6+$0x0], $0xffff  }
0x183: {  	v7 =	vadd.s32 $0x78, v7;
	v3 =	vld.idx.msk [tilespmem:v3+s6+$0x0], $0xffff  }
0x184: {  	v6 =	vadd.s32 $0x78, v6;
	v7 =	vmin.u32 v7, $0xF0;
	v4 =	vld.idx.msk [tilespmem:v4+s6+$0x0], $0xffff  }
0x185: {  	v8 =	vadd.s32 $0x78, v8;
	v6 =	vmin.u32 v6, $0xF0;
	v2 =	vld.idx.msk [tilespmem:v2+s6+$0x0], $0xffff  }
0x186: {  	v15 =	vld [tilespmem:s5+$0x4130];
	v14 =	vmin.u32 v8, $0xF0;
	v5 =	vadd.s32 $0x78, v5  }
0x187: {  	v16 =	vld [tilespmem:s5+$0x4140];
	v17 =	vmin.u32 v5, $0xF0;
	[tilespmem:s10+$0x8100] =	vst v1;
	v1 =	vadd.s32 $0x78, v10  }
0x188: {  	v8 =	vadd.s32 $0x78, v11;
	[tilespmem:s3+$0xC100] =	vst v3;
	v5 =	vld [tilespmem:s5+$0x4150];
	v10 =	vmin.u32 v1, $0xF0  }
0x189: {  	v8 =	vmin.u32 v8, $0xF0;
	v3 =	vld.idx.msk [tilespmem:v7+s6+$0x0], $0xffff;
	[tilespmem:s3+$0xC110] =	vst v4;
	v1 =	vadd.s32 $0x78, v12  }
0x18a: {  	[tilespmem:s2+$0x8100] =	vst v2;
	v2 =	vld.idx.msk [tilespmem:v6+s6+$0x0], $0xffff;
	v6 =	vmin.u32 v1, $0xF0;
	v1 =	vadd.s32 $0x78, v13  }
0x18b: {  	v7 =	vadd.s32 $0x78, v15;
	v4 =	vld.idx.msk [tilespmem:v14+s6+$0x0], $0xffff;
	[tilespmem:s3+$0xC120] =	vst v9;
	v9 =	vmin.u32 v1, $0xF0  }
0x18c: {  	s0 =	simm.s32 $0x8;
	v11 =	vadd.s32 $0x78, v16;
	s2 =	simm.s32 $0x2;
	v1 =	vmin.u32 v7, $0xF0;
	v7 =	vld.idx.msk [tilespmem:v17+s6+$0x0], $0xffff  }
.LBB2_27:
0x18d: {  	s10 =	sand.u32 $0x3, s2;
	s0 =	sadd.s32 $0x8, s0;
	v11 =	vmin.u32 v11, $0xF0;
	v5 =	vadd.s32 $0x78, v5;
	v10 =	vld.idx.msk [tilespmem:v10+s6+$0x0], $0xffff;
	s26 =	sadd.s32 $0x400, s26  }
0x18e: {  	s28 =	sadd.s32 $0x20, s28;
	s10 =	sshll.u32 s10, $0xA;
	p2 =	slt.u32 s0, $0xF8;
	v8 =	vld.idx.msk [tilespmem:v8+s6+$0x0], $0xffff;
	v12 =	vmin.u32 v5, $0xF0  }
0x18f: {  	s13 =	sand.u32 $0xC00, s26;
	s23 =	sand.u32 $0x380, s28;
	s10 =	sadd.s32 s10, s28;
	v5 =	vld.idx.msk [tilespmem:v6+s6+$0x0], $0xffff;
	[tilespmem:s3+$0xC130] =	vst v2  }
0x190: {  	s13 =	sor.u32 s23, s13;
	s23 =	sor.u32 $0x4060, s10;
	s10 =	sor.u32 $0x4070, s10;
	v2 =	vld.idx.msk [tilespmem:v9+s6+$0x0], $0xffff;
	[tilespmem:s3+$0xC140] =	vst v3  }
0x191: {  	v3 =	vld [tilespmem:s10+$0x100];
	[tilespmem:s3+$0xC150] =	vst v4;
	s3 =	smov.u32 s5;
	s5 =	smov.u32 s13  }
0x192: {  	v4 =	vld [tilespmem:s23+$0x100];
	[tilespmem:s22+$0x8100] =	vst v7;
	s22 =	smov.u32 s10  }
0x193: {  	v6 =	vld [tilespmem:s5+$0x4100];
	[tilespmem:s25+$0x8100] =	vst v10;
	s25 =	smov.u32 s23  }
0x194: {  	v7 =	vld [tilespmem:s5+$0x4110];
	[tilespmem:s3+$0xC100] =	vst v8  }
0x195: {  	v9 =	vld [tilespmem:s5+$0x4120];
	[tilespmem:s3+$0xC110] =	vst v5  }
0x196: {  	v13 =	vld [tilespmem:s5+$0x4130];
	v3 =	vadd.s32 $0x78, v3;
	[tilespmem:s3+$0xC120] =	vst v2  }
0x197: {  	v14 =	vld [tilespmem:s5+$0x4140];
	v2 =	vadd.s32 $0x78, v4;
	v15 =	vmin.u32 v3, $0xF0  }
.Ltmp16:
0x198: {  	v3 =	vadd.s32 $0x78, v6;
	v5 =	vld [tilespmem:s5+$0x4150];
	v10 =	vmin.u32 v2, $0xF0;
	(pc) =	sbr.rel @p2 .LBB2_27-.Ltmp16, $4  }
0x199: {  	v8 =	vmin.u32 v3, $0xF0;
	v3 =	vadd.s32 $0x78, v7;
	v2 =	vld.idx.msk [tilespmem:v1+s6+$0x0], $0xffff  }
0x19a: {  	v6 =	vmin.u32 v3, $0xF0;
	v1 =	vadd.s32 $0x78, v9;
	v3 =	vld.idx.msk [tilespmem:v11+s6+$0x0], $0xffff  }
0x19b: {  	v9 =	vmin.u32 v1, $0xF0;
	v1 =	vadd.s32 $0x78, v13;
	v4 =	vld.idx.msk [tilespmem:v12+s6+$0x0], $0xffff  }
0x19c: {  	s2 =	sadd.s32 $0x1, s2;
	v1 =	vmin.u32 v1, $0xF0;
	v11 =	vadd.s32 $0x78, v14;
	v7 =	vld.idx.msk [tilespmem:v15+s6+$0x0], $0xffff  }
0x19d: {  	_ =	sdelay $0x3  }
0x19e: {  	v11 =	vmin.u32 v11, $0xF0;
	v5 =	vadd.s32 $0x78, v5;
	v10 =	vld.idx.msk [tilespmem:v10+s6+$0x0], $0xffff  }
0x19f: {  	v8 =	vld.idx.msk [tilespmem:v8+s6+$0x0], $0xffff;
	v5 =	vmin.u32 v5, $0xF0;
	[tilespmem:s3+$0xC130] =	vst v2  }
0x1a0: {  	v1 =	vld.idx.msk [tilespmem:v1+s6+$0x0], $0xffff;
	[tilespmem:s3+$0xC140] =	vst v3  }
0x1a1: {  	v2 =	vld.idx.msk [tilespmem:v6+s6+$0x0], $0xffff;
	[tilespmem:s3+$0xC150] =	vst v4  }
0x1a2: {  	v3 =	vld.idx.msk [tilespmem:v9+s6+$0x0], $0xffff;
	[tilespmem:s22+$0x8100] =	vst v7  }
0x1a3: {  	[tilespmem:s25+$0x8100] =	vst v10;
	v63 =	vld.idx.msk [tilespmem:v11+s6+$0x0], $0xffff  }
0x1a4: {  	[tilespmem:s5+$0xC100] =	vst v8;
	v5 =	vld.idx.msk [tilespmem:v5+s6+$0x0], $0xffff  }
0x1a5: {  	[tilespmem:s5+$0xC130] =	vst v1  }
0x1a6: {  	[tilespmem:s5+$0xC110] =	vst v2  }
0x1a7: {  	[tilespmem:s5+$0xC120] =	vst v3  }
.Ltmp17:
0x1a8: {  	[tilespmem:s5+$0xC140] =	vst v63;
	(pc) =	sbr.rel @p1 .LBB2_30-.Ltmp17, $4  }
0x1a9: {  	[tilespmem:s5+$0xC150] =	vst v5  }
0x1aa: {  	s0 =	rddreg [dreg:$0x1b]  }
0x1ab: {  	s2 =	simm.s32 $0xC100;
	s0 =	sadd.s32 s14, s0  }
0x1ac: {  	[hbm4b:s0+s6] =	stream.linear.scatter [tilespmem:s2], [sflag:$0xD], $0x1000, $0x38;
	[tilespmem:$0x10100] =	vst v63  }
.Ltmp18:
0x1ad: {  	(pc) =	sbr.rel .LBB2_31-.Ltmp18, $4  }
0x1ae: {  	_ = 	snop  }
0x1af: {  	_ =	swait.ge [sflag:s17], $0x1000  }
0x1b0: {  	[sflag:s17] =	ssyncset.done $0x0  }
0x1b1: {  	[sflag:s17] =	ssyncadd.s32 $0xFFFFF000  }
.LBB2_30:
0x1b2: {  	s0 =	rddreg [dreg:$0x11]  }
0x1b3: {  	s0 =	sadd.s32 s0, s19  }
0x1b4: {  	s0 =	sshrl.u32 s0, $0x3  }
.Ltmp19:
0x1b5: {  	s2 =	simm.s32 $0x4100;
	s0 =	sadd.s32 s1, s0;
	(pc) =	sbr.rel @p0 .LBB2_32-.Ltmp19, $4  }
0x1b6: {  	[tilespmem:s2], [sflag:$0x5] =	stream.linear.gather [hbm4b:s0+s6], $0x1000, $0x38;
	[tilespmem:$0x10100] =	vst v63  }
0x1b7: {  	_ =	swait.ge [sflag:s17], $0x1000  }
0x1b8: {  	[sflag:s17] =	ssyncset.done $0x0  }
0x1b9: {  	[sflag:s17] =	ssyncadd.s32 $0xFFFFF000  }
.LBB2_31:
0x1ba: {  	s0 =	simm.s32 $0xE  }
0x1bb: {  	_ =	swait.ge [sflag:s0], $0x1000  }
0x1bc: {  	[sflag:s0] =	ssyncset.done $0x0  }
0x1bd: {  	[sflag:s0] =	ssyncadd.s32 $0xFFFFF000  }
.LBB2_32:
0x1be: {  	s0 =	simm.s32 $0x0  }
0x1bf: {  	s2 =	sand.u32 $0x3, s0;
	s3 =	sand.u32 $0xC00, s0;
	s0 =	sand.u32 $0x380, s0  }
0x1c0: {  	s3 =	sor.u32 s0, s3  }
0x1c1: {  	s2 =	sshll.u32 s2, $0xA;
	v3 =	vld [tilespmem:s3+$0x5100]  }
0x1c2: {  	s2 =	sadd.s32 $0x0, s2;
	v5 =	vld [tilespmem:s3+$0x5120]  }
0x1c3: {  	v4 =	vld [tilespmem:s3+$0x5110];
	s10 =	sor.u32 $0x5070, s2  }
0x1c4: {  	v1 =	vld [tilespmem:s10+$0x100]  }
0x1c5: {  	v6 =	vld [tilespmem:s3+$0x5130]  }
0x1c6: {  	s26 =	simm.s32 $0x400;
	s28 =	simm.s32 $0x20;
	v7 =	vld [tilespmem:s3+$0x5140];
	s2 =	sor.u32 $0x5060, s2  }
0x1c7: {  	s31 =	simm.s32 $0x1;
	s5 =	sand.u32 $0xC00, s26;
	s13 =	sand.u32 $0x380, s28;
	v2 =	vld [tilespmem:s2+$0x100];
	v5 =	vadd.s32 $0x78, v5  }
0x1c8: {  	s0 =	sand.u32 $0x3, s31;
	s5 =	sor.u32 s13, s5;
	v8 =	vld [tilespmem:s3+$0x5150];
	v5 =	vmin.u32 v5, $0xF0  }
0x1c9: {  	s0 =	sshll.u32 s0, $0xA;
	v11 =	vld [tilespmem:s5+$0x5100];
	v1 =	vadd.s32 $0x78, v1  }
0x1ca: {  	v12 =	vld [tilespmem:s5+$0x5110];
	s0 =	sadd.s32 $0x20, s0;
	v3 =	vadd.s32 $0x78, v3;
	v1 =	vmin.u32 v1, $0xF0  }
0x1cb: {  	v13 =	vld [tilespmem:s5+$0x5120];
	s25 =	sor.u32 $0x5060, s0;
	v4 =	vadd.s32 $0x78, v4;
	v3 =	vmin.u32 v3, $0xF0  }
0x1cc: {  	v10 =	vld [tilespmem:s25+$0x100];
	v4 =	vmin.u32 v4, $0xF0;
	v2 =	vadd.s32 $0x78, v2  }
0x1cd: {  	s22 =	sor.u32 $0x5070, s0;
	v2 =	vmin.u32 v2, $0xF0;
	v9 =	vld.idx.msk [tilespmem:v5+s6+$0x0], $0xffff  }
0x1ce: {  	v5 =	vld [tilespmem:s22+$0x100]  }
0x1cf: {  	v1 =	vld.idx.msk [tilespmem:v1+s6+$0x0], $0xffff  }
0x1d0: {  	v7 =	vadd.s32 $0x78, v7;
	v3 =	vld.idx.msk [tilespmem:v3+s6+$0x0], $0xffff  }
0x1d1: {  	v6 =	vadd.s32 $0x78, v6;
	v7 =	vmin.u32 v7, $0xF0;
	v4 =	vld.idx.msk [tilespmem:v4+s6+$0x0], $0xffff  }
0x1d2: {  	v8 =	vadd.s32 $0x78, v8;
	v6 =	vmin.u32 v6, $0xF0;
	v2 =	vld.idx.msk [tilespmem:v2+s6+$0x0], $0xffff  }
0x1d3: {  	v15 =	vld [tilespmem:s5+$0x5130];
	v14 =	vmin.u32 v8, $0xF0;
	v5 =	vadd.s32 $0x78, v5  }
0x1d4: {  	v16 =	vld [tilespmem:s5+$0x5140];
	v17 =	vmin.u32 v5, $0xF0;
	[tilespmem:s10+$0x8100] =	vst v1;
	v1 =	vadd.s32 $0x78, v10  }
0x1d5: {  	v8 =	vadd.s32 $0x78, v11;
	[tilespmem:s3+$0xD100] =	vst v3;
	v5 =	vld [tilespmem:s5+$0x5150];
	v10 =	vmin.u32 v1, $0xF0  }
0x1d6: {  	v8 =	vmin.u32 v8, $0xF0;
	v3 =	vld.idx.msk [tilespmem:v7+s6+$0x0], $0xffff;
	[tilespmem:s3+$0xD110] =	vst v4;
	v1 =	vadd.s32 $0x78, v12  }
0x1d7: {  	[tilespmem:s2+$0x8100] =	vst v2;
	v2 =	vld.idx.msk [tilespmem:v6+s6+$0x0], $0xffff;
	v6 =	vmin.u32 v1, $0xF0;
	v1 =	vadd.s32 $0x78, v13  }
0x1d8: {  	v7 =	vadd.s32 $0x78, v15;
	v4 =	vld.idx.msk [tilespmem:v14+s6+$0x0], $0xffff;
	[tilespmem:s3+$0xD120] =	vst v9;
	v9 =	vmin.u32 v1, $0xF0  }
0x1d9: {  	s0 =	simm.s32 $0x8;
	v11 =	vadd.s32 $0x78, v16;
	s2 =	simm.s32 $0x2;
	v1 =	vmin.u32 v7, $0xF0;
	v7 =	vld.idx.msk [tilespmem:v17+s6+$0x0], $0xffff  }
.LBB2_33:
0x1da: {  	s10 =	sand.u32 $0x3, s2;
	s0 =	sadd.s32 $0x8, s0;
	v11 =	vmin.u32 v11, $0xF0;
	v5 =	vadd.s32 $0x78, v5;
	v10 =	vld.idx.msk [tilespmem:v10+s6+$0x0], $0xffff;
	s26 =	sadd.s32 $0x400, s26  }
0x1db: {  	s28 =	sadd.s32 $0x20, s28;
	s10 =	sshll.u32 s10, $0xA;
	p2 =	slt.u32 s0, $0xF8;
	v8 =	vld.idx.msk [tilespmem:v8+s6+$0x0], $0xffff;
	v12 =	vmin.u32 v5, $0xF0  }
0x1dc: {  	s13 =	sand.u32 $0xC00, s26;
	s23 =	sand.u32 $0x380, s28;
	s10 =	sadd.s32 s10, s28;
	v5 =	vld.idx.msk [tilespmem:v6+s6+$0x0], $0xffff;
	[tilespmem:s3+$0xD130] =	vst v2  }
0x1dd: {  	s13 =	sor.u32 s23, s13;
	s23 =	sor.u32 $0x5060, s10;
	s10 =	sor.u32 $0x5070, s10;
	v2 =	vld.idx.msk [tilespmem:v9+s6+$0x0], $0xffff;
	[tilespmem:s3+$0xD140] =	vst v3  }
0x1de: {  	v3 =	vld [tilespmem:s10+$0x100];
	[tilespmem:s3+$0xD150] =	vst v4;
	s3 =	smov.u32 s5;
	s5 =	smov.u32 s13  }
0x1df: {  	v4 =	vld [tilespmem:s23+$0x100];
	[tilespmem:s22+$0x8100] =	vst v7;
	s22 =	smov.u32 s10  }
0x1e0: {  	v6 =	vld [tilespmem:s5+$0x5100];
	[tilespmem:s25+$0x8100] =	vst v10;
	s25 =	smov.u32 s23  }
0x1e1: {  	v7 =	vld [tilespmem:s5+$0x5110];
	[tilespmem:s3+$0xD100] =	vst v8  }
0x1e2: {  	v9 =	vld [tilespmem:s5+$0x5120];
	[tilespmem:s3+$0xD110] =	vst v5  }
0x1e3: {  	v13 =	vld [tilespmem:s5+$0x5130];
	v3 =	vadd.s32 $0x78, v3;
	[tilespmem:s3+$0xD120] =	vst v2  }
0x1e4: {  	v14 =	vld [tilespmem:s5+$0x5140];
	v2 =	vadd.s32 $0x78, v4;
	v15 =	vmin.u32 v3, $0xF0  }
.Ltmp20:
0x1e5: {  	v3 =	vadd.s32 $0x78, v6;
	v5 =	vld [tilespmem:s5+$0x5150];
	v10 =	vmin.u32 v2, $0xF0;
	(pc) =	sbr.rel @p2 .LBB2_33-.Ltmp20, $4  }
0x1e6: {  	v8 =	vmin.u32 v3, $0xF0;
	v3 =	vadd.s32 $0x78, v7;
	v2 =	vld.idx.msk [tilespmem:v1+s6+$0x0], $0xffff  }
0x1e7: {  	v6 =	vmin.u32 v3, $0xF0;
	v1 =	vadd.s32 $0x78, v9;
	v3 =	vld.idx.msk [tilespmem:v11+s6+$0x0], $0xffff  }
0x1e8: {  	v9 =	vmin.u32 v1, $0xF0;
	v1 =	vadd.s32 $0x78, v13;
	v4 =	vld.idx.msk [tilespmem:v12+s6+$0x0], $0xffff  }
0x1e9: {  	s2 =	sadd.s32 $0x1, s2;
	v1 =	vmin.u32 v1, $0xF0;
	v11 =	vadd.s32 $0x78, v14;
	v7 =	vld.idx.msk [tilespmem:v15+s6+$0x0], $0xffff  }
0x1ea: {  	_ =	sdelay $0x3  }
0x1eb: {  	v11 =	vmin.u32 v11, $0xF0;
	v5 =	vadd.s32 $0x78, v5;
	v10 =	vld.idx.msk [tilespmem:v10+s6+$0x0], $0xffff  }
0x1ec: {  	v8 =	vld.idx.msk [tilespmem:v8+s6+$0x0], $0xffff;
	v5 =	vmin.u32 v5, $0xF0;
	[tilespmem:s3+$0xD130] =	vst v2  }
0x1ed: {  	v1 =	vld.idx.msk [tilespmem:v1+s6+$0x0], $0xffff;
	[tilespmem:s3+$0xD140] =	vst v3  }
0x1ee: {  	v2 =	vld.idx.msk [tilespmem:v6+s6+$0x0], $0xffff;
	[tilespmem:s3+$0xD150] =	vst v4  }
0x1ef: {  	v3 =	vld.idx.msk [tilespmem:v9+s6+$0x0], $0xffff;
	[tilespmem:s22+$0x8100] =	vst v7  }
0x1f0: {  	[tilespmem:s25+$0x8100] =	vst v10;
	v63 =	vld.idx.msk [tilespmem:v11+s6+$0x0], $0xffff  }
0x1f1: {  	[tilespmem:s5+$0xD100] =	vst v8;
	v5 =	vld.idx.msk [tilespmem:v5+s6+$0x0], $0xffff  }
0x1f2: {  	[tilespmem:s5+$0xD130] =	vst v1  }
0x1f3: {  	[tilespmem:s5+$0xD110] =	vst v2  }
0x1f4: {  	[tilespmem:s5+$0xD120] =	vst v3  }
.Ltmp21:
0x1f5: {  	[tilespmem:s5+$0xD140] =	vst v63;
	(pc) =	sbr.rel @p1 .LBB2_36-.Ltmp21, $4  }
0x1f6: {  	[tilespmem:s5+$0xD150] =	vst v5  }
0x1f7: {  	s0 =	rddreg [dreg:$0x1c]  }
0x1f8: {  	s2 =	simm.s32 $0xD100;
	s0 =	sadd.s32 s14, s0  }
0x1f9: {  	[hbm4b:s0+s6] =	stream.linear.scatter [tilespmem:s2], [sflag:$0xE], $0x1000, $0x38;
	[tilespmem:$0x10100] =	vst v63  }
.Ltmp22:
0x1fa: {  	(pc) =	sbr.rel .LBB2_37-.Ltmp22, $4  }
0x1fb: {  	_ = 	snop  }
0x1fc: {  	_ =	swait.ge [sflag:s20], $0x1000  }
0x1fd: {  	[sflag:s20] =	ssyncset.done $0x0  }
0x1fe: {  	[sflag:s20] =	ssyncadd.s32 $0xFFFFF000  }
.LBB2_36:
0x1ff: {  	s0 =	rddreg [dreg:$0x12]  }
0x200: {  	s0 =	sadd.s32 s0, s19  }
0x201: {  	s0 =	sshrl.u32 s0, $0x3  }
.Ltmp23:
0x202: {  	s2 =	simm.s32 $0x5100;
	s0 =	sadd.s32 s1, s0;
	(pc) =	sbr.rel @p0 .LBB2_38-.Ltmp23, $4  }
0x203: {  	[tilespmem:s2], [sflag:$0x6] =	stream.linear.gather [hbm4b:s0+s6], $0x1000, $0x38;
	[tilespmem:$0x10100] =	vst v63  }
0x204: {  	_ =	swait.ge [sflag:s20], $0x1000  }
0x205: {  	[sflag:s20] =	ssyncset.done $0x0  }
0x206: {  	[sflag:s20] =	ssyncadd.s32 $0xFFFFF000  }
.LBB2_37:
0x207: {  	s0 =	simm.s32 $0xF  }
0x208: {  	_ =	swait.ge [sflag:s0], $0x1000  }
0x209: {  	[sflag:s0] =	ssyncset.done $0x0  }
0x20a: {  	[sflag:s0] =	ssyncadd.s32 $0xFFFFF000  }
.LBB2_38:
0x20b: {  	s0 =	simm.s32 $0x0  }
0x20c: {  	s2 =	sand.u32 $0x3, s0;
	s3 =	sand.u32 $0xC00, s0;
	s0 =	sand.u32 $0x380, s0  }
0x20d: {  	s3 =	sor.u32 s0, s3  }
0x20e: {  	s2 =	sshll.u32 s2, $0xA;
	v3 =	vld [tilespmem:s3+$0x6100]  }
0x20f: {  	s2 =	sadd.s32 $0x0, s2;
	v5 =	vld [tilespmem:s3+$0x6120]  }
0x210: {  	v4 =	vld [tilespmem:s3+$0x6110];
	s10 =	sor.u32 $0x6070, s2  }
0x211: {  	v1 =	vld [tilespmem:s10+$0x100]  }
0x212: {  	v6 =	vld [tilespmem:s3+$0x6130]  }
0x213: {  	s26 =	simm.s32 $0x400;
	s28 =	simm.s32 $0x20;
	v7 =	vld [tilespmem:s3+$0x6140];
	s2 =	sor.u32 $0x6060, s2  }
0x214: {  	s31 =	simm.s32 $0x1;
	s5 =	sand.u32 $0xC00, s26;
	s13 =	sand.u32 $0x380, s28;
	v2 =	vld [tilespmem:s2+$0x100];
	v5 =	vadd.s32 $0x78, v5  }
0x215: {  	s0 =	sand.u32 $0x3, s31;
	s5 =	sor.u32 s13, s5;
	v8 =	vld [tilespmem:s3+$0x6150];
	v5 =	vmin.u32 v5, $0xF0  }
0x216: {  	s0 =	sshll.u32 s0, $0xA;
	v11 =	vld [tilespmem:s5+$0x6100];
	v1 =	vadd.s32 $0x78, v1  }
0x217: {  	v12 =	vld [tilespmem:s5+$0x6110];
	s0 =	sadd.s32 $0x20, s0;
	v3 =	vadd.s32 $0x78, v3;
	v1 =	vmin.u32 v1, $0xF0  }
0x218: {  	v13 =	vld [tilespmem:s5+$0x6120];
	s25 =	sor.u32 $0x6060, s0;
	v4 =	vadd.s32 $0x78, v4;
	v3 =	vmin.u32 v3, $0xF0  }
0x219: {  	v10 =	vld [tilespmem:s25+$0x100];
	v4 =	vmin.u32 v4, $0xF0;
	v2 =	vadd.s32 $0x78, v2  }
0x21a: {  	s22 =	sor.u32 $0x6070, s0;
	v2 =	vmin.u32 v2, $0xF0;
	v9 =	vld.idx.msk [tilespmem:v5+s6+$0x0], $0xffff  }
0x21b: {  	v5 =	vld [tilespmem:s22+$0x100]  }
0x21c: {  	v1 =	vld.idx.msk [tilespmem:v1+s6+$0x0], $0xffff  }
0x21d: {  	v7 =	vadd.s32 $0x78, v7;
	v3 =	vld.idx.msk [tilespmem:v3+s6+$0x0], $0xffff  }
0x21e: {  	v6 =	vadd.s32 $0x78, v6;
	v7 =	vmin.u32 v7, $0xF0;
	v4 =	vld.idx.msk [tilespmem:v4+s6+$0x0], $0xffff  }
0x21f: {  	v8 =	vadd.s32 $0x78, v8;
	v6 =	vmin.u32 v6, $0xF0;
	v2 =	vld.idx.msk [tilespmem:v2+s6+$0x0], $0xffff  }
0x220: {  	v15 =	vld [tilespmem:s5+$0x6130];
	v14 =	vmin.u32 v8, $0xF0;
	v5 =	vadd.s32 $0x78, v5  }
0x221: {  	v16 =	vld [tilespmem:s5+$0x6140];
	v17 =	vmin.u32 v5, $0xF0;
	[tilespmem:s10+$0x8100] =	vst v1;
	v1 =	vadd.s32 $0x78, v10  }
0x222: {  	v8 =	vadd.s32 $0x78, v11;
	[tilespmem:s3+$0xE100] =	vst v3;
	v5 =	vld [tilespmem:s5+$0x6150];
	v10 =	vmin.u32 v1, $0xF0  }
0x223: {  	v8 =	vmin.u32 v8, $0xF0;
	v3 =	vld.idx.msk [tilespmem:v7+s6+$0x0], $0xffff;
	[tilespmem:s3+$0xE110] =	vst v4;
	v1 =	vadd.s32 $0x78, v12  }
0x224: {  	[tilespmem:s2+$0x8100] =	vst v2;
	v2 =	vld.idx.msk [tilespmem:v6+s6+$0x0], $0xffff;
	v6 =	vmin.u32 v1, $0xF0;
	v1 =	vadd.s32 $0x78, v13  }
0x225: {  	v7 =	vadd.s32 $0x78, v15;
	v4 =	vld.idx.msk [tilespmem:v14+s6+$0x0], $0xffff;
	[tilespmem:s3+$0xE120] =	vst v9;
	v9 =	vmin.u32 v1, $0xF0  }
0x226: {  	s0 =	simm.s32 $0x8;
	v11 =	vadd.s32 $0x78, v16;
	s2 =	simm.s32 $0x2;
	v1 =	vmin.u32 v7, $0xF0;
	v7 =	vld.idx.msk [tilespmem:v17+s6+$0x0], $0xffff  }
.LBB2_39:
0x227: {  	s10 =	sand.u32 $0x3, s2;
	s0 =	sadd.s32 $0x8, s0;
	v11 =	vmin.u32 v11, $0xF0;
	v5 =	vadd.s32 $0x78, v5;
	v10 =	vld.idx.msk [tilespmem:v10+s6+$0x0], $0xffff;
	s26 =	sadd.s32 $0x400, s26  }
0x228: {  	s28 =	sadd.s32 $0x20, s28;
	s10 =	sshll.u32 s10, $0xA;
	p2 =	slt.u32 s0, $0xF8;
	v8 =	vld.idx.msk [tilespmem:v8+s6+$0x0], $0xffff;
	v12 =	vmin.u32 v5, $0xF0  }
0x229: {  	s13 =	sand.u32 $0xC00, s26;
	s23 =	sand.u32 $0x380, s28;
	s10 =	sadd.s32 s10, s28;
	v5 =	vld.idx.msk [tilespmem:v6+s6+$0x0], $0xffff;
	[tilespmem:s3+$0xE130] =	vst v2  }
0x22a: {  	s13 =	sor.u32 s23, s13;
	s23 =	sor.u32 $0x6060, s10;
	s10 =	sor.u32 $0x6070, s10;
	v2 =	vld.idx.msk [tilespmem:v9+s6+$0x0], $0xffff;
	[tilespmem:s3+$0xE140] =	vst v3  }
0x22b: {  	v3 =	vld [tilespmem:s10+$0x100];
	[tilespmem:s3+$0xE150] =	vst v4;
	s3 =	smov.u32 s5;
	s5 =	smov.u32 s13  }
0x22c: {  	v4 =	vld [tilespmem:s23+$0x100];
	[tilespmem:s22+$0x8100] =	vst v7;
	s22 =	smov.u32 s10  }
0x22d: {  	v6 =	vld [tilespmem:s5+$0x6100];
	[tilespmem:s25+$0x8100] =	vst v10;
	s25 =	smov.u32 s23  }
0x22e: {  	v7 =	vld [tilespmem:s5+$0x6110];
	[tilespmem:s3+$0xE100] =	vst v8  }
0x22f: {  	v9 =	vld [tilespmem:s5+$0x6120];
	[tilespmem:s3+$0xE110] =	vst v5  }
0x230: {  	v13 =	vld [tilespmem:s5+$0x6130];
	v3 =	vadd.s32 $0x78, v3;
	[tilespmem:s3+$0xE120] =	vst v2  }
0x231: {  	v14 =	vld [tilespmem:s5+$0x6140];
	v2 =	vadd.s32 $0x78, v4;
	v15 =	vmin.u32 v3, $0xF0  }
.Ltmp24:
0x232: {  	v3 =	vadd.s32 $0x78, v6;
	v5 =	vld [tilespmem:s5+$0x6150];
	v10 =	vmin.u32 v2, $0xF0;
	(pc) =	sbr.rel @p2 .LBB2_39-.Ltmp24, $4  }
0x233: {  	v8 =	vmin.u32 v3, $0xF0;
	v3 =	vadd.s32 $0x78, v7;
	v2 =	vld.idx.msk [tilespmem:v1+s6+$0x0], $0xffff  }
0x234: {  	v6 =	vmin.u32 v3, $0xF0;
	v1 =	vadd.s32 $0x78, v9;
	v3 =	vld.idx.msk [tilespmem:v11+s6+$0x0], $0xffff  }
0x235: {  	v9 =	vmin.u32 v1, $0xF0;
	v1 =	vadd.s32 $0x78, v13;
	v4 =	vld.idx.msk [tilespmem:v12+s6+$0x0], $0xffff  }
0x236: {  	s2 =	sadd.s32 $0x1, s2;
	v1 =	vmin.u32 v1, $0xF0;
	v11 =	vadd.s32 $0x78, v14;
	v7 =	vld.idx.msk [tilespmem:v15+s6+$0x0], $0xffff  }
0x237: {  	_ =	sdelay $0x3  }
0x238: {  	v11 =	vmin.u32 v11, $0xF0;
	v5 =	vadd.s32 $0x78, v5;
	v10 =	vld.idx.msk [tilespmem:v10+s6+$0x0], $0xffff  }
0x239: {  	v8 =	vld.idx.msk [tilespmem:v8+s6+$0x0], $0xffff;
	v5 =	vmin.u32 v5, $0xF0;
	[tilespmem:s3+$0xE130] =	vst v2  }
0x23a: {  	v1 =	vld.idx.msk [tilespmem:v1+s6+$0x0], $0xffff;
	[tilespmem:s3+$0xE140] =	vst v3  }
0x23b: {  	v2 =	vld.idx.msk [tilespmem:v6+s6+$0x0], $0xffff;
	[tilespmem:s3+$0xE150] =	vst v4  }
0x23c: {  	v3 =	vld.idx.msk [tilespmem:v9+s6+$0x0], $0xffff;
	[tilespmem:s22+$0x8100] =	vst v7  }
0x23d: {  	[tilespmem:s25+$0x8100] =	vst v10;
	v63 =	vld.idx.msk [tilespmem:v11+s6+$0x0], $0xffff  }
0x23e: {  	[tilespmem:s5+$0xE100] =	vst v8;
	v5 =	vld.idx.msk [tilespmem:v5+s6+$0x0], $0xffff  }
0x23f: {  	[tilespmem:s5+$0xE130] =	vst v1  }
0x240: {  	[tilespmem:s5+$0xE110] =	vst v2  }
0x241: {  	[tilespmem:s5+$0xE120] =	vst v3  }
.Ltmp25:
0x242: {  	[tilespmem:s5+$0xE140] =	vst v63;
	(pc) =	sbr.rel @p1 .LBB2_42-.Ltmp25, $4  }
0x243: {  	[tilespmem:s5+$0xE150] =	vst v5  }
0x244: {  	s0 =	rddreg [dreg:$0x1d]  }
0x245: {  	s2 =	simm.s32 $0xE100;
	s0 =	sadd.s32 s14, s0  }
0x246: {  	[hbm4b:s0+s6] =	stream.linear.scatter [tilespmem:s2], [sflag:$0xF], $0x1000, $0x38;
	[tilespmem:$0x10100] =	vst v63  }
.Ltmp26:
0x247: {  	(pc) =	sbr.rel .LBB2_43-.Ltmp26, $4  }
0x248: {  	_ = 	snop  }
0x249: {  	_ =	swait.ge [sflag:s8], $0x1000  }
0x24a: {  	[sflag:s8] =	ssyncset.done $0x0  }
0x24b: {  	[sflag:s8] =	ssyncadd.s32 $0xFFFFF000  }
.LBB2_42:
0x24c: {  	s0 =	rddreg [dreg:$0x13]  }
0x24d: {  	s0 =	sadd.s32 s0, s19  }
0x24e: {  	s0 =	sshrl.u32 s0, $0x3  }
.Ltmp27:
0x24f: {  	s2 =	simm.s32 $0x6100;
	s0 =	sadd.s32 s1, s0;
	(pc) =	sbr.rel @p0 .LBB2_44-.Ltmp27, $4  }
0x250: {  	[tilespmem:s2], [sflag:$0x7] =	stream.linear.gather [hbm4b:s0+s6], $0x1000, $0x38;
	[tilespmem:$0x10100] =	vst v63  }
0x251: {  	_ =	swait.ge [sflag:s8], $0x1000  }
0x252: {  	[sflag:s8] =	ssyncset.done $0x0  }
0x253: {  	[sflag:s8] =	ssyncadd.s32 $0xFFFFF000  }
.LBB2_43:
0x254: {  	s0 =	simm.s32 $0x10  }
0x255: {  	_ =	swait.ge [sflag:s0], $0x1000  }
0x256: {  	[sflag:s0] =	ssyncset.done $0x0  }
0x257: {  	[sflag:s0] =	ssyncadd.s32 $0xFFFFF000  }
.LBB2_44:
0x258: {  	s0 =	simm.s32 $0x0  }
0x259: {  	s2 =	sand.u32 $0xFFFFFF80, s0  }
0x25a: {  	s10 =	sor.u32 $0x7070, s0;
	s2 =	sadd.s32 $0x0, s2  }
0x25b: {  	v1 =	vld [tilespmem:s10+$0x100];
	s13 =	sor.u32 $0x7050, s2  }
0x25c: {  	s23 =	sor.u32 $0x7000, s2;
	v2 =	vld [tilespmem:s13+$0x100]  }
0x25d: {  	s15 =	sor.u32 $0x7010, s2;
	v3 =	vld [tilespmem:s23+$0x100]  }
0x25e: {  	s18 =	sor.u32 $0x7020, s2;
	v4 =	vld [tilespmem:s15+$0x100]  }
0x25f: {  	s21 =	sor.u32 $0x7030, s2;
	v5 =	vld [tilespmem:s18+$0x100]  }
0x260: {  	v6 =	vld [tilespmem:s21+$0x100];
	v1 =	vadd.s32 $0x78, v1  }
0x261: {  	v1 =	vmin.u32 v1, $0xF0;
	v2 =	vadd.s32 $0x78, v2  }
0x262: {  	s12 =	simm.s32 $0x420;
	s25 =	sor.u32 $0x7060, s0;
	v3 =	vadd.s32 $0x78, v3;
	v2 =	vmin.u32 v2, $0xF0  }
0x263: {  	s22 =	sor.u32 $0x7070, s12;
	v8 =	vld [tilespmem:s25+$0x100];
	v4 =	vadd.s32 $0x78, v4;
	v3 =	vmin.u32 v3, $0xF0  }
0x264: {  	v9 =	vld [tilespmem:s22+$0x100];
	s3 =	sor.u32 $0x7040, s2;
	v5 =	vadd.s32 $0x78, v5;
	v4 =	vmin.u32 v4, $0xF0  }
0x265: {  	v7 =	vld [tilespmem:s3+$0x100];
	v6 =	vadd.s32 $0x78, v6;
	v5 =	vmin.u32 v5, $0xF0  }
0x266: {  	v6 =	vmin.u32 v6, $0xF0;
	v1 =	vld.idx.msk [tilespmem:v1+s6+$0x0], $0xffff  }
0x267: {  	v2 =	vld.idx.msk [tilespmem:v2+s6+$0x0], $0xffff  }
0x268: {  	s31 =	simm.s32 $0x20;
	v3 =	vld.idx.msk [tilespmem:v3+s6+$0x0], $0xffff  }
0x269: {  	s26 =	sand.u32 $0xFFFFFF80, s31;
	v4 =	vld.idx.msk [tilespmem:v4+s6+$0x0], $0xffff  }
0x26a: {  	s2 =	sadd.s32 $0x400, s26;
	v10 =	vld.idx.msk [tilespmem:v5+s6+$0x0], $0xffff  }
0x26b: {  	s26 =	sor.u32 $0x7050, s2;
	v11 =	vld.idx.msk [tilespmem:v6+s6+$0x0], $0xffff  }
0x26c: {  	s5 =	sor.u32 $0x7000, s2;
	v5 =	vadd.s32 $0x78, v7;
	v6 =	vld [tilespmem:s26+$0x100]  }
0x26d: {  	s28 =	sor.u32 $0x7010, s2;
	v12 =	vld [tilespmem:s5+$0x100];
	v7 =	vmin.u32 v5, $0xF0;
	[tilespmem:s10+$0x8100] =	vst v1  }
0x26e: {  	s29 =	sor.u32 $0x7020, s2;
	v13 =	vld [tilespmem:s28+$0x100];
	v1 =	vadd.s32 $0x78, v8;
	[tilespmem:s13+$0x8100] =	vst v2  }
0x26f: {  	s30 =	sor.u32 $0x7030, s2;
	v1 =	vmin.u32 v1, $0xF0;
	v2 =	vld [tilespmem:s29+$0x100];
	[tilespmem:s23+$0x8100] =	vst v3  }
0x270: {  	s2 =	sor.u32 $0x7040, s2;
	v3 =	vld [tilespmem:s30+$0x100];
	[tilespmem:s15+$0x8100] =	vst v4;
	v4 =	vadd.s32 $0x78, v9  }
0x271: {  	v5 =	vld [tilespmem:s2+$0x100];
	v8 =	vadd.s32 $0x78, v6;
	v6 =	vmin.u32 v4, $0xF0  }
0x272: {  	s0 =	sor.u32 $0x7060, s12;
	[tilespmem:s18+$0x8100] =	vst v10;
	v9 =	vadd.s32 $0x78, v12;
	v4 =	vld.idx.msk [tilespmem:v7+s6+$0x0], $0xffff;
	v7 =	vmin.u32 v8, $0xF0  }
0x273: {  	s10 =	simm.s32 $0x400;
	s23 =	simm.s32 $0x8;
	[tilespmem:s21+$0x8100] =	vst v11;
	v10 =	vadd.s32 $0x78, v13;
	s13 =	simm.s32 $0x840;
	v8 =	vmin.u32 v9, $0xF0;
	v9 =	vld [tilespmem:s0+$0x100]  }
.LBB2_45:
0x274: {  	s15 =	sor.u32 $0x7060, s13;
	s18 =	sor.u32 $0x7070, s13;
	v10 =	vmin.u32 v10, $0xF0;
	v2 =	vadd.s32 $0x78, v2;
	v11 =	vld.idx.msk [tilespmem:v1+s6+$0x0], $0xffff  }
0x275: {  	v12 =	vld [tilespmem:s18+$0x100];
	v2 =	vmin.u32 v2, $0xF0;
	v1 =	vadd.s32 $0x78, v3  }
0x276: {  	v3 =	vmin.u32 v1, $0xF0;
	v1 =	vadd.s32 $0x78, v5;
	v5 =	vld.idx.msk [tilespmem:v6+s6+$0x0], $0xffff  }
0x277: {  	v13 =	vmin.u32 v1, $0xF0;
	v6 =	vld.idx.msk [tilespmem:v7+s6+$0x0], $0xffff  }
0x278: {  	s31 =	sadd.s32 $0x20, s31;
	v7 =	vld.idx.msk [tilespmem:v8+s6+$0x0], $0xffff;
	v1 =	vadd.s32 $0x78, v9;
	[tilespmem:s3+$0x8100] =	vst v4;
	s3 =	smov.u32 s2  }
0x279: {  	s23 =	sadd.s32 $0x8, s23;
	s10 =	sadd.s32 $0x400, s10;
	s2 =	sand.u32 $0xFFFFFF80, s31;
	v4 =	vld.idx.msk [tilespmem:v10+s6+$0x0], $0xffff;
	v1 =	vmin.u32 v1, $0xF0  }
0x27a: {  	p0 =	slt.u32 s23, $0xF8;
	s2 =	sadd.s32 s2, s10;
	v8 =	vld.idx.msk [tilespmem:v2+s6+$0x0], $0xffff;
	[tilespmem:s25+$0x8100] =	vst v11;
	s25 =	smov.u32 s0  }
0x27b: {  	s21 =	sor.u32 $0x7000, s2;
	s11 =	sor.u32 $0x7010, s2;
	s7 =	sor.u32 $0x7050, s2;
	v9 =	vld.idx.msk [tilespmem:v3+s6+$0x0], $0xffff  }
0x27c: {  	s9 =	sor.u32 $0x7020, s2;
	s12 =	sor.u32 $0x7030, s2;
	s2 =	sor.u32 $0x7040, s2;
	v10 =	vld [tilespmem:s7+$0x100];
	[tilespmem:s22+$0x8100] =	vst v5  }
0x27d: {  	s0 =	smov.u32 s15;
	s22 =	smov.u32 s18;
	v11 =	vld [tilespmem:s21+$0x100];
	[tilespmem:s26+$0x8100] =	vst v6;
	s26 =	smov.u32 s7  }
0x27e: {  	v14 =	vld [tilespmem:s11+$0x100];
	[tilespmem:s5+$0x8100] =	vst v7;
	s5 =	smov.u32 s21  }
.Ltmp28:
0x27f: {  	v2 =	vld [tilespmem:s9+$0x100];
	[tilespmem:s28+$0x8100] =	vst v4;
	s28 =	smov.u32 s11;
	(pc) =	sbr.rel @p0 .LBB2_45-.Ltmp28, $4  }
0x280: {  	v4 =	vadd.s32 $0x78, v12;
	v3 =	vld [tilespmem:s12+$0x100];
	[tilespmem:s29+$0x8100] =	vst v8;
	s29 =	smov.u32 s9  }
0x281: {  	v6 =	vmin.u32 v4, $0xF0;
	v5 =	vld [tilespmem:s2+$0x100];
	v7 =	vadd.s32 $0x78, v10;
	[tilespmem:s30+$0x8100] =	vst v9;
	s30 =	smov.u32 s12  }
0x282: {  	v8 =	vadd.s32 $0x78, v11;
	v7 =	vmin.u32 v7, $0xF0;
	v4 =	vld.idx.msk [tilespmem:v13+s6+$0x0], $0xffff  }
0x283: {  	s13 =	sadd.s32 $0x420, s13;
	v8 =	vmin.u32 v8, $0xF0;
	v10 =	vadd.s32 $0x78, v14;
	v9 =	vld [tilespmem:s0+$0x100]  }
0x284: {  	_ =	sdelay $0x2  }
0x285: {  	v10 =	vmin.u32 v10, $0xF0;
	v2 =	vadd.s32 $0x78, v2  }
0x286: {  	v1 =	vld.idx.msk [tilespmem:v1+s6+$0x0], $0xffff;
	v2 =	vmin.u32 v2, $0xF0;
	v3 =	vadd.s32 $0x78, v3  }
0x287: {  	v6 =	vld.idx.msk [tilespmem:v6+s6+$0x0], $0xffff;
	v3 =	vmin.u32 v3, $0xF0;
	v5 =	vadd.s32 $0x78, v5  }
0x288: {  	v7 =	vld.idx.msk [tilespmem:v7+s6+$0x0], $0xffff;
	v5 =	vmin.u32 v5, $0xF0;
	v9 =	vadd.s32 $0x78, v9  }
0x289: {  	v8 =	vld.idx.msk [tilespmem:v8+s6+$0x0], $0xffff;
	v9 =	vmin.u32 v9, $0xF0  }
0x28a: {  	[tilespmem:s3+$0x8100] =	vst v4;
	v62 =	vld.idx.msk [tilespmem:v10+s6+$0x0], $0xffff  }
0x28b: {  	[tilespmem:s25+$0x8100] =	vst v1;
	v2 =	vld.idx.msk [tilespmem:v2+s6+$0x0], $0xffff  }
0x28c: {  	[tilespmem:s22+$0x8100] =	vst v6;
	v1 =	vld.idx.msk [tilespmem:v3+s6+$0x0], $0xffff  }
0x28d: {  	[tilespmem:s26+$0x8100] =	vst v7;
	v3 =	vld.idx.msk [tilespmem:v5+s6+$0x0], $0xffff  }
0x28e: {  	[tilespmem:s5+$0x8100] =	vst v8;
	v63 =	vld.idx.msk [tilespmem:v9+s6+$0x0], $0xffff  }
0x28f: {  	[tilespmem:s28+$0x8100] =	vst v62  }
0x290: {  	[tilespmem:s29+$0x8100] =	vst v2  }
0x291: {  	p0 =	seq.s32 s16, $0x2;
	[tilespmem:s30+$0x8100] =	vst v1  }
.Ltmp29:
0x292: {  	[tilespmem:s2+$0x8100] =	vst v3;
	(pc) =	sbr.rel @p0 .LBB2_48-.Ltmp29, $4  }
0x293: {  	[tilespmem:s0+$0x8100] =	vst v63  }
0x294: {  	s0 =	rddreg [dreg:$0x1e]  }
0x295: {  	s31 =	simm.s32 $0xF100;
	s0 =	sadd.s32 s14, s0  }
0x296: {  	[hbm4b:s0+s6] =	stream.linear.scatter [tilespmem:s31], [sflag:$0x10], $0x1000, $0x38;
	[tilespmem:$0x10100] =	vst v63  }
.Ltmp30:
0x297: {  	s0 =	rddreg [dreg:$0x14];
	(pc) =	sbr.rel .LBB2_2-.Ltmp30, $4  }
0x298: {  	s0 =	sadd.s32 s0, s19  }
0x299: {  	s0 =	sshrl.u32 s0, $0x3  }
0x29a: {  	s2 =	simm.s32 $0x7100;
	s16 =	sadd.s32 $0x1, s16;
	s0 =	sadd.s32 s1, s0  }
0x29b: {  	[tilespmem:s2], [sflag:$0x8] =	stream.linear.gather [hbm4b:s0+s6], $0x1000, $0x38;
	[tilespmem:$0x10100] =	vst v63  }
.LBB2_48:
0x29c: {  	s0 =	simm.s32 $0x0;
	s2 =	rddreg [dreg:$0x15];
	s3 =	simm.s32 $0x100  }
0x29d: {  	[tilespmem:s3], [sflag:$0x1] =	stream.linear.gather [hbm4b:s2+s0], $0x1000, $0x38;
	[tilespmem:$0x10100] =	vst v63  }
0x29e: {  	_ =	swait.ge [sflag:s24], $0x1000  }
0x29f: {  	[sflag:s24] =	ssyncset.done $0x0  }
0x2a0: {  	s11 =	simm.s32 $0x9;
	s29 =	sand.u32 $0x3, s0;
	[sflag:s24] =	ssyncadd.s32 $0xFFFFF000  }
0x2a1: {  	s2 =	sshll.u32 s29, $0xA;
	_ =	swait.ge [sflag:s11], $0x1000  }
0x2a2: {  	s30 =	sand.u32 $0xC00, s0;
	s2 =	sadd.s32 $0x0, s2;
	[sflag:s11] =	ssyncset.done $0x0  }
0x2a3: {  	s0 =	sand.u32 $0x380, s0;
	s7 =	sor.u32 $0x70, s2;
	[sflag:s11] =	ssyncadd.s32 $0xFFFFF000  }
0x2a4: {  	s3 =	sor.u32 s0, s30;
	v1 =	vld [tilespmem:s7+$0x100]  }
0x2a5: {  	s2 =	sor.u32 $0x60, s2;
	v5 =	vld [tilespmem:s3+$0x120]  }
0x2a6: {  	v2 =	vld [tilespmem:s2+$0x100]  }
0x2a7: {  	s31 =	simm.s32 $0x1;
	v3 =	vld [tilespmem:s3+$0x100]  }
0x2a8: {  	s0 =	sand.u32 $0x3, s31;
	v4 =	vld [tilespmem:s3+$0x110]  }
0x2a9: {  	s0 =	sshll.u32 s0, $0xA;
	v6 =	vld [tilespmem:s3+$0x130]  }
0x2aa: {  	s19 =	simm.s32 $0x400;
	s22 =	simm.s32 $0x20;
	s0 =	sadd.s32 $0x20, s0;
	v7 =	vld [tilespmem:s3+$0x140];
	v5 =	vadd.s32 $0x78, v5  }
0x2ab: {  	s5 =	sand.u32 $0xC00, s19;
	s9 =	sand.u32 $0x380, s22;
	s16 =	sor.u32 $0x60, s0;
	v8 =	vld [tilespmem:s3+$0x150];
	v5 =	vmin.u32 v5, $0xF0  }
0x2ac: {  	s5 =	sor.u32 s9, s5;
	v10 =	vld [tilespmem:s16+$0x100];
	v1 =	vadd.s32 $0x78, v1  }
0x2ad: {  	v11 =	vld [tilespmem:s5+$0x100];
	v2 =	vadd.s32 $0x78, v2;
	v1 =	vmin.u32 v1, $0xF0  }
0x2ae: {  	v12 =	vld [tilespmem:s5+$0x110];
	v3 =	vadd.s32 $0x78, v3;
	v2 =	vmin.u32 v2, $0xF0  }
0x2af: {  	v13 =	vld [tilespmem:s5+$0x120];
	v4 =	vadd.s32 $0x78, v4;
	v3 =	vmin.u32 v3, $0xF0  }
0x2b0: {  	s14 =	sor.u32 $0x70, s0;
	v4 =	vmin.u32 v4, $0xF0;
	v9 =	vld.idx.msk [tilespmem:v5+s6+$0x0], $0xffff  }
0x2b1: {  	v5 =	vld [tilespmem:s14+$0x100]  }
0x2b2: {  	v1 =	vld.idx.msk [tilespmem:v1+s6+$0x0], $0xffff  }
0x2b3: {  	v6 =	vadd.s32 $0x78, v6;
	v2 =	vld.idx.msk [tilespmem:v2+s6+$0x0], $0xffff  }
0x2b4: {  	v7 =	vadd.s32 $0x78, v7;
	v6 =	vmin.u32 v6, $0xF0;
	v3 =	vld.idx.msk [tilespmem:v3+s6+$0x0], $0xffff  }
0x2b5: {  	v8 =	vadd.s32 $0x78, v8;
	v7 =	vmin.u32 v7, $0xF0;
	v4 =	vld.idx.msk [tilespmem:v4+s6+$0x0], $0xffff  }
0x2b6: {  	v15 =	vld [tilespmem:s5+$0x130];
	v14 =	vmin.u32 v8, $0xF0;
	v5 =	vadd.s32 $0x78, v5  }
0x2b7: {  	v16 =	vld [tilespmem:s5+$0x140];
	[tilespmem:s7+$0x8100] =	vst v1;
	v1 =	vadd.s32 $0x78, v10;
	v17 =	vmin.u32 v5, $0xF0  }
0x2b8: {  	v8 =	vadd.s32 $0x78, v11;
	[tilespmem:s2+$0x8100] =	vst v2;
	v5 =	vld [tilespmem:s5+$0x150];
	v10 =	vmin.u32 v1, $0xF0  }
0x2b9: {  	v8 =	vmin.u32 v8, $0xF0;
	v2 =	vld.idx.msk [tilespmem:v6+s6+$0x0], $0xffff;
	[tilespmem:s3+$0x8100] =	vst v3;
	v1 =	vadd.s32 $0x78, v12  }
0x2ba: {  	v3 =	vld.idx.msk [tilespmem:v7+s6+$0x0], $0xffff;
	[tilespmem:s3+$0x8110] =	vst v4;
	v6 =	vmin.u32 v1, $0xF0;
	v1 =	vadd.s32 $0x78, v13  }
0x2bb: {  	v7 =	vadd.s32 $0x78, v15;
	v4 =	vld.idx.msk [tilespmem:v14+s6+$0x0], $0xffff;
	[tilespmem:s3+$0x8120] =	vst v9;
	v9 =	vmin.u32 v1, $0xF0  }
0x2bc: {  	s0 =	simm.s32 $0x8;
	v11 =	vadd.s32 $0x78, v16;
	s2 =	simm.s32 $0x2;
	v1 =	vmin.u32 v7, $0xF0;
	v7 =	vld.idx.msk [tilespmem:v17+s6+$0x0], $0xffff  }
.LBB2_49:
0x2bd: {  	s7 =	sand.u32 $0x3, s2;
	s0 =	sadd.s32 $0x8, s0;
	v11 =	vmin.u32 v11, $0xF0;
	v5 =	vadd.s32 $0x78, v5;
	v10 =	vld.idx.msk [tilespmem:v10+s6+$0x0], $0xffff;
	s19 =	sadd.s32 $0x400, s19  }
0x2be: {  	s22 =	sadd.s32 $0x20, s22;
	s7 =	sshll.u32 s7, $0xA;
	p0 =	slt.u32 s0, $0xF8;
	v8 =	vld.idx.msk [tilespmem:v8+s6+$0x0], $0xffff;
	v12 =	vmin.u32 v5, $0xF0  }
0x2bf: {  	s9 =	sand.u32 $0xC00, s19;
	s10 =	sand.u32 $0x380, s22;
	s7 =	sadd.s32 s7, s22;
	v5 =	vld.idx.msk [tilespmem:v6+s6+$0x0], $0xffff;
	[tilespmem:s3+$0x8130] =	vst v2  }
0x2c0: {  	s9 =	sor.u32 s10, s9;
	s10 =	sor.u32 $0x60, s7;
	s7 =	sor.u32 $0x70, s7;
	v2 =	vld.idx.msk [tilespmem:v9+s6+$0x0], $0xffff;
	[tilespmem:s3+$0x8140] =	vst v3  }
0x2c1: {  	v3 =	vld [tilespmem:s7+$0x100];
	[tilespmem:s3+$0x8150] =	vst v4;
	s3 =	smov.u32 s5;
	s5 =	smov.u32 s9  }
0x2c2: {  	v4 =	vld [tilespmem:s10+$0x100];
	[tilespmem:s14+$0x8100] =	vst v7;
	s14 =	smov.u32 s7  }
0x2c3: {  	v6 =	vld [tilespmem:s5+$0x100];
	[tilespmem:s16+$0x8100] =	vst v10;
	s16 =	smov.u32 s10  }
0x2c4: {  	v7 =	vld [tilespmem:s5+$0x110];
	[tilespmem:s3+$0x8100] =	vst v8  }
0x2c5: {  	v9 =	vld [tilespmem:s5+$0x120];
	[tilespmem:s3+$0x8110] =	vst v5  }
0x2c6: {  	v13 =	vld [tilespmem:s5+$0x130];
	v3 =	vadd.s32 $0x78, v3;
	[tilespmem:s3+$0x8120] =	vst v2  }
0x2c7: {  	v14 =	vld [tilespmem:s5+$0x140];
	v2 =	vadd.s32 $0x78, v4;
	v15 =	vmin.u32 v3, $0xF0  }
.Ltmp31:
0x2c8: {  	v3 =	vadd.s32 $0x78, v6;
	v5 =	vld [tilespmem:s5+$0x150];
	v10 =	vmin.u32 v2, $0xF0;
	(pc) =	sbr.rel @p0 .LBB2_49-.Ltmp31, $4  }
0x2c9: {  	v8 =	vmin.u32 v3, $0xF0;
	v3 =	vadd.s32 $0x78, v7;
	v2 =	vld.idx.msk [tilespmem:v1+s6+$0x0], $0xffff  }
0x2ca: {  	v6 =	vmin.u32 v3, $0xF0;
	v1 =	vadd.s32 $0x78, v9;
	v3 =	vld.idx.msk [tilespmem:v11+s6+$0x0], $0xffff  }
0x2cb: {  	v9 =	vmin.u32 v1, $0xF0;
	v1 =	vadd.s32 $0x78, v13;
	v4 =	vld.idx.msk [tilespmem:v12+s6+$0x0], $0xffff  }
0x2cc: {  	s2 =	sadd.s32 $0x1, s2;
	v1 =	vmin.u32 v1, $0xF0;
	v11 =	vadd.s32 $0x78, v14;
	v7 =	vld.idx.msk [tilespmem:v15+s6+$0x0], $0xffff  }
0x2cd: {  	_ =	sdelay $0x3  }
0x2ce: {  	v11 =	vmin.u32 v11, $0xF0;
	v5 =	vadd.s32 $0x78, v5;
	v10 =	vld.idx.msk [tilespmem:v10+s6+$0x0], $0xffff  }
0x2cf: {  	v8 =	vld.idx.msk [tilespmem:v8+s6+$0x0], $0xffff;
	v5 =	vmin.u32 v5, $0xF0;
	[tilespmem:s3+$0x8130] =	vst v2  }
0x2d0: {  	v1 =	vld.idx.msk [tilespmem:v1+s6+$0x0], $0xffff;
	[tilespmem:s3+$0x8140] =	vst v3  }
0x2d1: {  	v2 =	vld.idx.msk [tilespmem:v6+s6+$0x0], $0xffff;
	[tilespmem:s3+$0x8150] =	vst v4  }
0x2d2: {  	v3 =	vld.idx.msk [tilespmem:v9+s6+$0x0], $0xffff;
	[tilespmem:s14+$0x8100] =	vst v7  }
0x2d3: {  	[tilespmem:s16+$0x8100] =	vst v10;
	v63 =	vld.idx.msk [tilespmem:v11+s6+$0x0], $0xffff  }
0x2d4: {  	[tilespmem:s5+$0x8100] =	vst v8;
	v5 =	vld.idx.msk [tilespmem:v5+s6+$0x0], $0xffff  }
0x2d5: {  	[tilespmem:s5+$0x8130] =	vst v1  }
0x2d6: {  	[tilespmem:s5+$0x8110] =	vst v2  }
0x2d7: {  	[tilespmem:s5+$0x8120] =	vst v3  }
0x2d8: {  	[tilespmem:s5+$0x8140] =	vst v63  }
0x2d9: {  	[tilespmem:s5+$0x8150] =	vst v5  }
0x2da: {  	s2 =	simm.s32 $0x8100;
	s21 =	simm.s32 $0xA;
	s0 =	rddreg [dreg:$0x16]  }
0x2db: {  	[hbm4b:s0+s6] =	stream.linear.scatter [tilespmem:s2], [sflag:$0x9], $0x1000, $0x38;
	[tilespmem:$0x10100] =	vst v63  }
0x2dc: {  	_ =	swait.ge [sflag:s21], $0x1000  }
0x2dd: {  	[sflag:s21] =	ssyncset.done $0x0  }
0x2de: {  	s22 =	simm.s32 $0xB;
	[sflag:s21] =	ssyncadd.s32 $0xFFFFF000  }
0x2df: {  	_ =	swait.ge [sflag:s22], $0x1000  }
0x2e0: {  	[sflag:s22] =	ssyncset.done $0x0  }
0x2e1: {  	s23 =	simm.s32 $0xC;
	[sflag:s22] =	ssyncadd.s32 $0xFFFFF000  }
0x2e2: {  	_ =	swait.ge [sflag:s23], $0x1000  }
0x2e3: {  	[sflag:s23] =	ssyncset.done $0x0  }
0x2e4: {  	s25 =	simm.s32 $0xD;
	[sflag:s23] =	ssyncadd.s32 $0xFFFFF000  }
0x2e5: {  	_ =	swait.ge [sflag:s25], $0x1000  }
0x2e6: {  	[sflag:s25] =	ssyncset.done $0x0  }
0x2e7: {  	s26 =	simm.s32 $0xE;
	[sflag:s25] =	ssyncadd.s32 $0xFFFFF000  }
0x2e8: {  	_ =	swait.ge [sflag:s26], $0x1000  }
0x2e9: {  	[sflag:s26] =	ssyncset.done $0x0  }
0x2ea: {  	s28 =	simm.s32 $0xF;
	[sflag:s26] =	ssyncadd.s32 $0xFFFFF000  }
0x2eb: {  	_ =	swait.ge [sflag:s28], $0x1000  }
0x2ec: {  	[sflag:s28] =	ssyncset.done $0x0  }
0x2ed: {  	s29 =	simm.s32 $0x10;
	[sflag:s28] =	ssyncadd.s32 $0xFFFFF000  }
0x2ee: {  	_ =	swait.ge [sflag:s29], $0x1000  }
0x2ef: {  	[sflag:s29] =	ssyncset.done $0x0  }
0x2f0: {  	[sflag:s29] =	ssyncadd.s32 $0xFFFFF000  }
0x2f1: {  	_ =	swait.ge [sflag:s11], $0x1000  }
0x2f2: {  	s30 =	rddreg [dreg:$0x1f]  }
0x2f3: {  	s31 =	rddreg [dreg:$0x17];
	s2 =	sadd.s32 $0x1, s30  }
0x2f4: {  	p0 =	sne.s32 s2, s31  }
.Ltmp32:
0x2f5: {  	_ = 	snop;
	(pc) =	sbr.rel @p0 .LBB2_1-.Ltmp32, $3  }
0x2f6: {  	_ =	sdelay $0x1  }
0x2f7: {  	[sflag:s11] =	ssyncset.done $0x0  }
0x2f8: {  	[sflag:s11] =	ssyncadd.s32 $0xFFFFF000  }
0x2f9: {  	_ =	sfence.sel $0x180000  }
0x2fa: {  	[bflag:$0x0] =	sbarrier.arrive $0xFFFF  }
0x2fb: {  	_ =	strace $0x90000047  }
0x2fc: {  	s0 =	stileid.u32;
	[bflag:$0x2] =	sbarrier.arrive $0xFFFF  }
0x2fd: {  	p0 =	sne.s32 s0, $0x0;
	s0 =	rddreg [dreg:$0x3]  }
0x2fe: {  	s0 =	sadd.s32 @!p0 $0x100000, s0  }
0x2ff: {  	[sflag:s0] =	ssyncadd.tile.s32 @!p0 $0x1;
	_ =	shalt  }
.Lfunc_end2:
_tile_overlayer_lowered:
.L_overlay_start_2:
0x300: {  	(tag) =	ssettag $0x2  }
0x301: {  	s0 =	rddreg [dreg:$0x0];
	s2 =	stileid.u32  }
0x302: {  	s1 =	rddreg [dreg:$0x1];
	p0 =	sne.s32 s2, $0x0  }
0x303: {  	s3 =	rddreg [dreg:$0x2];
	[bflag:$0x3] =	sbarrier.arrive $0xFFFF;
	s2 =	simm.s32 @!p0 $0x1C11  }
0x304: {  	[timem:s3], [sflag:s2] =	dma.local @!p0 [hbm:s0], s1  }
0x305: {  	s0 =	simm.s32 @!p0 $0x11  }
0x306: {  	_ =	swait.ge @!p0 [sflag:s0], s1  }
0x307: {  	s1 =	ssub.s32 @!p0 $0x0, s1;
	[sflag:s0] =	ssyncset.done @!p0 $0x0  }
0x308: {  	[sflag:s0] =	ssyncadd.s32 @!p0 s1  }
0x309: {  	[bflag:$0x3] =	sbarrier.arrive $0xFFFF  }
0x30a: {  	_ =	shalt  }

</sc_bundles>
